<compile_context>
chip_gen: v7x
topology: tpu7x:2x2x1
jax: 0.10.2.dev20260603
libtpu: 0.0.44.dev20260713+nightly
codegen_flags: <defaults>
</compile_context>

<pallas_src>
import functools

import jax
import jax.numpy as jnp
from jax import lax
from jax.experimental import pallas as pl
from jax.experimental.pallas import tpu as pltpu
from jax.experimental.pallas import tpu_sc as plsc

B, L, H, V = 1024, 200, 64, 1000002
VH = V // 2

NC, NS = 2, 16
NW = NC * NS
UB = 128
BPL = B // UB
NUNITS = L * BPL
UPW = NUNITS // NW

_sc_mesh = plsc.VectorSubcoreMesh(core_axis_name="c", subcore_axis_name="s")


@functools.partial(
    pl.kernel,
    mesh=_sc_mesh,
    out_type=jax.ShapeDtypeStruct((L, H, B), jnp.float32),
    scratch_types=[
        pltpu.VMEM((2, 8, B), jnp.int32),
        pltpu.VMEM((2, UB), jnp.int32),
        pltpu.VMEM((2, UB), jnp.int32),
        pltpu.VMEM((2, UB, 128), jnp.float32),
        pltpu.VMEM((2, H, UB), jnp.float32),
        pltpu.VMEM((L, H), jnp.float32),
        [pltpu.SemaphoreType.DMA] * 2,
        [pltpu.SemaphoreType.DMA] * 2,
    ],
    compiler_params=pltpu.CompilerParams(needs_layout_passes=False),
)
def _embed_sc(x_hbm, tw_hbm, pos_hbm, out_hbm,
              idxg, idxs, colb, rows, outb, pos_v, gsem, ssem):
    wid = lax.axis_index("s") * NC + lax.axis_index("c")
    u0 = wid * UPW
    pltpu.sync_copy(pos_hbm, pos_v)
    ga = (u0 // BPL) // 8
    gb = ((u0 + UPW - 1) // BPL) // 8
    pltpu.sync_copy(x_hbm.at[ga], idxg.at[0])
    pltpu.sync_copy(x_hbm.at[gb], idxg.at[1])

    def prep(i, s):
        u = u0 + i
        l = u // BPL
        b0 = (u % BPL) * UB
        gi = (l // 8) - ga
        lr = l % 8
        for k in range(UB // 16):
            sl = pl.ds(k * 16, 16)
            vraw = idxg[gi, lr, pl.ds(b0 + k * 16, 16)]
            idxs[s, sl] = lax.shift_right_logical(vraw, 1)
            colb[s, sl] = lax.shift_left(vraw & 1, 6)
        pltpu.async_copy(tw_hbm.at[idxs.at[s]], rows.at[s], gsem[s])

    def consume(i, s):
        u = u0 + i
        l = u // BPL
        b0 = (u % BPL) * UB
        pltpu.make_async_copy(tw_hbm.at[idxs.at[s]], rows.at[s],
                              gsem[s]).wait()

        @pl.when(i >= 2)
        def _():
            pltpu.make_async_copy(outb.at[s], out_hbm.at[0, :, pl.ds(0, UB)],
                                  ssem[s]).wait()

        lsp = jnp.full((16,), l, jnp.int32)

        @plsc.parallel_loop(0, H)
        def hloop(h):
            hsp = jnp.full((16,), h, jnp.int32)
            psp = plsc.load_gather(pos_v, [lsp, hsp])
            for bb in range(UB // 16):
                rid = lax.iota(jnp.int32, 16) + (bb * 16)
                cid = colb[s, pl.ds(bb * 16, 16)] + h
                vals = plsc.load_gather(rows.at[s], [rid, cid])
                outb[s, h, pl.ds(bb * 16, 16)] = vals + psp

        pltpu.async_copy(outb.at[s], out_hbm.at[l, :, pl.ds(b0, UB)], ssem[s])

    prep(0, 0)

    def pair(ii, carry):
        i = ii * 2
        prep(i + 1, 1)
        consume(i, 0)

        @pl.when(i + 2 < UPW)
        def _():
            prep(i + 2, 0)

        consume(i + 1, 1)
        return carry

    lax.fori_loop(0, UPW // 2, pair, 0)
    for s in range(2):
        pltpu.make_async_copy(outb.at[s], out_hbm.at[0, :, pl.ds(0, UB)],
                              ssem[s]).wait()


def _mask_body(xT_ref, m_ref):
    m_ref[0, 0] = xT_ref[...] > 0


_mask_tc = pl.pallas_call(
    _mask_body,
    grid=(L,),
    in_specs=[pl.BlockSpec((L, B), lambda i: (0, 0))],
    out_specs=pl.BlockSpec((1, 1, L, B), lambda i: (0, i, 0, 0)),
    out_shape=jax.ShapeDtypeStruct((1, L, L, B), jnp.bool_),
)


def kernel(x, token_w, pos_w):
    xT = x.T
    xT3 = xT.reshape(L // 8, 8, B)
    tw128 = token_w.reshape(VH, 128)
    out_t = _embed_sc(xT3, tw128, pos_w)
    maskT = _mask_tc(xT)
    out = jnp.transpose(out_t, (2, 0, 1))
    mask = jnp.transpose(maskT, (3, 0, 1, 2))
    return out, mask

# --- scband reference (transcript-rebuilt; emitter-appended) ---
"""Pipeline reference for scband-sasembedding-57320633532929 (READ-ONLY COPY).

The authoritative reference and input builder live on the scoring server;
editing this copy changes nothing except your own understanding.
"""

import jax, jax.numpy as jnp
import numpy as np

B, L, H, V = 1024, 200, 64, 1000002

def setup_inputs(seed: int = 0) -> dict:
    key = jax.random.key(seed)
    k1, k2, k3 = jax.random.split(key, 3)
    x = jax.random.randint(k1, (B, L), 0, V, dtype=jnp.int32)
    token_w = jax.random.normal(k2, (V, H), dtype=jnp.float32) * 0.02
    pos_w = jax.random.normal(k3, (L, H), dtype=jnp.float32) * 0.02
    return {"x": x, "token_w": token_w, "pos_w": pos_w}

def reference(x, token_w, pos_w):
    # mask = (x > 0).unsqueeze(1).repeat(1, L, 1).unsqueeze(1) -> [B, 1, L, L]
    seq_len = x.shape[1]
    mask = (x > 0)[:, None, :]                      # [B, 1, L]
    mask = jnp.repeat(mask, seq_len, axis=1)        # [B, L, L]
    mask = mask[:, None, :, :]                      # [B, 1, L, L]
    # token embedding lookup (gather) + learned positional embedding broadcast
    tok = jnp.take(token_w, x, axis=0)              # [B, L, H]
    pos = jnp.broadcast_to(pos_w[None, :, :], (x.shape[0], pos_w.shape[0], pos_w.shape[1]))
    out = tok + pos
    # dropout is identity in eval mode
    return (out, mask)

if __name__ == "__main__":
    import jax
    _d = setup_inputs()
    print(jax.jit(kernel)(*tuple(_d.values())))

</pallas_src>

<mosaic_0001>
#map = affine_map<(d0, d1) -> (0, 0, 0)>
#map1 = affine_map<(d0, d1) -> (0, 0)>
module attributes {stable_mosaic.version = 14 : i64} {
  func.func @_embed_sc(%arg0: i32, %arg1: i32, %arg2: memref<25x8x1024xi32, #tpu.memory_space<hbm>>, %arg3: memref<500001x128xf32, #tpu.memory_space<hbm>>, %arg4: memref<200x64xf32, #tpu.memory_space<hbm>>, %arg5: memref<200x64x1024xf32, #tpu.memory_space<hbm>>, %arg6: memref<2x8x1024xi32, #tpu.memory_space<vmem>>, %arg7: memref<2x128xi32, #tpu.memory_space<vmem>>, %arg8: memref<2x128xi32, #tpu.memory_space<vmem>>, %arg9: memref<2x128x128xf32, #tpu.memory_space<vmem>>, %arg10: memref<2x64x128xf32, #tpu.memory_space<vmem>>, %arg11: memref<200x64xf32, #tpu.memory_space<vmem>>, %arg12: memref<!tpu.dma_semaphore, #tpu.memory_space<semaphore_mem>>, %arg13: memref<!tpu.dma_semaphore, #tpu.memory_space<semaphore_mem>>, %arg14: memref<!tpu.dma_semaphore, #tpu.memory_space<semaphore_mem>>, %arg15: memref<!tpu.dma_semaphore, #tpu.memory_space<semaphore_mem>>) attributes {dimension_semantics = [#tpu.dimension_semantics<core_parallel>, #tpu.dimension_semantics<subcore_parallel>], iteration_bounds = array<i64: 2, 16>, scalar_prefetch = 0 : i64, scratch_operands = 10 : i64, tpu.core_type = #tpu.core_type<sc_vector_subcore>, window_params = [{transform_indices = #map}, {transform_indices = #map1}, {transform_indices = #map1}, {transform_indices = #map}]} {
    %mul3A = arith.constant 2 : i32
    %mul3A_0 = arith.muli %arg1, %mul3A : i32
    %add3A = arith.addi %mul3A_0, %arg0 : i32
    %mul3A_1 = arith.constant 50 : i32
    %mul3A_2 = arith.muli %add3A, %mul3A_1 : i32
    "tpu.region"() ({
      %run_scoped3A_410 = tpu.sem_alloc : memref<!tpu.dma_semaphore, #tpu.memory_space<semaphore_mem>>
      tpu.enqueue_dma source(%arg4 : memref<200x64xf32, #tpu.memory_space<hbm>>) target(%arg11 : memref<200x64xf32, #tpu.memory_space<vmem>>) target_semaphore(%run_scoped3A_410 : memref<!tpu.dma_semaphore, #tpu.memory_space<semaphore_mem>>)
      tpu.wait_dma2 semaphore(%run_scoped3A_410 : memref<!tpu.dma_semaphore, #tpu.memory_space<semaphore_mem>>) src(%arg4 : memref<200x64xf32, #tpu.memory_space<hbm>>) dst(%arg11 : memref<200x64xf32, #tpu.memory_space<vmem>>)
      tpu.yield
    }) : () -> ()
    %jit3A = arith.constant 8 : i32
    %div3A = arith.divsi %mul3A_2, %jit3A : i32
    %sign3A = arith.constant 0 : i32
    %sign3A_3 = arith.cmpi sgt, %mul3A_2, %sign3A : i32
    %sign3A_4 = arith.extui %sign3A_3 : i1 to i32
    %sign3A_5 = arith.constant 0 : i32
    %sign3A_6 = arith.cmpi slt, %mul3A_2, %sign3A_5 : i32
    %sign3A_7 = arith.extui %sign3A_6 : i1 to i32
    %sign3A_8 = arith.subi %sign3A_4, %sign3A_7 : i32
    %sign3A_9 = arith.constant 0 : i32
    %sign3A_10 = arith.cmpi sgt, %jit3A, %sign3A_9 : i32
    %sign3A_11 = arith.extui %sign3A_10 : i1 to i32
    %sign3A_12 = arith.constant 0 : i32
    %sign3A_13 = arith.cmpi slt, %jit3A, %sign3A_12 : i32
    %sign3A_14 = arith.extui %sign3A_13 : i1 to i32
    %sign3A_15 = arith.subi %sign3A_11, %sign3A_14 : i32
    %ne3A = arith.cmpi ne, %sign3A_8, %sign3A_15 : i32
    %rem3A = arith.remsi %mul3A_2, %jit3A : i32
    %ne3A_16 = arith.constant 0 : i32
    %ne3A_17 = arith.cmpi ne, %rem3A, %ne3A_16 : i32
    %and3A = arith.andi %ne3A, %ne3A_17 : i1
    %sub3A = arith.constant 1 : i32
    %sub3A_18 = arith.subi %div3A, %sub3A : i32
    %select_n3A = arith.select %and3A, %sub3A_18, %div3A : i32
    %jit3A_19 = arith.constant 8 : i32
    %div3A_20 = arith.divsi %select_n3A, %jit3A_19 : i32
    %sign3A_21 = arith.constant 0 : i32
    %sign3A_22 = arith.cmpi sgt, %select_n3A, %sign3A_21 : i32
    %sign3A_23 = arith.extui %sign3A_22 : i1 to i32
    %sign3A_24 = arith.constant 0 : i32
    %sign3A_25 = arith.cmpi slt, %select_n3A, %sign3A_24 : i32
    %sign3A_26 = arith.extui %sign3A_25 : i1 to i32
    %sign3A_27 = arith.subi %sign3A_23, %sign3A_26 : i32
    %sign3A_28 = arith.constant 0 : i32
    %sign3A_29 = arith.cmpi sgt, %jit3A_19, %sign3A_28 : i32
    %sign3A_30 = arith.extui %sign3A_29 : i1 to i32
    %sign3A_31 = arith.constant 0 : i32
    %sign3A_32 = arith.cmpi slt, %jit3A_19, %sign3A_31 : i32
    %sign3A_33 = arith.extui %sign3A_32 : i1 to i32
    %sign3A_34 = arith.subi %sign3A_30, %sign3A_33 : i32
    %ne3A_35 = arith.cmpi ne, %sign3A_27, %sign3A_34 : i32
    %rem3A_36 = arith.remsi %select_n3A, %jit3A_19 : i32
    %ne3A_37 = arith.constant 0 : i32
    %ne3A_38 = arith.cmpi ne, %rem3A_36, %ne3A_37 : i32
    %and3A_39 = arith.andi %ne3A_35, %ne3A_38 : i1
    %sub3A_40 = arith.constant 1 : i32
    %sub3A_41 = arith.subi %div3A_20, %sub3A_40 : i32
    %select_n3A_42 = arith.select %and3A_39, %sub3A_41, %div3A_20 : i32
    %add3A_43 = arith.constant 50 : i32
    %add3A_44 = arith.addi %mul3A_2, %add3A_43 : i32
    %sub3A_45 = arith.constant 1 : i32
    %sub3A_46 = arith.subi %add3A_44, %sub3A_45 : i32
    %jit3A_47 = arith.constant 8 : i32
    %div3A_48 = arith.divsi %sub3A_46, %jit3A_47 : i32
    %sign3A_49 = arith.constant 0 : i32
    %sign3A_50 = arith.cmpi sgt, %sub3A_46, %sign3A_49 : i32
    %sign3A_51 = arith.extui %sign3A_50 : i1 to i32
    %sign3A_52 = arith.constant 0 : i32
    %sign3A_53 = arith.cmpi slt, %sub3A_46, %sign3A_52 : i32
    %sign3A_54 = arith.extui %sign3A_53 : i1 to i32
    %sign3A_55 = arith.subi %sign3A_51, %sign3A_54 : i32
    %sign3A_56 = arith.constant 0 : i32
    %sign3A_57 = arith.cmpi sgt, %jit3A_47, %sign3A_56 : i32
    %sign3A_58 = arith.extui %sign3A_57 : i1 to i32
    %sign3A_59 = arith.constant 0 : i32
    %sign3A_60 = arith.cmpi slt, %jit3A_47, %sign3A_59 : i32
    %sign3A_61 = arith.extui %sign3A_60 : i1 to i32
    %sign3A_62 = arith.subi %sign3A_58, %sign3A_61 : i32
    %ne3A_63 = arith.cmpi ne, %sign3A_55, %sign3A_62 : i32
    %rem3A_64 = arith.remsi %sub3A_46, %jit3A_47 : i32
    %ne3A_65 = arith.constant 0 : i32
    %ne3A_66 = arith.cmpi ne, %rem3A_64, %ne3A_65 : i32
    %and3A_67 = arith.andi %ne3A_63, %ne3A_66 : i1
    %sub3A_68 = arith.constant 1 : i32
    %sub3A_69 = arith.subi %div3A_48, %sub3A_68 : i32
    %select_n3A_70 = arith.select %and3A_67, %sub3A_69, %div3A_48 : i32
    %jit3A_71 = arith.constant 8 : i32
    %div3A_72 = arith.divsi %select_n3A_70, %jit3A_71 : i32
    %sign3A_73 = arith.constant 0 : i32
    %sign3A_74 = arith.cmpi sgt, %select_n3A_70, %sign3A_73 : i32
    %sign3A_75 = arith.extui %sign3A_74 : i1 to i32
    %sign3A_76 = arith.constant 0 : i32
    %sign3A_77 = arith.cmpi slt, %select_n3A_70, %sign3A_76 : i32
    %sign3A_78 = arith.extui %sign3A_77 : i1 to i32
    %sign3A_79 = arith.subi %sign3A_75, %sign3A_78 : i32
    %sign3A_80 = arith.constant 0 : i32
    %sign3A_81 = arith.cmpi sgt, %jit3A_71, %sign3A_80 : i32
    %sign3A_82 = arith.extui %sign3A_81 : i1 to i32
    %sign3A_83 = arith.constant 0 : i32
    %sign3A_84 = arith.cmpi slt, %jit3A_71, %sign3A_83 : i32
    %sign3A_85 = arith.extui %sign3A_84 : i1 to i32
    %sign3A_86 = arith.subi %sign3A_82, %sign3A_85 : i32
    %ne3A_87 = arith.cmpi ne, %sign3A_79, %sign3A_86 : i32
    %rem3A_88 = arith.remsi %select_n3A_70, %jit3A_71 : i32
    %ne3A_89 = arith.constant 0 : i32
    %ne3A_90 = arith.cmpi ne, %rem3A_88, %ne3A_89 : i32
    %and3A_91 = arith.andi %ne3A_87, %ne3A_90 : i1
    %sub3A_92 = arith.constant 1 : i32
    %sub3A_93 = arith.subi %div3A_72, %sub3A_92 : i32
    %select_n3A_94 = arith.select %and3A_91, %sub3A_93, %div3A_72 : i32
    %run_scoped3A = arith.constant 0 : i32
    "tpu.region"() ({
      %run_scoped3A_410 = tpu.sem_alloc : memref<!tpu.dma_semaphore, #tpu.memory_space<semaphore_mem>>
      %dma_start3A_411 = arith.constant 0 : i32
      %dma_start3A_412 = arith.constant 0 : i32
      %dma_start3A_413 = tpu.memref_slice %arg6[%run_scoped3A, %dma_start3A_411, %dma_start3A_412] : memref<2x8x1024xi32, #tpu.memory_space<vmem>> -> memref<1x8x1024xi32, #tpu.memory_space<vmem>>
      %dma_start3A_414 = tpu.memref_squeeze %dma_start3A_413 : memref<1x8x1024xi32, #tpu.memory_space<vmem>> -> memref<8x1024xi32, #tpu.memory_space<vmem>>
      %dma_start3A_415 = arith.constant 0 : i32
      %dma_start3A_416 = arith.constant 0 : i32
      %dma_start3A_417 = tpu.memref_slice %arg2[%select_n3A_42, %dma_start3A_415, %dma_start3A_416] : memref<25x8x1024xi32, #tpu.memory_space<hbm>> -> memref<1x8x1024xi32, #tpu.memory_space<hbm>>
      %dma_start3A_418 = tpu.memref_squeeze %dma_start3A_417 : memref<1x8x1024xi32, #tpu.memory_space<hbm>> -> memref<8x1024xi32, #tpu.memory_space<hbm>>
      %dma_start3A_419 = arith.constant 0 : i32
      %dma_start3A_420 = arith.constant 0 : i32
      %dma_start3A_421 = tpu.memref_slice %arg6[%run_scoped3A, %dma_start3A_419, %dma_start3A_420] : memref<2x8x1024xi32, #tpu.memory_space<vmem>> -> memref<1x8x1024xi32, #tpu.memory_space<vmem>>
      %dma_start3A_422 = tpu.memref_squeeze %dma_start3A_421 : memref<1x8x1024xi32, #tpu.memory_space<vmem>> -> memref<8x1024xi32, #tpu.memory_space<vmem>>
      %dma_start3A_423 = arith.constant 0 : i32
      %dma_start3A_424 = arith.constant 0 : i32
      %dma_start3A_425 = tpu.memref_slice %arg2[%select_n3A_42, %dma_start3A_423, %dma_start3A_424] : memref<25x8x1024xi32, #tpu.memory_space<hbm>> -> memref<1x8x1024xi32, #tpu.memory_space<hbm>>
      %dma_start3A_426 = tpu.memref_squeeze %dma_start3A_425 : memref<1x8x1024xi32, #tpu.memory_space<hbm>> -> memref<8x1024xi32, #tpu.memory_space<hbm>>
      tpu.enqueue_dma source(%dma_start3A_426 : memref<8x1024xi32, #tpu.memory_space<hbm>>) target(%dma_start3A_422 : memref<8x1024xi32, #tpu.memory_space<vmem>>) target_semaphore(%run_scoped3A_410 : memref<!tpu.dma_semaphore, #tpu.memory_space<semaphore_mem>>)
      %dma_wait3A_427 = arith.constant 0 : i32
      %dma_wait3A_428 = arith.constant 0 : i32
      %dma_wait3A_429 = tpu.memref_slice %arg6[%run_scoped3A, %dma_wait3A_427, %dma_wait3A_428] : memref<2x8x1024xi32, #tpu.memory_space<vmem>> -> memref<1x8x1024xi32, #tpu.memory_space<vmem>>
      %dma_wait3A_430 = tpu.memref_squeeze %dma_wait3A_429 : memref<1x8x1024xi32, #tpu.memory_space<vmem>> -> memref<8x1024xi32, #tpu.memory_space<vmem>>
      %dma_wait3A_431 = arith.constant 0 : i32
      %dma_wait3A_432 = arith.constant 0 : i32
      %dma_wait3A_433 = tpu.memref_slice %arg2[%select_n3A_42, %dma_wait3A_431, %dma_wait3A_432] : memref<25x8x1024xi32, #tpu.memory_space<hbm>> -> memref<1x8x1024xi32, #tpu.memory_space<hbm>>
      %dma_wait3A_434 = tpu.memref_squeeze %dma_wait3A_433 : memref<1x8x1024xi32, #tpu.memory_space<hbm>> -> memref<8x1024xi32, #tpu.memory_space<hbm>>
      %dma_wait3A_435 = arith.constant 0 : i32
      %dma_wait3A_436 = arith.constant 0 : i32
      %dma_wait3A_437 = tpu.memref_slice %arg6[%run_scoped3A, %dma_wait3A_435, %dma_wait3A_436] : memref<2x8x1024xi32, #tpu.memory_space<vmem>> -> memref<1x8x1024xi32, #tpu.memory_space<vmem>>
      %dma_wait3A_438 = tpu.memref_squeeze %dma_wait3A_437 : memref<1x8x1024xi32, #tpu.memory_space<vmem>> -> memref<8x1024xi32, #tpu.memory_space<vmem>>
      %dma_wait3A_439 = arith.constant 0 : i32
      %dma_wait3A_440 = arith.constant 0 : i32
      %dma_wait3A_441 = tpu.memref_slice %arg2[%select_n3A_42, %dma_wait3A_439, %dma_wait3A_440] : memref<25x8x1024xi32, #tpu.memory_space<hbm>> -> memref<1x8x1024xi32, #tpu.memory_space<hbm>>
      %dma_wait3A_442 = tpu.memref_squeeze %dma_wait3A_441 : memref<1x8x1024xi32, #tpu.memory_space<hbm>> -> memref<8x1024xi32, #tpu.memory_space<hbm>>
      tpu.wait_dma2 semaphore(%run_scoped3A_410 : memref<!tpu.dma_semaphore, #tpu.memory_space<semaphore_mem>>) src(%dma_wait3A_442 : memref<8x1024xi32, #tpu.memory_space<hbm>>) dst(%dma_wait3A_438 : memref<8x1024xi32, #tpu.memory_space<vmem>>)
      tpu.yield
    }) : () -> ()
    %run_scoped3A_95 = arith.constant 1 : i32
    "tpu.region"() ({
      %run_scoped3A_410 = tpu.sem_alloc : memref<!tpu.dma_semaphore, #tpu.memory_space<semaphore_mem>>
      %dma_start3A_411 = arith.constant 0 : i32
      %dma_start3A_412 = arith.constant 0 : i32
      %dma_start3A_413 = tpu.memref_slice %arg6[%run_scoped3A_95, %dma_start3A_411, %dma_start3A_412] : memref<2x8x1024xi32, #tpu.memory_space<vmem>> -> memref<1x8x1024xi32, #tpu.memory_space<vmem>>
      %dma_start3A_414 = tpu.memref_squeeze %dma_start3A_413 : memref<1x8x1024xi32, #tpu.memory_space<vmem>> -> memref<8x1024xi32, #tpu.memory_space<vmem>>
      %dma_start3A_415 = arith.constant 0 : i32
      %dma_start3A_416 = arith.constant 0 : i32
      %dma_start3A_417 = tpu.memref_slice %arg2[%select_n3A_94, %dma_start3A_415, %dma_start3A_416] : memref<25x8x1024xi32, #tpu.memory_space<hbm>> -> memref<1x8x1024xi32, #tpu.memory_space<hbm>>
      %dma_start3A_418 = tpu.memref_squeeze %dma_start3A_417 : memref<1x8x1024xi32, #tpu.memory_space<hbm>> -> memref<8x1024xi32, #tpu.memory_space<hbm>>
      %dma_start3A_419 = arith.constant 0 : i32
      %dma_start3A_420 = arith.constant 0 : i32
      %dma_start3A_421 = tpu.memref_slice %arg6[%run_scoped3A_95, %dma_start3A_419, %dma_start3A_420] : memref<2x8x1024xi32, #tpu.memory_space<vmem>> -> memref<1x8x1024xi32, #tpu.memory_space<vmem>>
      %dma_start3A_422 = tpu.memref_squeeze %dma_start3A_421 : memref<1x8x1024xi32, #tpu.memory_space<vmem>> -> memref<8x1024xi32, #tpu.memory_space<vmem>>
      %dma_start3A_423 = arith.constant 0 : i32
      %dma_start3A_424 = arith.constant 0 : i32
      %dma_start3A_425 = tpu.memref_slice %arg2[%select_n3A_94, %dma_start3A_423, %dma_start3A_424] : memref<25x8x1024xi32, #tpu.memory_space<hbm>> -> memref<1x8x1024xi32, #tpu.memory_space<hbm>>
      %dma_start3A_426 = tpu.memref_squeeze %dma_start3A_425 : memref<1x8x1024xi32, #tpu.memory_space<hbm>> -> memref<8x1024xi32, #tpu.memory_space<hbm>>
      tpu.enqueue_dma source(%dma_start3A_426 : memref<8x1024xi32, #tpu.memory_space<hbm>>) target(%dma_start3A_422 : memref<8x1024xi32, #tpu.memory_space<vmem>>) target_semaphore(%run_scoped3A_410 : memref<!tpu.dma_semaphore, #tpu.memory_space<semaphore_mem>>)
      %dma_wait3A_427 = arith.constant 0 : i32
      %dma_wait3A_428 = arith.constant 0 : i32
      %dma_wait3A_429 = tpu.memref_slice %arg6[%run_scoped3A_95, %dma_wait3A_427, %dma_wait3A_428] : memref<2x8x1024xi32, #tpu.memory_space<vmem>> -> memref<1x8x1024xi32, #tpu.memory_space<vmem>>
      %dma_wait3A_430 = tpu.memref_squeeze %dma_wait3A_429 : memref<1x8x1024xi32, #tpu.memory_space<vmem>> -> memref<8x1024xi32, #tpu.memory_space<vmem>>
      %dma_wait3A_431 = arith.constant 0 : i32
      %dma_wait3A_432 = arith.constant 0 : i32
      %dma_wait3A_433 = tpu.memref_slice %arg2[%select_n3A_94, %dma_wait3A_431, %dma_wait3A_432] : memref<25x8x1024xi32, #tpu.memory_space<hbm>> -> memref<1x8x1024xi32, #tpu.memory_space<hbm>>
      %dma_wait3A_434 = tpu.memref_squeeze %dma_wait3A_433 : memref<1x8x1024xi32, #tpu.memory_space<hbm>> -> memref<8x1024xi32, #tpu.memory_space<hbm>>
      %dma_wait3A_435 = arith.constant 0 : i32
      %dma_wait3A_436 = arith.constant 0 : i32
      %dma_wait3A_437 = tpu.memref_slice %arg6[%run_scoped3A_95, %dma_wait3A_435, %dma_wait3A_436] : memref<2x8x1024xi32, #tpu.memory_space<vmem>> -> memref<1x8x1024xi32, #tpu.memory_space<vmem>>
      %dma_wait3A_438 = tpu.memref_squeeze %dma_wait3A_437 : memref<1x8x1024xi32, #tpu.memory_space<vmem>> -> memref<8x1024xi32, #tpu.memory_space<vmem>>
      %dma_wait3A_439 = arith.constant 0 : i32
      %dma_wait3A_440 = arith.constant 0 : i32
      %dma_wait3A_441 = tpu.memref_slice %arg2[%select_n3A_94, %dma_wait3A_439, %dma_wait3A_440] : memref<25x8x1024xi32, #tpu.memory_space<hbm>> -> memref<1x8x1024xi32, #tpu.memory_space<hbm>>
      %dma_wait3A_442 = tpu.memref_squeeze %dma_wait3A_441 : memref<1x8x1024xi32, #tpu.memory_space<hbm>> -> memref<8x1024xi32, #tpu.memory_space<hbm>>
      tpu.wait_dma2 semaphore(%run_scoped3A_410 : memref<!tpu.dma_semaphore, #tpu.memory_space<semaphore_mem>>) src(%dma_wait3A_442 : memref<8x1024xi32, #tpu.memory_space<hbm>>) dst(%dma_wait3A_438 : memref<8x1024xi32, #tpu.memory_space<vmem>>)
      tpu.yield
    }) : () -> ()
    %add3A_96 = arith.constant 0 : i32
    %add3A_97 = arith.addi %mul3A_2, %add3A_96 : i32
    %jit3A_98 = arith.constant 8 : i32
    %div3A_99 = arith.divsi %add3A_97, %jit3A_98 : i32
    %sign3A_100 = arith.constant 0 : i32
    %sign3A_101 = arith.cmpi sgt, %add3A_97, %sign3A_100 : i32
    %sign3A_102 = arith.extui %sign3A_101 : i1 to i32
    %sign3A_103 = arith.constant 0 : i32
    %sign3A_104 = arith.cmpi slt, %add3A_97, %sign3A_103 : i32
    %sign3A_105 = arith.extui %sign3A_104 : i1 to i32
    %sign3A_106 = arith.subi %sign3A_102, %sign3A_105 : i32
    %sign3A_107 = arith.constant 0 : i32
    %sign3A_108 = arith.cmpi sgt, %jit3A_98, %sign3A_107 : i32
    %sign3A_109 = arith.extui %sign3A_108 : i1 to i32
    %sign3A_110 = arith.constant 0 : i32
    %sign3A_111 = arith.cmpi slt, %jit3A_98, %sign3A_110 : i32
    %sign3A_112 = arith.extui %sign3A_111 : i1 to i32
    %sign3A_113 = arith.subi %sign3A_109, %sign3A_112 : i32
    %ne3A_114 = arith.cmpi ne, %sign3A_106, %sign3A_113 : i32
    %rem3A_115 = arith.remsi %add3A_97, %jit3A_98 : i32
    %ne3A_116 = arith.constant 0 : i32
    %ne3A_117 = arith.cmpi ne, %rem3A_115, %ne3A_116 : i32
    %and3A_118 = arith.andi %ne3A_114, %ne3A_117 : i1
    %sub3A_119 = arith.constant 1 : i32
    %sub3A_120 = arith.subi %div3A_99, %sub3A_119 : i32
    %select_n3A_121 = arith.select %and3A_118, %sub3A_120, %div3A_99 : i32
    %jit3A_122 = arith.constant 8 : i32
    %eq3A = arith.constant 0 : i32
    %eq3A_123 = arith.cmpi eq, %jit3A_122, %eq3A : i32
    %jit3A_124 = arith.constant 1 : i32
    %select_n3A_125 = arith.select %eq3A_123, %jit3A_124, %jit3A_122 : i32
    %rem3A_126 = arith.remsi %add3A_97, %select_n3A_125 : i32
    %ne3A_127 = arith.constant 0 : i32
    %ne3A_128 = arith.cmpi ne, %rem3A_126, %ne3A_127 : i32
    %lt3A = arith.constant 0 : i32
    %lt3A_129 = arith.cmpi slt, %rem3A_126, %lt3A : i32
    %lt3A_130 = arith.constant 0 : i32
    %lt3A_131 = arith.cmpi slt, %select_n3A_125, %lt3A_130 : i32
    %ne3A_132 = arith.xori %lt3A_129, %lt3A_131 : i1
    %and3A_133 = arith.andi %ne3A_132, %ne3A_128 : i1
    %add3A_134 = arith.addi %rem3A_126, %select_n3A_125 : i32
    %select_n3A_135 = arith.select %and3A_133, %add3A_134, %rem3A_126 : i32
    %mul3A_136 = arith.constant 128 : i32
    %mul3A_137 = arith.muli %select_n3A_135, %mul3A_136 : i32
    %jit3A_138 = arith.constant 8 : i32
    %div3A_139 = arith.divsi %select_n3A_121, %jit3A_138 : i32
    %sign3A_140 = arith.constant 0 : i32
    %sign3A_141 = arith.cmpi sgt, %select_n3A_121, %sign3A_140 : i32
    %sign3A_142 = arith.extui %sign3A_141 : i1 to i32
    %sign3A_143 = arith.constant 0 : i32
    %sign3A_144 = arith.cmpi slt, %select_n3A_121, %sign3A_143 : i32
    %sign3A_145 = arith.extui %sign3A_144 : i1 to i32
    %sign3A_146 = arith.subi %sign3A_142, %sign3A_145 : i32
    %sign3A_147 = arith.constant 0 : i32
    %sign3A_148 = arith.cmpi sgt, %jit3A_138, %sign3A_147 : i32
    %sign3A_149 = arith.extui %sign3A_148 : i1 to i32
    %sign3A_150 = arith.constant 0 : i32
    %sign3A_151 = arith.cmpi slt, %jit3A_138, %sign3A_150 : i32
    %sign3A_152 = arith.extui %sign3A_151 : i1 to i32
    %sign3A_153 = arith.subi %sign3A_149, %sign3A_152 : i32
    %ne3A_154 = arith.cmpi ne, %sign3A_146, %sign3A_153 : i32
    %rem3A_155 = arith.remsi %select_n3A_121, %jit3A_138 : i32
    %ne3A_156 = arith.constant 0 : i32
    %ne3A_157 = arith.cmpi ne, %rem3A_155, %ne3A_156 : i32
    %and3A_158 = arith.andi %ne3A_154, %ne3A_157 : i1
    %sub3A_159 = arith.constant 1 : i32
    %sub3A_160 = arith.subi %div3A_139, %sub3A_159 : i32
    %select_n3A_161 = arith.select %and3A_158, %sub3A_160, %div3A_139 : i32
    %sub3A_162 = arith.subi %select_n3A_161, %select_n3A_42 : i32
    %jit3A_163 = arith.constant 8 : i32
    %eq3A_164 = arith.constant 0 : i32
    %eq3A_165 = arith.cmpi eq, %jit3A_163, %eq3A_164 : i32
    %jit3A_166 = arith.constant 1 : i32
    %select_n3A_167 = arith.select %eq3A_165, %jit3A_166, %jit3A_163 : i32
    %rem3A_168 = arith.remsi %select_n3A_121, %select_n3A_167 : i32
    %ne3A_169 = arith.constant 0 : i32
    %ne3A_170 = arith.cmpi ne, %rem3A_168, %ne3A_169 : i32
    %lt3A_171 = arith.constant 0 : i32
    %lt3A_172 = arith.cmpi slt, %rem3A_168, %lt3A_171 : i32
    %lt3A_173 = arith.constant 0 : i32
    %lt3A_174 = arith.cmpi slt, %select_n3A_167, %lt3A_173 : i32
    %ne3A_175 = arith.xori %lt3A_172, %lt3A_174 : i1
    %and3A_176 = arith.andi %ne3A_175, %ne3A_170 : i1
    %add3A_177 = arith.addi %rem3A_168, %select_n3A_167 : i32
    %select_n3A_178 = arith.select %and3A_176, %add3A_177, %rem3A_168 : i32
    %add3A_179 = arith.constant 0 : i32
    %add3A_180 = arith.addi %mul3A_137, %add3A_179 : i32
    %get3A = arith.index_cast %sub3A_162 : i32 to index
    %get3A_181 = arith.index_cast %select_n3A_178 : i32 to index
    %get3A_182 = arith.index_cast %add3A_180 : i32 to index
    %get3A_183 = tpu.vector_load %arg6[%get3A, %get3A_181, %get3A_182] {strides = array<i32>} : memref<2x8x1024xi32, #tpu.memory_space<vmem>>, vector<16xi32>,
    %shift_right_logical3A = arith.constant 1 : i32
    %shift_right_logical3A_184 = vector.broadcast %shift_right_logical3A : i32 to vector<16xi32>
    %shift_right_logical3A_185 = arith.shrui %get3A_183, %shift_right_logical3A_184 : vector<16xi32>
    %swap3A = arith.constant 0 : i32
    %swap3A_186 = arith.index_cast %swap3A : i32 to index
    %swap3A_187 = arith.constant 0 : index
    %swap3A_188 = tpu.vector_load %arg7[%swap3A_186, %swap3A_187] {strides = array<i32>} : memref<2x128xi32, #tpu.memory_space<vmem>>, vector<16xi32>,
    tpu.vector_store %arg7[%swap3A_186, %swap3A_187], %shift_right_logical3A_185 {strides = array<i32>} : memref<2x128xi32, #tpu.memory_space<vmem>>, vector<16xi32>,
    %and3A_189 = arith.constant 1 : i32
    %and3A_190 = vector.broadcast %and3A_189 : i32 to vector<16xi32>
    %and3A_191 = arith.andi %get3A_183, %and3A_190 : vector<16xi32>
    %shift_left3A = arith.constant 6 : i32
    %shift_left3A_192 = vector.broadcast %shift_left3A : i32 to vector<16xi32>
    %shift_left3A_193 = arith.shli %and3A_191, %shift_left3A_192 : vector<16xi32>
    %swap3A_194 = arith.constant 0 : i32
    %swap3A_195 = arith.index_cast %swap3A_194 : i32 to index
    %swap3A_196 = arith.constant 0 : index
    %swap3A_197 = tpu.vector_load %arg8[%swap3A_195, %swap3A_196] {strides = array<i32>} : memref<2x128xi32, #tpu.memory_space<vmem>>, vector<16xi32>,
    tpu.vector_store %arg8[%swap3A_195, %swap3A_196], %shift_left3A_193 {strides = array<i32>} : memref<2x128xi32, #tpu.memory_space<vmem>>, vector<16xi32>,
    %add3A_198 = arith.constant 16 : i32
    %add3A_199 = arith.addi %mul3A_137, %add3A_198 : i32
    %get3A_200 = arith.index_cast %sub3A_162 : i32 to index
    %get3A_201 = arith.index_cast %select_n3A_178 : i32 to index
    %get3A_202 = arith.index_cast %add3A_199 : i32 to index
    %get3A_203 = tpu.vector_load %arg6[%get3A_200, %get3A_201, %get3A_202] {strides = array<i32>} : memref<2x8x1024xi32, #tpu.memory_space<vmem>>, vector<16xi32>,
    %shift_right_logical3A_204 = arith.constant 1 : i32
    %shift_right_logical3A_205 = vector.broadcast %shift_right_logical3A_204 : i32 to vector<16xi32>
    %shift_right_logical3A_206 = arith.shrui %get3A_203, %shift_right_logical3A_205 : vector<16xi32>
    %swap3A_207 = arith.constant 0 : i32
    %swap3A_208 = arith.index_cast %swap3A_207 : i32 to index
    %swap3A_209 = arith.constant 16 : index
    %swap3A_210 = tpu.vector_load %arg7[%swap3A_208, %swap3A_209] {strides = array<i32>} : memref<2x128xi32, #tpu.memory_space<vmem>>, vector<16xi32>,
    tpu.vector_store %arg7[%swap3A_208, %swap3A_209], %shift_right_logical3A_206 {strides = array<i32>} : memref<2x128xi32, #tpu.memory_space<vmem>>, vector<16xi32>,
    %and3A_211 = arith.constant 1 : i32
    %and3A_212 = vector.broadcast %and3A_211 : i32 to vector<16xi32>
    %and3A_213 = arith.andi %get3A_203, %and3A_212 : vector<16xi32>
    %shift_left3A_214 = arith.constant 6 : i32
    %shift_left3A_215 = vector.broadcast %shift_left3A_214 : i32 to vector<16xi32>
    %shift_left3A_216 = arith.shli %and3A_213, %shift_left3A_215 : vector<16xi32>
    %swap3A_217 = arith.constant 0 : i32
    %swap3A_218 = arith.index_cast %swap3A_217 : i32 to index
    %swap3A_219 = arith.constant 16 : index
    %swap3A_220 = tpu.vector_load %arg8[%swap3A_218, %swap3A_219] {strides = array<i32>} : memref<2x128xi32, #tpu.memory_space<vmem>>, vector<16xi32>,
    tpu.vector_store %arg8[%swap3A_218, %swap3A_219], %shift_left3A_216 {strides = array<i32>} : memref<2x128xi32, #tpu.memory_space<vmem>>, vector<16xi32>,
    %add3A_221 = arith.constant 32 : i32
    %add3A_222 = arith.addi %mul3A_137, %add3A_221 : i32
    %get3A_223 = arith.index_cast %sub3A_162 : i32 to index
    %get3A_224 = arith.index_cast %select_n3A_178 : i32 to index
    %get3A_225 = arith.index_cast %add3A_222 : i32 to index
    %get3A_226 = tpu.vector_load %arg6[%get3A_223, %get3A_224, %get3A_225] {strides = array<i32>} : memref<2x8x1024xi32, #tpu.memory_space<vmem>>, vector<16xi32>,
    %shift_right_logical3A_227 = arith.constant 1 : i32
    %shift_right_logical3A_228 = vector.broadcast %shift_right_logical3A_227 : i32 to vector<16xi32>
    %shift_right_logical3A_229 = arith.shrui %get3A_226, %shift_right_logical3A_228 : vector<16xi32>
    %swap3A_230 = arith.constant 0 : i32
    %swap3A_231 = arith.index_cast %swap3A_230 : i32 to index
    %swap3A_232 = arith.constant 32 : index
    %swap3A_233 = tpu.vector_load %arg7[%swap3A_231, %swap3A_232] {strides = array<i32>} : memref<2x128xi32, #tpu.memory_space<vmem>>, vector<16xi32>,
    tpu.vector_store %arg7[%swap3A_231, %swap3A_232], %shift_right_logical3A_229 {strides = array<i32>} : memref<2x128xi32, #tpu.memory_space<vmem>>, vector<16xi32>,
    %and3A_234 = arith.constant 1 : i32
    %and3A_235 = vector.broadcast %and3A_234 : i32 to vector<16xi32>
    %and3A_236 = arith.andi %get3A_226, %and3A_235 : vector<16xi32>
    %shift_left3A_237 = arith.constant 6 : i32
    %shift_left3A_238 = vector.broadcast %shift_left3A_237 : i32 to vector<16xi32>
    %shift_left3A_239 = arith.shli %and3A_236, %shift_left3A_238 : vector<16xi32>
    %swap3A_240 = arith.constant 0 : i32
    %swap3A_241 = arith.index_cast %swap3A_240 : i32 to index
    %swap3A_242 = arith.constant 32 : index
    %swap3A_243 = tpu.vector_load %arg8[%swap3A_241, %swap3A_242] {strides = array<i32>} : memref<2x128xi32, #tpu.memory_space<vmem>>, vector<16xi32>,
    tpu.vector_store %arg8[%swap3A_241, %swap3A_242], %shift_left3A_239 {strides = array<i32>} : memref<2x128xi32, #tpu.memory_space<vmem>>, vector<16xi32>,
    %add3A_244 = arith.constant 48 : i32
    %add3A_245 = arith.addi %mul3A_137, %add3A_244 : i32
    %get3A_246 = arith.index_cast %sub3A_162 : i32 to index
    %get3A_247 = arith.index_cast %select_n3A_178 : i32 to index
    %get3A_248 = arith.index_cast %add3A_245 : i32 to index
    %get3A_249 = tpu.vector_load %arg6[%get3A_246, %get3A_247, %get3A_248] {strides = array<i32>} : memref<2x8x1024xi32, #tpu.memory_space<vmem>>, vector<16xi32>,
    %shift_right_logical3A_250 = arith.constant 1 : i32
    %shift_right_logical3A_251 = vector.broadcast %shift_right_logical3A_250 : i32 to vector<16xi32>
    %shift_right_logical3A_252 = arith.shrui %get3A_249, %shift_right_logical3A_251 : vector<16xi32>
    %swap3A_253 = arith.constant 0 : i32
    %swap3A_254 = arith.index_cast %swap3A_253 : i32 to index
    %swap3A_255 = arith.constant 48 : index
    %swap3A_256 = tpu.vector_load %arg7[%swap3A_254, %swap3A_255] {strides = array<i32>} : memref<2x128xi32, #tpu.memory_space<vmem>>, vector<16xi32>,
    tpu.vector_store %arg7[%swap3A_254, %swap3A_255], %shift_right_logical3A_252 {strides = array<i32>} : memref<2x128xi32, #tpu.memory_space<vmem>>, vector<16xi32>,
    %and3A_257 = arith.constant 1 : i32
    %and3A_258 = vector.broadcast %and3A_257 : i32 to vector<16xi32>
    %and3A_259 = arith.andi %get3A_249, %and3A_258 : vector<16xi32>
    %shift_left3A_260 = arith.constant 6 : i32
    %shift_left3A_261 = vector.broadcast %shift_left3A_260 : i32 to vector<16xi32>
    %shift_left3A_262 = arith.shli %and3A_259, %shift_left3A_261 : vector<16xi32>
    %swap3A_263 = arith.constant 0 : i32
    %swap3A_264 = arith.index_cast %swap3A_263 : i32 to index
    %swap3A_265 = arith.constant 48 : index
    %swap3A_266 = tpu.vector_load %arg8[%swap3A_264, %swap3A_265] {strides = array<i32>} : memref<2x128xi32, #tpu.memory_space<vmem>>, vector<16xi32>,
    tpu.vector_store %arg8[%swap3A_264, %swap3A_265], %shift_left3A_262 {strides = array<i32>} : memref<2x128xi32, #tpu.memory_space<vmem>>, vector<16xi32>,
    %add3A_267 = arith.constant 64 : i32
    %add3A_268 = arith.addi %mul3A_137, %add3A_267 : i32
    %get3A_269 = arith.index_cast %sub3A_162 : i32 to index
    %get3A_270 = arith.index_cast %select_n3A_178 : i32 to index
    %get3A_271 = arith.index_cast %add3A_268 : i32 to index
    %get3A_272 = tpu.vector_load %arg6[%get3A_269, %get3A_270, %get3A_271] {strides = array<i32>} : memref<2x8x1024xi32, #tpu.memory_space<vmem>>, vector<16xi32>,
    %shift_right_logical3A_273 = arith.constant 1 : i32
    %shift_right_logical3A_274 = vector.broadcast %shift_right_logical3A_273 : i32 to vector<16xi32>
    %shift_right_logical3A_275 = arith.shrui %get3A_272, %shift_right_logical3A_274 : vector<16xi32>
    %swap3A_276 = arith.constant 0 : i32
    %swap3A_277 = arith.index_cast %swap3A_276 : i32 to index
    %swap3A_278 = arith.constant 64 : index
    %swap3A_279 = tpu.vector_load %arg7[%swap3A_277, %swap3A_278] {strides = array<i32>} : memref<2x128xi32, #tpu.memory_space<vmem>>, vector<16xi32>,
    tpu.vector_store %arg7[%swap3A_277, %swap3A_278], %shift_right_logical3A_275 {strides = array<i32>} : memref<2x128xi32, #tpu.memory_space<vmem>>, vector<16xi32>,
    %and3A_280 = arith.constant 1 : i32
    %and3A_281 = vector.broadcast %and3A_280 : i32 to vector<16xi32>
    %and3A_282 = arith.andi %get3A_272, %and3A_281 : vector<16xi32>
    %shift_left3A_283 = arith.constant 6 : i32
    %shift_left3A_284 = vector.broadcast %shift_left3A_283 : i32 to vector<16xi32>
    %shift_left3A_285 = arith.shli %and3A_282, %shift_left3A_284 : vector<16xi32>
    %swap3A_286 = arith.constant 0 : i32
    %swap3A_287 = arith.index_cast %swap3A_286 : i32 to index
    %swap3A_288 = arith.constant 64 : index
    %swap3A_289 = tpu.vector_load %arg8[%swap3A_287, %swap3A_288] {strides = array<i32>} : memref<2x128xi32, #tpu.memory_space<vmem>>, vector<16xi32>,
    tpu.vector_store %arg8[%swap3A_287, %swap3A_288], %shift_left3A_285 {strides = array<i32>} : memref<2x128xi32, #tpu.memory_space<vmem>>, vector<16xi32>,
    %add3A_290 = arith.constant 80 : i32
    %add3A_291 = arith.addi %mul3A_137, %add3A_290 : i32
    %get3A_292 = arith.index_cast %sub3A_162 : i32 to index
    %get3A_293 = arith.index_cast %select_n3A_178 : i32 to index
    %get3A_294 = arith.index_cast %add3A_291 : i32 to index
    %get3A_295 = tpu.vector_load %arg6[%get3A_292, %get3A_293, %get3A_294] {strides = array<i32>} : memref<2x8x1024xi32, #tpu.memory_space<vmem>>, vector<16xi32>,
    %shift_right_logical3A_296 = arith.constant 1 : i32
    %shift_right_logical3A_297 = vector.broadcast %shift_right_logical3A_296 : i32 to vector<16xi32>
    %shift_right_logical3A_298 = arith.shrui %get3A_295, %shift_right_logical3A_297 : vector<16xi32>
    %swap3A_299 = arith.constant 0 : i32
    %swap3A_300 = arith.index_cast %swap3A_299 : i32 to index
    %swap3A_301 = arith.constant 80 : index
    %swap3A_302 = tpu.vector_load %arg7[%swap3A_300, %swap3A_301] {strides = array<i32>} : memref<2x128xi32, #tpu.memory_space<vmem>>, vector<16xi32>,
    tpu.vector_store %arg7[%swap3A_300, %swap3A_301], %shift_right_logical3A_298 {strides = array<i32>} : memref<2x128xi32, #tpu.memory_space<vmem>>, vector<16xi32>,
    %and3A_303 = arith.constant 1 : i32
    %and3A_304 = vector.broadcast %and3A_303 : i32 to vector<16xi32>
    %and3A_305 = arith.andi %get3A_295, %and3A_304 : vector<16xi32>
    %shift_left3A_306 = arith.constant 6 : i32
    %shift_left3A_307 = vector.broadcast %shift_left3A_306 : i32 to vector<16xi32>
    %shift_left3A_308 = arith.shli %and3A_305, %shift_left3A_307 : vector<16xi32>
    %swap3A_309 = arith.constant 0 : i32
    %swap3A_310 = arith.index_cast %swap3A_309 : i32 to index
    %swap3A_311 = arith.constant 80 : index
    %swap3A_312 = tpu.vector_load %arg8[%swap3A_310, %swap3A_311] {strides = array<i32>} : memref<2x128xi32, #tpu.memory_space<vmem>>, vector<16xi32>,
    tpu.vector_store %arg8[%swap3A_310, %swap3A_311], %shift_left3A_308 {strides = array<i32>} : memref<2x128xi32, #tpu.memory_space<vmem>>, vector<16xi32>,
    %add3A_313 = arith.constant 96 : i32
    %add3A_314 = arith.addi %mul3A_137, %add3A_313 : i32
    %get3A_315 = arith.index_cast %sub3A_162 : i32 to index
    %get3A_316 = arith.index_cast %select_n3A_178 : i32 to index
    %get3A_317 = arith.index_cast %add3A_314 : i32 to index
    %get3A_318 = tpu.vector_load %arg6[%get3A_315, %get3A_316, %get3A_317] {strides = array<i32>} : memref<2x8x1024xi32, #tpu.memory_space<vmem>>, vector<16xi32>,
    %shift_right_logical3A_319 = arith.constant 1 : i32
    %shift_right_logical3A_320 = vector.broadcast %shift_right_logical3A_319 : i32 to vector<16xi32>
    %shift_right_logical3A_321 = arith.shrui %get3A_318, %shift_right_logical3A_320 : vector<16xi32>
    %swap3A_322 = arith.constant 0 : i32
    %swap3A_323 = arith.index_cast %swap3A_322 : i32 to index
    %swap3A_324 = arith.constant 96 : index
    %swap3A_325 = tpu.vector_load %arg7[%swap3A_323, %swap3A_324] {strides = array<i32>} : memref<2x128xi32, #tpu.memory_space<vmem>>, vector<16xi32>,
    tpu.vector_store %arg7[%swap3A_323, %swap3A_324], %shift_right_logical3A_321 {strides = array<i32>} : memref<2x128xi32, #tpu.memory_space<vmem>>, vector<16xi32>,
    %and3A_326 = arith.constant 1 : i32
    %and3A_327 = vector.broadcast %and3A_326 : i32 to vector<16xi32>
    %and3A_328 = arith.andi %get3A_318, %and3A_327 : vector<16xi32>
    %shift_left3A_329 = arith.constant 6 : i32
    %shift_left3A_330 = vector.broadcast %shift_left3A_329 : i32 to vector<16xi32>
    %shift_left3A_331 = arith.shli %and3A_328, %shift_left3A_330 : vector<16xi32>
    %swap3A_332 = arith.constant 0 : i32
    %swap3A_333 = arith.index_cast %swap3A_332 : i32 to index
    %swap3A_334 = arith.constant 96 : index
    %swap3A_335 = tpu.vector_load %arg8[%swap3A_333, %swap3A_334] {strides = array<i32>} : memref<2x128xi32, #tpu.memory_space<vmem>>, vector<16xi32>,
    tpu.vector_store %arg8[%swap3A_333, %swap3A_334], %shift_left3A_331 {strides = array<i32>} : memref<2x128xi32, #tpu.memory_space<vmem>>, vector<16xi32>,
    %add3A_336 = arith.constant 112 : i32
    %add3A_337 = arith.addi %mul3A_137, %add3A_336 : i32
    %get3A_338 = arith.index_cast %sub3A_162 : i32 to index
    %get3A_339 = arith.index_cast %select_n3A_178 : i32 to index
    %get3A_340 = arith.index_cast %add3A_337 : i32 to index
    %get3A_341 = tpu.vector_load %arg6[%get3A_338, %get3A_339, %get3A_340] {strides = array<i32>} : memref<2x8x1024xi32, #tpu.memory_space<vmem>>, vector<16xi32>,
    %shift_right_logical3A_342 = arith.constant 1 : i32
    %shift_right_logical3A_343 = vector.broadcast %shift_right_logical3A_342 : i32 to vector<16xi32>
    %shift_right_logical3A_344 = arith.shrui %get3A_341, %shift_right_logical3A_343 : vector<16xi32>
    %swap3A_345 = arith.constant 0 : i32
    %swap3A_346 = arith.index_cast %swap3A_345 : i32 to index
    %swap3A_347 = arith.constant 112 : index
    %swap3A_348 = tpu.vector_load %arg7[%swap3A_346, %swap3A_347] {strides = array<i32>} : memref<2x128xi32, #tpu.memory_space<vmem>>, vector<16xi32>,
    tpu.vector_store %arg7[%swap3A_346, %swap3A_347], %shift_right_logical3A_344 {strides = array<i32>} : memref<2x128xi32, #tpu.memory_space<vmem>>, vector<16xi32>,
    %and3A_349 = arith.constant 1 : i32
    %and3A_350 = vector.broadcast %and3A_349 : i32 to vector<16xi32>
    %and3A_351 = arith.andi %get3A_341, %and3A_350 : vector<16xi32>
    %shift_left3A_352 = arith.constant 6 : i32
    %shift_left3A_353 = vector.broadcast %shift_left3A_352 : i32 to vector<16xi32>
    %shift_left3A_354 = arith.shli %and3A_351, %shift_left3A_353 : vector<16xi32>
    %swap3A_355 = arith.constant 0 : i32
    %swap3A_356 = arith.index_cast %swap3A_355 : i32 to index
    %swap3A_357 = arith.constant 112 : index
    %swap3A_358 = tpu.vector_load %arg8[%swap3A_356, %swap3A_357] {strides = array<i32>} : memref<2x128xi32, #tpu.memory_space<vmem>>, vector<16xi32>,
    tpu.vector_store %arg8[%swap3A_356, %swap3A_357], %shift_left3A_354 {strides = array<i32>} : memref<2x128xi32, #tpu.memory_space<vmem>>, vector<16xi32>,
    %dma_start3A = arith.constant 0 : i32
    %dma_start3A_359 = arith.constant 0 : i32
    %dma_start3A_360 = arith.constant 0 : i32
    %dma_start3A_361 = arith.constant 0 : i32
    %dma_start3A_362 = tpu.memref_slice %arg9[%dma_start3A_359, %dma_start3A_360, %dma_start3A_361] : memref<2x128x128xf32, #tpu.memory_space<vmem>> -> memref<1x128x128xf32, #tpu.memory_space<vmem>>
    %dma_start3A_363 = tpu.memref_squeeze %dma_start3A_362 : memref<1x128x128xf32, #tpu.memory_space<vmem>> -> memref<128x128xf32, #tpu.memory_space<vmem>>
    %dma_start3A_364 = arith.constant 0 : i32
    %dma_start3A_365 = tpu.memref_slice %arg7[%dma_start3A, %dma_start3A_364] : memref<2x128xi32, #tpu.memory_space<vmem>> -> memref<1x128xi32, #tpu.memory_space<vmem>>
    %dma_start3A_366 = tpu.memref_squeeze %dma_start3A_365 : memref<1x128xi32, #tpu.memory_space<vmem>> -> memref<128xi32, #tpu.memory_space<vmem>>
    %dma_start3A_367 = arith.constant 0 : i32
    %dma_start3A_368 = arith.constant 0 : i32
    %dma_start3A_369 = tpu.memref_slice %arg3[%dma_start3A_367, %dma_start3A_368] : memref<500001x128xf32, #tpu.memory_space<hbm>> -> memref<500001x128xf32, #tpu.memory_space<hbm>>
    tpu.enqueue_indirect_dma source(%dma_start3A_369 : memref<500001x128xf32, #tpu.memory_space<hbm>>) target(%dma_start3A_363 : memref<128x128xf32, #tpu.memory_space<vmem>>) offsets(%dma_start3A_366 : memref<128xi32, #tpu.memory_space<vmem>>) semaphore(%arg12 : memref<!tpu.dma_semaphore, #tpu.memory_space<semaphore_mem>>)
    %scan3A = arith.constant 0 : i32
    %scan3A_370 = arith.constant 0 : i32
    %scan3A_371 = arith.constant 25 : i32
    %scan3A_372 = arith.addi %scan3A_370, %scan3A_371 : i32
    %scan3A_373 = arith.constant 1 : i32
    scf.for %scan3A_410 = %scan3A_370 to %scan3A_372 step %scan3A_373  : i32 {
      %mul3A_411 = arith.constant 2 : i32
      %mul3A_412 = arith.muli %scan3A_410, %mul3A_411 : i32
      %add3A_413 = arith.constant 1 : i32
      %add3A_414 = arith.addi %mul3A_412, %add3A_413 : i32
      %add3A_415 = arith.addi %mul3A_2, %add3A_414 : i32
      %jit3A_416 = arith.constant 8 : i32
      %div3A_417 = arith.divsi %add3A_415, %jit3A_416 : i32
      %sign3A_418 = arith.constant 0 : i32
      %sign3A_419 = arith.cmpi sgt, %add3A_415, %sign3A_418 : i32
      %sign3A_420 = arith.extui %sign3A_419 : i1 to i32
      %sign3A_421 = arith.constant 0 : i32
      %sign3A_422 = arith.cmpi slt, %add3A_415, %sign3A_421 : i32
      %sign3A_423 = arith.extui %sign3A_422 : i1 to i32
      %sign3A_424 = arith.subi %sign3A_420, %sign3A_423 : i32
      %sign3A_425 = arith.constant 0 : i32
      %sign3A_426 = arith.cmpi sgt, %jit3A_416, %sign3A_425 : i32
      %sign3A_427 = arith.extui %sign3A_426 : i1 to i32
      %sign3A_428 = arith.constant 0 : i32
      %sign3A_429 = arith.cmpi slt, %jit3A_416, %sign3A_428 : i32
      %sign3A_430 = arith.extui %sign3A_429 : i1 to i32
      %sign3A_431 = arith.subi %sign3A_427, %sign3A_430 : i32
      %ne3A_432 = arith.cmpi ne, %sign3A_424, %sign3A_431 : i32
      %rem3A_433 = arith.remsi %add3A_415, %jit3A_416 : i32
      %ne3A_434 = arith.constant 0 : i32
      %ne3A_435 = arith.cmpi ne, %rem3A_433, %ne3A_434 : i32
      %and3A_436 = arith.andi %ne3A_432, %ne3A_435 : i1
      %sub3A_437 = arith.constant 1 : i32
      %sub3A_438 = arith.subi %div3A_417, %sub3A_437 : i32
      %select_n3A_439 = arith.select %and3A_436, %sub3A_438, %div3A_417 : i32
      %jit3A_440 = arith.constant 8 : i32
      %eq3A_441 = arith.constant 0 : i32
      %eq3A_442 = arith.cmpi eq, %jit3A_440, %eq3A_441 : i32
      %jit3A_443 = arith.constant 1 : i32
      %select_n3A_444 = arith.select %eq3A_442, %jit3A_443, %jit3A_440 : i32
      %rem3A_445 = arith.remsi %add3A_415, %select_n3A_444 : i32
      %ne3A_446 = arith.constant 0 : i32
      %ne3A_447 = arith.cmpi ne, %rem3A_445, %ne3A_446 : i32
      %lt3A_448 = arith.constant 0 : i32
      %lt3A_449 = arith.cmpi slt, %rem3A_445, %lt3A_448 : i32
      %lt3A_450 = arith.constant 0 : i32
      %lt3A_451 = arith.cmpi slt, %select_n3A_444, %lt3A_450 : i32
      %ne3A_452 = arith.xori %lt3A_449, %lt3A_451 : i1
      %and3A_453 = arith.andi %ne3A_452, %ne3A_447 : i1
      %add3A_454 = arith.addi %rem3A_445, %select_n3A_444 : i32
      %select_n3A_455 = arith.select %and3A_453, %add3A_454, %rem3A_445 : i32
      %mul3A_456 = arith.constant 128 : i32
      %mul3A_457 = arith.muli %select_n3A_455, %mul3A_456 : i32
      %jit3A_458 = arith.constant 8 : i32
      %div3A_459 = arith.divsi %select_n3A_439, %jit3A_458 : i32
      %sign3A_460 = arith.constant 0 : i32
      %sign3A_461 = arith.cmpi sgt, %select_n3A_439, %sign3A_460 : i32
      %sign3A_462 = arith.extui %sign3A_461 : i1 to i32
      %sign3A_463 = arith.constant 0 : i32
      %sign3A_464 = arith.cmpi slt, %select_n3A_439, %sign3A_463 : i32
      %sign3A_465 = arith.extui %sign3A_464 : i1 to i32
      %sign3A_466 = arith.subi %sign3A_462, %sign3A_465 : i32
      %sign3A_467 = arith.constant 0 : i32
      %sign3A_468 = arith.cmpi sgt, %jit3A_458, %sign3A_467 : i32
      %sign3A_469 = arith.extui %sign3A_468 : i1 to i32
      %sign3A_470 = arith.constant 0 : i32
      %sign3A_471 = arith.cmpi slt, %jit3A_458, %sign3A_470 : i32
      %sign3A_472 = arith.extui %sign3A_471 : i1 to i32
      %sign3A_473 = arith.subi %sign3A_469, %sign3A_472 : i32
      %ne3A_474 = arith.cmpi ne, %sign3A_466, %sign3A_473 : i32
      %rem3A_475 = arith.remsi %select_n3A_439, %jit3A_458 : i32
      %ne3A_476 = arith.constant 0 : i32
      %ne3A_477 = arith.cmpi ne, %rem3A_475, %ne3A_476 : i32
      %and3A_478 = arith.andi %ne3A_474, %ne3A_477 : i1
      %sub3A_479 = arith.constant 1 : i32
      %sub3A_480 = arith.subi %div3A_459, %sub3A_479 : i32
      %select_n3A_481 = arith.select %and3A_478, %sub3A_480, %div3A_459 : i32
      %sub3A_482 = arith.subi %select_n3A_481, %select_n3A_42 : i32
      %jit3A_483 = arith.constant 8 : i32
      %eq3A_484 = arith.constant 0 : i32
      %eq3A_485 = arith.cmpi eq, %jit3A_483, %eq3A_484 : i32
      %jit3A_486 = arith.constant 1 : i32
      %select_n3A_487 = arith.select %eq3A_485, %jit3A_486, %jit3A_483 : i32
      %rem3A_488 = arith.remsi %select_n3A_439, %select_n3A_487 : i32
      %ne3A_489 = arith.constant 0 : i32
      %ne3A_490 = arith.cmpi ne, %rem3A_488, %ne3A_489 : i32
      %lt3A_491 = arith.constant 0 : i32
      %lt3A_492 = arith.cmpi slt, %rem3A_488, %lt3A_491 : i32
      %lt3A_493 = arith.constant 0 : i32
      %lt3A_494 = arith.cmpi slt, %select_n3A_487, %lt3A_493 : i32
      %ne3A_495 = arith.xori %lt3A_492, %lt3A_494 : i1
      %and3A_496 = arith.andi %ne3A_495, %ne3A_490 : i1
      %add3A_497 = arith.addi %rem3A_488, %select_n3A_487 : i32
      %select_n3A_498 = arith.select %and3A_496, %add3A_497, %rem3A_488 : i32
      %add3A_499 = arith.constant 0 : i32
      %add3A_500 = arith.addi %mul3A_457, %add3A_499 : i32
      %get3A_501 = arith.index_cast %sub3A_482 : i32 to index
      %get3A_502 = arith.index_cast %select_n3A_498 : i32 to index
      %get3A_503 = arith.index_cast %add3A_500 : i32 to index
      %get3A_504 = tpu.vector_load %arg6[%get3A_501, %get3A_502, %get3A_503] {strides = array<i32>} : memref<2x8x1024xi32, #tpu.memory_space<vmem>>, vector<16xi32>,
      %shift_right_logical3A_505 = arith.constant 1 : i32
      %shift_right_logical3A_506 = vector.broadcast %shift_right_logical3A_505 : i32 to vector<16xi32>
      %shift_right_logical3A_507 = arith.shrui %get3A_504, %shift_right_logical3A_506 : vector<16xi32>
      %swap3A_508 = arith.constant 1 : i32
      %swap3A_509 = arith.index_cast %swap3A_508 : i32 to index
      %swap3A_510 = arith.constant 0 : index
      %swap3A_511 = tpu.vector_load %arg7[%swap3A_509, %swap3A_510] {strides = array<i32>} : memref<2x128xi32, #tpu.memory_space<vmem>>, vector<16xi32>,
      tpu.vector_store %arg7[%swap3A_509, %swap3A_510], %shift_right_logical3A_507 {strides = array<i32>} : memref<2x128xi32, #tpu.memory_space<vmem>>, vector<16xi32>,
      %and3A_512 = arith.constant 1 : i32
      %and3A_513 = vector.broadcast %and3A_512 : i32 to vector<16xi32>
      %and3A_514 = arith.andi %get3A_504, %and3A_513 : vector<16xi32>
      %shift_left3A_515 = arith.constant 6 : i32
      %shift_left3A_516 = vector.broadcast %shift_left3A_515 : i32 to vector<16xi32>
      %shift_left3A_517 = arith.shli %and3A_514, %shift_left3A_516 : vector<16xi32>
      %swap3A_518 = arith.constant 1 : i32
      %swap3A_519 = arith.index_cast %swap3A_518 : i32 to index
      %swap3A_520 = arith.constant 0 : index
      %swap3A_521 = tpu.vector_load %arg8[%swap3A_519, %swap3A_520] {strides = array<i32>} : memref<2x128xi32, #tpu.memory_space<vmem>>, vector<16xi32>,
      tpu.vector_store %arg8[%swap3A_519, %swap3A_520], %shift_left3A_517 {strides = array<i32>} : memref<2x128xi32, #tpu.memory_space<vmem>>, vector<16xi32>,
      %add3A_522 = arith.constant 16 : i32
      %add3A_523 = arith.addi %mul3A_457, %add3A_522 : i32
      %get3A_524 = arith.index_cast %sub3A_482 : i32 to index
      %get3A_525 = arith.index_cast %select_n3A_498 : i32 to index
      %get3A_526 = arith.index_cast %add3A_523 : i32 to index
      %get3A_527 = tpu.vector_load %arg6[%get3A_524, %get3A_525, %get3A_526] {strides = array<i32>} : memref<2x8x1024xi32, #tpu.memory_space<vmem>>, vector<16xi32>,
      %shift_right_logical3A_528 = arith.constant 1 : i32
      %shift_right_logical3A_529 = vector.broadcast %shift_right_logical3A_528 : i32 to vector<16xi32>
      %shift_right_logical3A_530 = arith.shrui %get3A_527, %shift_right_logical3A_529 : vector<16xi32>
      %swap3A_531 = arith.constant 1 : i32
      %swap3A_532 = arith.index_cast %swap3A_531 : i32 to index
      %swap3A_533 = arith.constant 16 : index
      %swap3A_534 = tpu.vector_load %arg7[%swap3A_532, %swap3A_533] {strides = array<i32>} : memref<2x128xi32, #tpu.memory_space<vmem>>, vector<16xi32>,
      tpu.vector_store %arg7[%swap3A_532, %swap3A_533], %shift_right_logical3A_530 {strides = array<i32>} : memref<2x128xi32, #tpu.memory_space<vmem>>, vector<16xi32>,
      %and3A_535 = arith.constant 1 : i32
      %and3A_536 = vector.broadcast %and3A_535 : i32 to vector<16xi32>
      %and3A_537 = arith.andi %get3A_527, %and3A_536 : vector<16xi32>
      %shift_left3A_538 = arith.constant 6 : i32
      %shift_left3A_539 = vector.broadcast %shift_left3A_538 : i32 to vector<16xi32>
      %shift_left3A_540 = arith.shli %and3A_537, %shift_left3A_539 : vector<16xi32>
      %swap3A_541 = arith.constant 1 : i32
      %swap3A_542 = arith.index_cast %swap3A_541 : i32 to index
      %swap3A_543 = arith.constant 16 : index
      %swap3A_544 = tpu.vector_load %arg8[%swap3A_542, %swap3A_543] {strides = array<i32>} : memref<2x128xi32, #tpu.memory_space<vmem>>, vector<16xi32>,
      tpu.vector_store %arg8[%swap3A_542, %swap3A_543], %shift_left3A_540 {strides = array<i32>} : memref<2x128xi32, #tpu.memory_space<vmem>>, vector<16xi32>,
      %add3A_545 = arith.constant 32 : i32
      %add3A_546 = arith.addi %mul3A_457, %add3A_545 : i32
      %get3A_547 = arith.index_cast %sub3A_482 : i32 to index
      %get3A_548 = arith.index_cast %select_n3A_498 : i32 to index
      %get3A_549 = arith.index_cast %add3A_546 : i32 to index
      %get3A_550 = tpu.vector_load %arg6[%get3A_547, %get3A_548, %get3A_549] {strides = array<i32>} : memref<2x8x1024xi32, #tpu.memory_space<vmem>>, vector<16xi32>,
      %shift_right_logical3A_551 = arith.constant 1 : i32
      %shift_right_logical3A_552 = vector.broadcast %shift_right_logical3A_551 : i32 to vector<16xi32>
      %shift_right_logical3A_553 = arith.shrui %get3A_550, %shift_right_logical3A_552 : vector<16xi32>
      %swap3A_554 = arith.constant 1 : i32
      %swap3A_555 = arith.index_cast %swap3A_554 : i32 to index
      %swap3A_556 = arith.constant 32 : index
      %swap3A_557 = tpu.vector_load %arg7[%swap3A_555, %swap3A_556] {strides = array<i32>} : memref<2x128xi32, #tpu.memory_space<vmem>>, vector<16xi32>,
      tpu.vector_store %arg7[%swap3A_555, %swap3A_556], %shift_right_logical3A_553 {strides = array<i32>} : memref<2x128xi32, #tpu.memory_space<vmem>>, vector<16xi32>,
      %and3A_558 = arith.constant 1 : i32
      %and3A_559 = vector.broadcast %and3A_558 : i32 to vector<16xi32>
      %and3A_560 = arith.andi %get3A_550, %and3A_559 : vector<16xi32>
      %shift_left3A_561 = arith.constant 6 : i32
      %shift_left3A_562 = vector.broadcast %shift_left3A_561 : i32 to vector<16xi32>
      %shift_left3A_563 = arith.shli %and3A_560, %shift_left3A_562 : vector<16xi32>
      %swap3A_564 = arith.constant 1 : i32
      %swap3A_565 = arith.index_cast %swap3A_564 : i32 to index
      %swap3A_566 = arith.constant 32 : index
      %swap3A_567 = tpu.vector_load %arg8[%swap3A_565, %swap3A_566] {strides = array<i32>} : memref<2x128xi32, #tpu.memory_space<vmem>>, vector<16xi32>,
      tpu.vector_store %arg8[%swap3A_565, %swap3A_566], %shift_left3A_563 {strides = array<i32>} : memref<2x128xi32, #tpu.memory_space<vmem>>, vector<16xi32>,
      %add3A_568 = arith.constant 48 : i32
      %add3A_569 = arith.addi %mul3A_457, %add3A_568 : i32
      %get3A_570 = arith.index_cast %sub3A_482 : i32 to index
      %get3A_571 = arith.index_cast %select_n3A_498 : i32 to index
      %get3A_572 = arith.index_cast %add3A_569 : i32 to index
      %get3A_573 = tpu.vector_load %arg6[%get3A_570, %get3A_571, %get3A_572] {strides = array<i32>} : memref<2x8x1024xi32, #tpu.memory_space<vmem>>, vector<16xi32>,
      %shift_right_logical3A_574 = arith.constant 1 : i32
      %shift_right_logical3A_575 = vector.broadcast %shift_right_logical3A_574 : i32 to vector<16xi32>
      %shift_right_logical3A_576 = arith.shrui %get3A_573, %shift_right_logical3A_575 : vector<16xi32>
      %swap3A_577 = arith.constant 1 : i32
      %swap3A_578 = arith.index_cast %swap3A_577 : i32 to index
      %swap3A_579 = arith.constant 48 : index
      %swap3A_580 = tpu.vector_load %arg7[%swap3A_578, %swap3A_579] {strides = array<i32>} : memref<2x128xi32, #tpu.memory_space<vmem>>, vector<16xi32>,
      tpu.vector_store %arg7[%swap3A_578, %swap3A_579], %shift_right_logical3A_576 {strides = array<i32>} : memref<2x128xi32, #tpu.memory_space<vmem>>, vector<16xi32>,
      %and3A_581 = arith.constant 1 : i32
      %and3A_582 = vector.broadcast %and3A_581 : i32 to vector<16xi32>
      %and3A_583 = arith.andi %get3A_573, %and3A_582 : vector<16xi32>
      %shift_left3A_584 = arith.constant 6 : i32
      %shift_left3A_585 = vector.broadcast %shift_left3A_584 : i32 to vector<16xi32>
      %shift_left3A_586 = arith.shli %and3A_583, %shift_left3A_585 : vector<16xi32>
      %swap3A_587 = arith.constant 1 : i32
      %swap3A_588 = arith.index_cast %swap3A_587 : i32 to index
      %swap3A_589 = arith.constant 48 : index
      %swap3A_590 = tpu.vector_load %arg8[%swap3A_588, %swap3A_589] {strides = array<i32>} : memref<2x128xi32, #tpu.memory_space<vmem>>, vector<16xi32>,
      tpu.vector_store %arg8[%swap3A_588, %swap3A_589], %shift_left3A_586 {strides = array<i32>} : memref<2x128xi32, #tpu.memory_space<vmem>>, vector<16xi32>,
      %add3A_591 = arith.constant 64 : i32
      %add3A_592 = arith.addi %mul3A_457, %add3A_591 : i32
      %get3A_593 = arith.index_cast %sub3A_482 : i32 to index
      %get3A_594 = arith.index_cast %select_n3A_498 : i32 to index
      %get3A_595 = arith.index_cast %add3A_592 : i32 to index
      %get3A_596 = tpu.vector_load %arg6[%get3A_593, %get3A_594, %get3A_595] {strides = array<i32>} : memref<2x8x1024xi32, #tpu.memory_space<vmem>>, vector<16xi32>,
      %shift_right_logical3A_597 = arith.constant 1 : i32
      %shift_right_logical3A_598 = vector.broadcast %shift_right_logical3A_597 : i32 to vector<16xi32>
      %shift_right_logical3A_599 = arith.shrui %get3A_596, %shift_right_logical3A_598 : vector<16xi32>
      %swap3A_600 = arith.constant 1 : i32
      %swap3A_601 = arith.index_cast %swap3A_600 : i32 to index
      %swap3A_602 = arith.constant 64 : index
      %swap3A_603 = tpu.vector_load %arg7[%swap3A_601, %swap3A_602] {strides = array<i32>} : memref<2x128xi32, #tpu.memory_space<vmem>>, vector<16xi32>,
      tpu.vector_store %arg7[%swap3A_601, %swap3A_602], %shift_right_logical3A_599 {strides = array<i32>} : memref<2x128xi32, #tpu.memory_space<vmem>>, vector<16xi32>,
      %and3A_604 = arith.constant 1 : i32
      %and3A_605 = vector.broadcast %and3A_604 : i32 to vector<16xi32>
      %and3A_606 = arith.andi %get3A_596, %and3A_605 : vector<16xi32>
      %shift_left3A_607 = arith.constant 6 : i32
      %shift_left3A_608 = vector.broadcast %shift_left3A_607 : i32 to vector<16xi32>
      %shift_left3A_609 = arith.shli %and3A_606, %shift_left3A_608 : vector<16xi32>
      %swap3A_610 = arith.constant 1 : i32
      %swap3A_611 = arith.index_cast %swap3A_610 : i32 to index
      %swap3A_612 = arith.constant 64 : index
      %swap3A_613 = tpu.vector_load %arg8[%swap3A_611, %swap3A_612] {strides = array<i32>} : memref<2x128xi32, #tpu.memory_space<vmem>>, vector<16xi32>,
      tpu.vector_store %arg8[%swap3A_611, %swap3A_612], %shift_left3A_609 {strides = array<i32>} : memref<2x128xi32, #tpu.memory_space<vmem>>, vector<16xi32>,
      %add3A_614 = arith.constant 80 : i32
      %add3A_615 = arith.addi %mul3A_457, %add3A_614 : i32
      %get3A_616 = arith.index_cast %sub3A_482 : i32 to index
      %get3A_617 = arith.index_cast %select_n3A_498 : i32 to index
      %get3A_618 = arith.index_cast %add3A_615 : i32 to index
      %get3A_619 = tpu.vector_load %arg6[%get3A_616, %get3A_617, %get3A_618] {strides = array<i32>} : memref<2x8x1024xi32, #tpu.memory_space<vmem>>, vector<16xi32>,
      %shift_right_logical3A_620 = arith.constant 1 : i32
      %shift_right_logical3A_621 = vector.broadcast %shift_right_logical3A_620 : i32 to vector<16xi32>
      %shift_right_logical3A_622 = arith.shrui %get3A_619, %shift_right_logical3A_621 : vector<16xi32>
      %swap3A_623 = arith.constant 1 : i32
      %swap3A_624 = arith.index_cast %swap3A_623 : i32 to index
      %swap3A_625 = arith.constant 80 : index
      %swap3A_626 = tpu.vector_load %arg7[%swap3A_624, %swap3A_625] {strides = array<i32>} : memref<2x128xi32, #tpu.memory_space<vmem>>, vector<16xi32>,
      tpu.vector_store %arg7[%swap3A_624, %swap3A_625], %shift_right_logical3A_622 {strides = array<i32>} : memref<2x128xi32, #tpu.memory_space<vmem>>, vector<16xi32>,
      %and3A_627 = arith.constant 1 : i32
      %and3A_628 = vector.broadcast %and3A_627 : i32 to vector<16xi32>
      %and3A_629 = arith.andi %get3A_619, %and3A_628 : vector<16xi32>
      %shift_left3A_630 = arith.constant 6 : i32
      %shift_left3A_631 = vector.broadcast %shift_left3A_630 : i32 to vector<16xi32>
      %shift_left3A_632 = arith.shli %and3A_629, %shift_left3A_631 : vector<16xi32>
      %swap3A_633 = arith.constant 1 : i32
      %swap3A_634 = arith.index_cast %swap3A_633 : i32 to index
      %swap3A_635 = arith.constant 80 : index
      %swap3A_636 = tpu.vector_load %arg8[%swap3A_634, %swap3A_635] {strides = array<i32>} : memref<2x128xi32, #tpu.memory_space<vmem>>, vector<16xi32>,
      tpu.vector_store %arg8[%swap3A_634, %swap3A_635], %shift_left3A_632 {strides = array<i32>} : memref<2x128xi32, #tpu.memory_space<vmem>>, vector<16xi32>,
      %add3A_637 = arith.constant 96 : i32
      %add3A_638 = arith.addi %mul3A_457, %add3A_637 : i32
      %get3A_639 = arith.index_cast %sub3A_482 : i32 to index
      %get3A_640 = arith.index_cast %select_n3A_498 : i32 to index
      %get3A_641 = arith.index_cast %add3A_638 : i32 to index
      %get3A_642 = tpu.vector_load %arg6[%get3A_639, %get3A_640, %get3A_641] {strides = array<i32>} : memref<2x8x1024xi32, #tpu.memory_space<vmem>>, vector<16xi32>,
      %shift_right_logical3A_643 = arith.constant 1 : i32
      %shift_right_logical3A_644 = vector.broadcast %shift_right_logical3A_643 : i32 to vector<16xi32>
      %shift_right_logical3A_645 = arith.shrui %get3A_642, %shift_right_logical3A_644 : vector<16xi32>
      %swap3A_646 = arith.constant 1 : i32
      %swap3A_647 = arith.index_cast %swap3A_646 : i32 to index
      %swap3A_648 = arith.constant 96 : index
      %swap3A_649 = tpu.vector_load %arg7[%swap3A_647, %swap3A_648] {strides = array<i32>} : memref<2x128xi32, #tpu.memory_space<vmem>>, vector<16xi32>,
      tpu.vector_store %arg7[%swap3A_647, %swap3A_648], %shift_right_logical3A_645 {strides = array<i32>} : memref<2x128xi32, #tpu.memory_space<vmem>>, vector<16xi32>,
      %and3A_650 = arith.constant 1 : i32
      %and3A_651 = vector.broadcast %and3A_650 : i32 to vector<16xi32>
      %and3A_652 = arith.andi %get3A_642, %and3A_651 : vector<16xi32>
      %shift_left3A_653 = arith.constant 6 : i32
      %shift_left3A_654 = vector.broadcast %shift_left3A_653 : i32 to vector<16xi32>
      %shift_left3A_655 = arith.shli %and3A_652, %shift_left3A_654 : vector<16xi32>
      %swap3A_656 = arith.constant 1 : i32
      %swap3A_657 = arith.index_cast %swap3A_656 : i32 to index
      %swap3A_658 = arith.constant 96 : index
      %swap3A_659 = tpu.vector_load %arg8[%swap3A_657, %swap3A_658] {strides = array<i32>} : memref<2x128xi32, #tpu.memory_space<vmem>>, vector<16xi32>,
      tpu.vector_store %arg8[%swap3A_657, %swap3A_658], %shift_left3A_655 {strides = array<i32>} : memref<2x128xi32, #tpu.memory_space<vmem>>, vector<16xi32>,
      %add3A_660 = arith.constant 112 : i32
      %add3A_661 = arith.addi %mul3A_457, %add3A_660 : i32
      %get3A_662 = arith.index_cast %sub3A_482 : i32 to index
      %get3A_663 = arith.index_cast %select_n3A_498 : i32 to index
      %get3A_664 = arith.index_cast %add3A_661 : i32 to index
      %get3A_665 = tpu.vector_load %arg6[%get3A_662, %get3A_663, %get3A_664] {strides = array<i32>} : memref<2x8x1024xi32, #tpu.memory_space<vmem>>, vector<16xi32>,
      %shift_right_logical3A_666 = arith.constant 1 : i32
      %shift_right_logical3A_667 = vector.broadcast %shift_right_logical3A_666 : i32 to vector<16xi32>
      %shift_right_logical3A_668 = arith.shrui %get3A_665, %shift_right_logical3A_667 : vector<16xi32>
      %swap3A_669 = arith.constant 1 : i32
      %swap3A_670 = arith.index_cast %swap3A_669 : i32 to index
      %swap3A_671 = arith.constant 112 : index
      %swap3A_672 = tpu.vector_load %arg7[%swap3A_670, %swap3A_671] {strides = array<i32>} : memref<2x128xi32, #tpu.memory_space<vmem>>, vector<16xi32>,
      tpu.vector_store %arg7[%swap3A_670, %swap3A_671], %shift_right_logical3A_668 {strides = array<i32>} : memref<2x128xi32, #tpu.memory_space<vmem>>, vector<16xi32>,
      %and3A_673 = arith.constant 1 : i32
      %and3A_674 = vector.broadcast %and3A_673 : i32 to vector<16xi32>
      %and3A_675 = arith.andi %get3A_665, %and3A_674 : vector<16xi32>
      %shift_left3A_676 = arith.constant 6 : i32
      %shift_left3A_677 = vector.broadcast %shift_left3A_676 : i32 to vector<16xi32>
      %shift_left3A_678 = arith.shli %and3A_675, %shift_left3A_677 : vector<16xi32>
      %swap3A_679 = arith.constant 1 : i32
      %swap3A_680 = arith.index_cast %swap3A_679 : i32 to index
      %swap3A_681 = arith.constant 112 : index
      %swap3A_682 = tpu.vector_load %arg8[%swap3A_680, %swap3A_681] {strides = array<i32>} : memref<2x128xi32, #tpu.memory_space<vmem>>, vector<16xi32>,
      tpu.vector_store %arg8[%swap3A_680, %swap3A_681], %shift_left3A_678 {strides = array<i32>} : memref<2x128xi32, #tpu.memory_space<vmem>>, vector<16xi32>,
      %dma_start3A_683 = arith.constant 1 : i32
      %dma_start3A_684 = arith.constant 1 : i32
      %dma_start3A_685 = arith.constant 0 : i32
      %dma_start3A_686 = arith.constant 0 : i32
      %dma_start3A_687 = tpu.memref_slice %arg9[%dma_start3A_684, %dma_start3A_685, %dma_start3A_686] : memref<2x128x128xf32, #tpu.memory_space<vmem>> -> memref<1x128x128xf32, #tpu.memory_space<vmem>>
      %dma_start3A_688 = tpu.memref_squeeze %dma_start3A_687 : memref<1x128x128xf32, #tpu.memory_space<vmem>> -> memref<128x128xf32, #tpu.memory_space<vmem>>
      %dma_start3A_689 = arith.constant 0 : i32
      %dma_start3A_690 = tpu.memref_slice %arg7[%dma_start3A_683, %dma_start3A_689] : memref<2x128xi32, #tpu.memory_space<vmem>> -> memref<1x128xi32, #tpu.memory_space<vmem>>
      %dma_start3A_691 = tpu.memref_squeeze %dma_start3A_690 : memref<1x128xi32, #tpu.memory_space<vmem>> -> memref<128xi32, #tpu.memory_space<vmem>>
      %dma_start3A_692 = arith.constant 0 : i32
      %dma_start3A_693 = arith.constant 0 : i32
      %dma_start3A_694 = tpu.memref_slice %arg3[%dma_start3A_692, %dma_start3A_693] : memref<500001x128xf32, #tpu.memory_space<hbm>> -> memref<500001x128xf32, #tpu.memory_space<hbm>>
      tpu.enqueue_indirect_dma source(%dma_start3A_694 : memref<500001x128xf32, #tpu.memory_space<hbm>>) target(%dma_start3A_688 : memref<128x128xf32, #tpu.memory_space<vmem>>) offsets(%dma_start3A_691 : memref<128xi32, #tpu.memory_space<vmem>>) semaphore(%arg13 : memref<!tpu.dma_semaphore, #tpu.memory_space<semaphore_mem>>)
      %add3A_695 = arith.addi %mul3A_2, %mul3A_412 : i32
      %jit3A_696 = arith.constant 8 : i32
      %div3A_697 = arith.divsi %add3A_695, %jit3A_696 : i32
      %sign3A_698 = arith.constant 0 : i32
      %sign3A_699 = arith.cmpi sgt, %add3A_695, %sign3A_698 : i32
      %sign3A_700 = arith.extui %sign3A_699 : i1 to i32
      %sign3A_701 = arith.constant 0 : i32
      %sign3A_702 = arith.cmpi slt, %add3A_695, %sign3A_701 : i32
      %sign3A_703 = arith.extui %sign3A_702 : i1 to i32
      %sign3A_704 = arith.subi %sign3A_700, %sign3A_703 : i32
      %sign3A_705 = arith.constant 0 : i32
      %sign3A_706 = arith.cmpi sgt, %jit3A_696, %sign3A_705 : i32
      %sign3A_707 = arith.extui %sign3A_706 : i1 to i32
      %sign3A_708 = arith.constant 0 : i32
      %sign3A_709 = arith.cmpi slt, %jit3A_696, %sign3A_708 : i32
      %sign3A_710 = arith.extui %sign3A_709 : i1 to i32
      %sign3A_711 = arith.subi %sign3A_707, %sign3A_710 : i32
      %ne3A_712 = arith.cmpi ne, %sign3A_704, %sign3A_711 : i32
      %rem3A_713 = arith.remsi %add3A_695, %jit3A_696 : i32
      %ne3A_714 = arith.constant 0 : i32
      %ne3A_715 = arith.cmpi ne, %rem3A_713, %ne3A_714 : i32
      %and3A_716 = arith.andi %ne3A_712, %ne3A_715 : i1
      %sub3A_717 = arith.constant 1 : i32
      %sub3A_718 = arith.subi %div3A_697, %sub3A_717 : i32
      %select_n3A_719 = arith.select %and3A_716, %sub3A_718, %div3A_697 : i32
      %jit3A_720 = arith.constant 8 : i32
      %eq3A_721 = arith.constant 0 : i32
      %eq3A_722 = arith.cmpi eq, %jit3A_720, %eq3A_721 : i32
      %jit3A_723 = arith.constant 1 : i32
      %select_n3A_724 = arith.select %eq3A_722, %jit3A_723, %jit3A_720 : i32
      %rem3A_725 = arith.remsi %add3A_695, %select_n3A_724 : i32
      %ne3A_726 = arith.constant 0 : i32
      %ne3A_727 = arith.cmpi ne, %rem3A_725, %ne3A_726 : i32
      %lt3A_728 = arith.constant 0 : i32
      %lt3A_729 = arith.cmpi slt, %rem3A_725, %lt3A_728 : i32
      %lt3A_730 = arith.constant 0 : i32
      %lt3A_731 = arith.cmpi slt, %select_n3A_724, %lt3A_730 : i32
      %ne3A_732 = arith.xori %lt3A_729, %lt3A_731 : i1
      %and3A_733 = arith.andi %ne3A_732, %ne3A_727 : i1
      %add3A_734 = arith.addi %rem3A_725, %select_n3A_724 : i32
      %select_n3A_735 = arith.select %and3A_733, %add3A_734, %rem3A_725 : i32
      %mul3A_736 = arith.constant 128 : i32
      %mul3A_737 = arith.muli %select_n3A_735, %mul3A_736 : i32
      %dma_wait3A_738 = arith.constant 0 : i32
      %dma_wait3A_739 = arith.constant 0 : i32
      %dma_wait3A_740 = arith.constant 0 : i32
      %dma_wait3A_741 = arith.constant 0 : i32
      %dma_wait3A_742 = tpu.memref_slice %arg9[%dma_wait3A_739, %dma_wait3A_740, %dma_wait3A_741] : memref<2x128x128xf32, #tpu.memory_space<vmem>> -> memref<1x128x128xf32, #tpu.memory_space<vmem>>
      %dma_wait3A_743 = tpu.memref_squeeze %dma_wait3A_742 : memref<1x128x128xf32, #tpu.memory_space<vmem>> -> memref<128x128xf32, #tpu.memory_space<vmem>>
      %dma_wait3A_744 = arith.constant 0 : i32
      %dma_wait3A_745 = tpu.memref_slice %arg7[%dma_wait3A_738, %dma_wait3A_744] : memref<2x128xi32, #tpu.memory_space<vmem>> -> memref<1x128xi32, #tpu.memory_space<vmem>>
      %dma_wait3A_746 = tpu.memref_squeeze %dma_wait3A_745 : memref<1x128xi32, #tpu.memory_space<vmem>> -> memref<128xi32, #tpu.memory_space<vmem>>
      %dma_wait3A_747 = arith.constant 0 : i32
      %dma_wait3A_748 = arith.constant 0 : i32
      %dma_wait3A_749 = tpu.memref_slice %arg3[%dma_wait3A_747, %dma_wait3A_748] : memref<500001x128xf32, #tpu.memory_space<hbm>> -> memref<500001x128xf32, #tpu.memory_space<hbm>>
      tpu.wait_indirect_dma semaphore(%arg12 : memref<!tpu.dma_semaphore, #tpu.memory_space<semaphore_mem>>) src(%dma_wait3A_749 : memref<500001x128xf32, #tpu.memory_space<hbm>>) dst(%dma_wait3A_743 : memref<128x128xf32, #tpu.memory_space<vmem>>)
      %ge3A = arith.constant 2 : i32
      %ge3A_750 = arith.cmpi sge, %mul3A_412, %ge3A : i32
      %convert_element_type3A = arith.extui %ge3A_750 : i1 to i32
      %cond3A = arith.constant 0 : i32
      %cond3A_751 = arith.cmpi ne, %convert_element_type3A, %cond3A : i32
      scf.if %cond3A_751 {
        %dma_wait3A_857 = arith.constant 0 : i32
        %dma_wait3A_858 = arith.constant 0 : i32
        %dma_wait3A_859 = arith.constant 0 : i32
        %dma_wait3A_860 = arith.constant 0 : i32
        %dma_wait3A_861 = tpu.memref_slice %arg10[%dma_wait3A_857, %dma_wait3A_859, %dma_wait3A_860] : memref<2x64x128xf32, #tpu.memory_space<vmem>> -> memref<1x64x128xf32, #tpu.memory_space<vmem>>
        %dma_wait3A_862 = tpu.memref_squeeze %dma_wait3A_861 : memref<1x64x128xf32, #tpu.memory_space<vmem>> -> memref<64x128xf32, #tpu.memory_space<vmem>>
        %dma_wait3A_863 = arith.constant 0 : i32
        %dma_wait3A_864 = arith.constant 0 : i32
        %dma_wait3A_865 = tpu.memref_slice %arg5[%dma_wait3A_858, %dma_wait3A_863, %dma_wait3A_864] : memref<200x64x1024xf32, #tpu.memory_space<hbm>> -> memref<1x64x128xf32, #tpu.memory_space<hbm>>
        %dma_wait3A_866 = tpu.memref_squeeze %dma_wait3A_865 : memref<1x64x128xf32, #tpu.memory_space<hbm>> -> memref<64x128xf32, #tpu.memory_space<hbm>>
        %dma_wait3A_867 = arith.constant 0 : i32
        %dma_wait3A_868 = arith.constant 0 : i32
        %dma_wait3A_869 = tpu.memref_slice %arg5[%dma_wait3A_858, %dma_wait3A_867, %dma_wait3A_868] : memref<200x64x1024xf32, #tpu.memory_space<hbm>> -> memref<1x64x128xf32, #tpu.memory_space<hbm>>
        %dma_wait3A_870 = tpu.memref_squeeze %dma_wait3A_869 : memref<1x64x128xf32, #tpu.memory_space<hbm>> -> memref<64x128xf32, #tpu.memory_space<hbm>>
        %dma_wait3A_871 = arith.constant 0 : i32
        %dma_wait3A_872 = arith.constant 0 : i32
        %dma_wait3A_873 = tpu.memref_slice %arg10[%dma_wait3A_857, %dma_wait3A_871, %dma_wait3A_872] : memref<2x64x128xf32, #tpu.memory_space<vmem>> -> memref<1x64x128xf32, #tpu.memory_space<vmem>>
        %dma_wait3A_874 = tpu.memref_squeeze %dma_wait3A_873 : memref<1x64x128xf32, #tpu.memory_space<vmem>> -> memref<64x128xf32, #tpu.memory_space<vmem>>
        tpu.wait_dma2 semaphore(%arg14 : memref<!tpu.dma_semaphore, #tpu.memory_space<semaphore_mem>>) src(%dma_wait3A_874 : memref<64x128xf32, #tpu.memory_space<vmem>>) dst(%dma_wait3A_870 : memref<64x128xf32, #tpu.memory_space<hbm>>)
      } else {
      }
      %broadcast_in_dim3A = vector.broadcast %select_n3A_719 : i32 to vector<16xi32>
      %parallel_loop3A = arith.constant 0 : i32
      %parallel_loop3A_752 = arith.constant 64 : i32
      %parallel_loop3A_753 = arith.constant 1 : i32
      scf.for %parallel_loop3A_857 = %parallel_loop3A to %parallel_loop3A_752 step %parallel_loop3A_753  : i32 {
        %parallel_loop3A_858 = vector.broadcast %parallel_loop3A_857 : i32 to vector<16xi32>
        %parallel_loop3A_859 = tpu.vector_load_idx %arg11[%broadcast_in_dim3A, %parallel_loop3A_858] : memref<200x64xf32, #tpu.memory_space<vmem>>[vector<16xi32>, vector<16xi32>], vector<16xf32>,
        %parallel_loop3A_860 = tpu.iota {dimensions = array<i32: 0>} : vector<16xi32>
        %parallel_loop3A_861 = arith.constant 0 : i32
        %parallel_loop3A_862 = vector.broadcast %parallel_loop3A_861 : i32 to vector<16xi32>
        %parallel_loop3A_863 = arith.addi %parallel_loop3A_860, %parallel_loop3A_862 : vector<16xi32>
        %parallel_loop3A_864 = arith.constant 0 : i32
        %parallel_loop3A_865 = arith.index_cast %parallel_loop3A_864 : i32 to index
        %parallel_loop3A_866 = arith.constant 0 : index
        %parallel_loop3A_867 = tpu.vector_load %arg8[%parallel_loop3A_865, %parallel_loop3A_866] {strides = array<i32>} : memref<2x128xi32, #tpu.memory_space<vmem>>, vector<16xi32>,
        %parallel_loop3A_868 = vector.broadcast %parallel_loop3A_857 : i32 to vector<16xi32>
        %parallel_loop3A_869 = arith.addi %parallel_loop3A_867, %parallel_loop3A_868 : vector<16xi32>
        %parallel_loop3A_870 = arith.constant 0 : i32
        %parallel_loop3A_871 = arith.constant 0 : i32
        %parallel_loop3A_872 = arith.constant 0 : i32
        %parallel_loop3A_873 = tpu.memref_slice %arg9[%parallel_loop3A_870, %parallel_loop3A_871, %parallel_loop3A_872] : memref<2x128x128xf32, #tpu.memory_space<vmem>> -> memref<1x128x128xf32, #tpu.memory_space<vmem>>
        %parallel_loop3A_874 = tpu.memref_squeeze %parallel_loop3A_873 : memref<1x128x128xf32, #tpu.memory_space<vmem>> -> memref<128x128xf32, #tpu.memory_space<vmem>>
        %parallel_loop3A_875 = tpu.vector_load_idx %parallel_loop3A_874[%parallel_loop3A_863, %parallel_loop3A_869] : memref<128x128xf32, #tpu.memory_space<vmem>>[vector<16xi32>, vector<16xi32>], vector<16xf32>,
        %parallel_loop3A_876 = arith.addf %parallel_loop3A_875, %parallel_loop3A_859 : vector<16xf32>
        %parallel_loop3A_877 = arith.constant 0 : i32
        %parallel_loop3A_878 = arith.index_cast %parallel_loop3A_877 : i32 to index
        %parallel_loop3A_879 = arith.index_cast %parallel_loop3A_857 : i32 to index
        %parallel_loop3A_880 = arith.constant 0 : index
        %parallel_loop3A_881 = tpu.vector_load %arg10[%parallel_loop3A_878, %parallel_loop3A_879, %parallel_loop3A_880] {strides = array<i32>} : memref<2x64x128xf32, #tpu.memory_space<vmem>>, vector<16xf32>,
        tpu.vector_store %arg10[%parallel_loop3A_878, %parallel_loop3A_879, %parallel_loop3A_880], %parallel_loop3A_876 {strides = array<i32>} : memref<2x64x128xf32, #tpu.memory_space<vmem>>, vector<16xf32>,
        %parallel_loop3A_882 = tpu.iota {dimensions = array<i32: 0>} : vector<16xi32>
        %parallel_loop3A_883 = arith.constant 16 : i32
        %parallel_loop3A_884 = vector.broadcast %parallel_loop3A_883 : i32 to vector<16xi32>
        %parallel_loop3A_885 = arith.addi %parallel_loop3A_882, %parallel_loop3A_884 : vector<16xi32>
        %parallel_loop3A_886 = arith.constant 0 : i32
        %parallel_loop3A_887 = arith.index_cast %parallel_loop3A_886 : i32 to index
        %parallel_loop3A_888 = arith.constant 16 : index
        %parallel_loop3A_889 = tpu.vector_load %arg8[%parallel_loop3A_887, %parallel_loop3A_888] {strides = array<i32>} : memref<2x128xi32, #tpu.memory_space<vmem>>, vector<16xi32>,
        %parallel_loop3A_890 = vector.broadcast %parallel_loop3A_857 : i32 to vector<16xi32>
        %parallel_loop3A_891 = arith.addi %parallel_loop3A_889, %parallel_loop3A_890 : vector<16xi32>
        %parallel_loop3A_892 = arith.constant 0 : i32
        %parallel_loop3A_893 = arith.constant 0 : i32
        %parallel_loop3A_894 = arith.constant 0 : i32
        %parallel_loop3A_895 = tpu.memref_slice %arg9[%parallel_loop3A_892, %parallel_loop3A_893, %parallel_loop3A_894] : memref<2x128x128xf32, #tpu.memory_space<vmem>> -> memref<1x128x128xf32, #tpu.memory_space<vmem>>
        %parallel_loop3A_896 = tpu.memref_squeeze %parallel_loop3A_895 : memref<1x128x128xf32, #tpu.memory_space<vmem>> -> memref<128x128xf32, #tpu.memory_space<vmem>>
        %parallel_loop3A_897 = tpu.vector_load_idx %parallel_loop3A_896[%parallel_loop3A_885, %parallel_loop3A_891] : memref<128x128xf32, #tpu.memory_space<vmem>>[vector<16xi32>, vector<16xi32>], vector<16xf32>,
        %parallel_loop3A_898 = arith.addf %parallel_loop3A_897, %parallel_loop3A_859 : vector<16xf32>
        %parallel_loop3A_899 = arith.constant 0 : i32
        %parallel_loop3A_900 = arith.index_cast %parallel_loop3A_899 : i32 to index
        %parallel_loop3A_901 = arith.index_cast %parallel_loop3A_857 : i32 to index
        %parallel_loop3A_902 = arith.constant 16 : index
        %parallel_loop3A_903 = tpu.vector_load %arg10[%parallel_loop3A_900, %parallel_loop3A_901, %parallel_loop3A_902] {strides = array<i32>} : memref<2x64x128xf32, #tpu.memory_space<vmem>>, vector<16xf32>,
        tpu.vector_store %arg10[%parallel_loop3A_900, %parallel_loop3A_901, %parallel_loop3A_902], %parallel_loop3A_898 {strides = array<i32>} : memref<2x64x128xf32, #tpu.memory_space<vmem>>, vector<16xf32>,
        %parallel_loop3A_904 = tpu.iota {dimensions = array<i32: 0>} : vector<16xi32>
        %parallel_loop3A_905 = arith.constant 32 : i32
        %parallel_loop3A_906 = vector.broadcast %parallel_loop3A_905 : i32 to vector<16xi32>
        %parallel_loop3A_907 = arith.addi %parallel_loop3A_904, %parallel_loop3A_906 : vector<16xi32>
        %parallel_loop3A_908 = arith.constant 0 : i32
        %parallel_loop3A_909 = arith.index_cast %parallel_loop3A_908 : i32 to index
        %parallel_loop3A_910 = arith.constant 32 : index
        %parallel_loop3A_911 = tpu.vector_load %arg8[%parallel_loop3A_909, %parallel_loop3A_910] {strides = array<i32>} : memref<2x128xi32, #tpu.memory_space<vmem>>, vector<16xi32>,
        %parallel_loop3A_912 = vector.broadcast %parallel_loop3A_857 : i32 to vector<16xi32>
        %parallel_loop3A_913 = arith.addi %parallel_loop3A_911, %parallel_loop3A_912 : vector<16xi32>
        %parallel_loop3A_914 = arith.constant 0 : i32
        %parallel_loop3A_915 = arith.constant 0 : i32
        %parallel_loop3A_916 = arith.constant 0 : i32
        %parallel_loop3A_917 = tpu.memref_slice %arg9[%parallel_loop3A_914, %parallel_loop3A_915, %parallel_loop3A_916] : memref<2x128x128xf32, #tpu.memory_space<vmem>> -> memref<1x128x128xf32, #tpu.memory_space<vmem>>
        %parallel_loop3A_918 = tpu.memref_squeeze %parallel_loop3A_917 : memref<1x128x128xf32, #tpu.memory_space<vmem>> -> memref<128x128xf32, #tpu.memory_space<vmem>>
        %parallel_loop3A_919 = tpu.vector_load_idx %parallel_loop3A_918[%parallel_loop3A_907, %parallel_loop3A_913] : memref<128x128xf32, #tpu.memory_space<vmem>>[vector<16xi32>, vector<16xi32>], vector<16xf32>,
        %parallel_loop3A_920 = arith.addf %parallel_loop3A_919, %parallel_loop3A_859 : vector<16xf32>
        %parallel_loop3A_921 = arith.constant 0 : i32
        %parallel_loop3A_922 = arith.index_cast %parallel_loop3A_921 : i32 to index
        %parallel_loop3A_923 = arith.index_cast %parallel_loop3A_857 : i32 to index
        %parallel_loop3A_924 = arith.constant 32 : index
        %parallel_loop3A_925 = tpu.vector_load %arg10[%parallel_loop3A_922, %parallel_loop3A_923, %parallel_loop3A_924] {strides = array<i32>} : memref<2x64x128xf32, #tpu.memory_space<vmem>>, vector<16xf32>,
        tpu.vector_store %arg10[%parallel_loop3A_922, %parallel_loop3A_923, %parallel_loop3A_924], %parallel_loop3A_920 {strides = array<i32>} : memref<2x64x128xf32, #tpu.memory_space<vmem>>, vector<16xf32>,
        %parallel_loop3A_926 = tpu.iota {dimensions = array<i32: 0>} : vector<16xi32>
        %parallel_loop3A_927 = arith.constant 48 : i32
        %parallel_loop3A_928 = vector.broadcast %parallel_loop3A_927 : i32 to vector<16xi32>
        %parallel_loop3A_929 = arith.addi %parallel_loop3A_926, %parallel_loop3A_928 : vector<16xi32>
        %parallel_loop3A_930 = arith.constant 0 : i32
        %parallel_loop3A_931 = arith.index_cast %parallel_loop3A_930 : i32 to index
        %parallel_loop3A_932 = arith.constant 48 : index
        %parallel_loop3A_933 = tpu.vector_load %arg8[%parallel_loop3A_931, %parallel_loop3A_932] {strides = array<i32>} : memref<2x128xi32, #tpu.memory_space<vmem>>, vector<16xi32>,
        %parallel_loop3A_934 = vector.broadcast %parallel_loop3A_857 : i32 to vector<16xi32>
        %parallel_loop3A_935 = arith.addi %parallel_loop3A_933, %parallel_loop3A_934 : vector<16xi32>
        %parallel_loop3A_936 = arith.constant 0 : i32
        %parallel_loop3A_937 = arith.constant 0 : i32
        %parallel_loop3A_938 = arith.constant 0 : i32
        %parallel_loop3A_939 = tpu.memref_slice %arg9[%parallel_loop3A_936, %parallel_loop3A_937, %parallel_loop3A_938] : memref<2x128x128xf32, #tpu.memory_space<vmem>> -> memref<1x128x128xf32, #tpu.memory_space<vmem>>
        %parallel_loop3A_940 = tpu.memref_squeeze %parallel_loop3A_939 : memref<1x128x128xf32, #tpu.memory_space<vmem>> -> memref<128x128xf32, #tpu.memory_space<vmem>>
        %parallel_loop3A_941 = tpu.vector_load_idx %parallel_loop3A_940[%parallel_loop3A_929, %parallel_loop3A_935] : memref<128x128xf32, #tpu.memory_space<vmem>>[vector<16xi32>, vector<16xi32>], vector<16xf32>,
        %parallel_loop3A_942 = arith.addf %parallel_loop3A_941, %parallel_loop3A_859 : vector<16xf32>
        %parallel_loop3A_943 = arith.constant 0 : i32
        %parallel_loop3A_944 = arith.index_cast %parallel_loop3A_943 : i32 to index
        %parallel_loop3A_945 = arith.index_cast %parallel_loop3A_857 : i32 to index
        %parallel_loop3A_946 = arith.constant 48 : index
        %parallel_loop3A_947 = tpu.vector_load %arg10[%parallel_loop3A_944, %parallel_loop3A_945, %parallel_loop3A_946] {strides = array<i32>} : memref<2x64x128xf32, #tpu.memory_space<vmem>>, vector<16xf32>,
        tpu.vector_store %arg10[%parallel_loop3A_944, %parallel_loop3A_945, %parallel_loop3A_946], %parallel_loop3A_942 {strides = array<i32>} : memref<2x64x128xf32, #tpu.memory_space<vmem>>, vector<16xf32>,
        %parallel_loop3A_948 = tpu.iota {dimensions = array<i32: 0>} : vector<16xi32>
        %parallel_loop3A_949 = arith.constant 64 : i32
        %parallel_loop3A_950 = vector.broadcast %parallel_loop3A_949 : i32 to vector<16xi32>
        %parallel_loop3A_951 = arith.addi %parallel_loop3A_948, %parallel_loop3A_950 : vector<16xi32>
        %parallel_loop3A_952 = arith.constant 0 : i32
        %parallel_loop3A_953 = arith.index_cast %parallel_loop3A_952 : i32 to index
        %parallel_loop3A_954 = arith.constant 64 : index
        %parallel_loop3A_955 = tpu.vector_load %arg8[%parallel_loop3A_953, %parallel_loop3A_954] {strides = array<i32>} : memref<2x128xi32, #tpu.memory_space<vmem>>, vector<16xi32>,
        %parallel_loop3A_956 = vector.broadcast %parallel_loop3A_857 : i32 to vector<16xi32>
        %parallel_loop3A_957 = arith.addi %parallel_loop3A_955, %parallel_loop3A_956 : vector<16xi32>
        %parallel_loop3A_958 = arith.constant 0 : i32
        %parallel_loop3A_959 = arith.constant 0 : i32
        %parallel_loop3A_960 = arith.constant 0 : i32
        %parallel_loop3A_961 = tpu.memref_slice %arg9[%parallel_loop3A_958, %parallel_loop3A_959, %parallel_loop3A_960] : memref<2x128x128xf32, #tpu.memory_space<vmem>> -> memref<1x128x128xf32, #tpu.memory_space<vmem>>
        %parallel_loop3A_962 = tpu.memref_squeeze %parallel_loop3A_961 : memref<1x128x128xf32, #tpu.memory_space<vmem>> -> memref<128x128xf32, #tpu.memory_space<vmem>>
        %parallel_loop3A_963 = tpu.vector_load_idx %parallel_loop3A_962[%parallel_loop3A_951, %parallel_loop3A_957] : memref<128x128xf32, #tpu.memory_space<vmem>>[vector<16xi32>, vector<16xi32>], vector<16xf32>,
        %parallel_loop3A_964 = arith.addf %parallel_loop3A_963, %parallel_loop3A_859 : vector<16xf32>
        %parallel_loop3A_965 = arith.constant 0 : i32
        %parallel_loop3A_966 = arith.index_cast %parallel_loop3A_965 : i32 to index
        %parallel_loop3A_967 = arith.index_cast %parallel_loop3A_857 : i32 to index
        %parallel_loop3A_968 = arith.constant 64 : index
        %parallel_loop3A_969 = tpu.vector_load %arg10[%parallel_loop3A_966, %parallel_loop3A_967, %parallel_loop3A_968] {strides = array<i32>} : memref<2x64x128xf32, #tpu.memory_space<vmem>>, vector<16xf32>,
        tpu.vector_store %arg10[%parallel_loop3A_966, %parallel_loop3A_967, %parallel_loop3A_968], %parallel_loop3A_964 {strides = array<i32>} : memref<2x64x128xf32, #tpu.memory_space<vmem>>, vector<16xf32>,
        %parallel_loop3A_970 = tpu.iota {dimensions = array<i32: 0>} : vector<16xi32>
        %parallel_loop3A_971 = arith.constant 80 : i32
        %parallel_loop3A_972 = vector.broadcast %parallel_loop3A_971 : i32 to vector<16xi32>
        %parallel_loop3A_973 = arith.addi %parallel_loop3A_970, %parallel_loop3A_972 : vector<16xi32>
        %parallel_loop3A_974 = arith.constant 0 : i32
        %parallel_loop3A_975 = arith.index_cast %parallel_loop3A_974 : i32 to index
        %parallel_loop3A_976 = arith.constant 80 : index
        %parallel_loop3A_977 = tpu.vector_load %arg8[%parallel_loop3A_975, %parallel_loop3A_976] {strides = array<i32>} : memref<2x128xi32, #tpu.memory_space<vmem>>, vector<16xi32>,
        %parallel_loop3A_978 = vector.broadcast %parallel_loop3A_857 : i32 to vector<16xi32>
        %parallel_loop3A_979 = arith.addi %parallel_loop3A_977, %parallel_loop3A_978 : vector<16xi32>
        %parallel_loop3A_980 = arith.constant 0 : i32
        %parallel_loop3A_981 = arith.constant 0 : i32
        %parallel_loop3A_982 = arith.constant 0 : i32
        %parallel_loop3A_983 = tpu.memref_slice %arg9[%parallel_loop3A_980, %parallel_loop3A_981, %parallel_loop3A_982] : memref<2x128x128xf32, #tpu.memory_space<vmem>> -> memref<1x128x128xf32, #tpu.memory_space<vmem>>
        %parallel_loop3A_984 = tpu.memref_squeeze %parallel_loop3A_983 : memref<1x128x128xf32, #tpu.memory_space<vmem>> -> memref<128x128xf32, #tpu.memory_space<vmem>>
        %parallel_loop3A_985 = tpu.vector_load_idx %parallel_loop3A_984[%parallel_loop3A_973, %parallel_loop3A_979] : memref<128x128xf32, #tpu.memory_space<vmem>>[vector<16xi32>, vector<16xi32>], vector<16xf32>,
        %parallel_loop3A_986 = arith.addf %parallel_loop3A_985, %parallel_loop3A_859 : vector<16xf32>
        %parallel_loop3A_987 = arith.constant 0 : i32
        %parallel_loop3A_988 = arith.index_cast %parallel_loop3A_987 : i32 to index
        %parallel_loop3A_989 = arith.index_cast %parallel_loop3A_857 : i32 to index
        %parallel_loop3A_990 = arith.constant 80 : index
        %parallel_loop3A_991 = tpu.vector_load %arg10[%parallel_loop3A_988, %parallel_loop3A_989, %parallel_loop3A_990] {strides = array<i32>} : memref<2x64x128xf32, #tpu.memory_space<vmem>>, vector<16xf32>,
        tpu.vector_store %arg10[%parallel_loop3A_988, %parallel_loop3A_989, %parallel_loop3A_990], %parallel_loop3A_986 {strides = array<i32>} : memref<2x64x128xf32, #tpu.memory_space<vmem>>, vector<16xf32>,
        %parallel_loop3A_992 = tpu.iota {dimensions = array<i32: 0>} : vector<16xi32>
        %parallel_loop3A_993 = arith.constant 96 : i32
        %parallel_loop3A_994 = vector.broadcast %parallel_loop3A_993 : i32 to vector<16xi32>
        %parallel_loop3A_995 = arith.addi %parallel_loop3A_992, %parallel_loop3A_994 : vector<16xi32>
        %parallel_loop3A_996 = arith.constant 0 : i32
        %parallel_loop3A_997 = arith.index_cast %parallel_loop3A_996 : i32 to index
        %parallel_loop3A_998 = arith.constant 96 : index
        %parallel_loop3A_999 = tpu.vector_load %arg8[%parallel_loop3A_997, %parallel_loop3A_998] {strides = array<i32>} : memref<2x128xi32, #tpu.memory_space<vmem>>, vector<16xi32>,
        %parallel_loop3A_1000 = vector.broadcast %parallel_loop3A_857 : i32 to vector<16xi32>
        %parallel_loop3A_1001 = arith.addi %parallel_loop3A_999, %parallel_loop3A_1000 : vector<16xi32>
        %parallel_loop3A_1002 = arith.constant 0 : i32
        %parallel_loop3A_1003 = arith.constant 0 : i32
        %parallel_loop3A_1004 = arith.constant 0 : i32
        %parallel_loop3A_1005 = tpu.memref_slice %arg9[%parallel_loop3A_1002, %parallel_loop3A_1003, %parallel_loop3A_1004] : memref<2x128x128xf32, #tpu.memory_space<vmem>> -> memref<1x128x128xf32, #tpu.memory_space<vmem>>
        %parallel_loop3A_1006 = tpu.memref_squeeze %parallel_loop3A_1005 : memref<1x128x128xf32, #tpu.memory_space<vmem>> -> memref<128x128xf32, #tpu.memory_space<vmem>>
        %parallel_loop3A_1007 = tpu.vector_load_idx %parallel_loop3A_1006[%parallel_loop3A_995, %parallel_loop3A_1001] : memref<128x128xf32, #tpu.memory_space<vmem>>[vector<16xi32>, vector<16xi32>], vector<16xf32>,
        %parallel_loop3A_1008 = arith.addf %parallel_loop3A_1007, %parallel_loop3A_859 : vector<16xf32>
        %parallel_loop3A_1009 = arith.constant 0 : i32
        %parallel_loop3A_1010 = arith.index_cast %parallel_loop3A_1009 : i32 to index
        %parallel_loop3A_1011 = arith.index_cast %parallel_loop3A_857 : i32 to index
        %parallel_loop3A_1012 = arith.constant 96 : index
        %parallel_loop3A_1013 = tpu.vector_load %arg10[%parallel_loop3A_1010, %parallel_loop3A_1011, %parallel_loop3A_1012] {strides = array<i32>} : memref<2x64x128xf32, #tpu.memory_space<vmem>>, vector<16xf32>,
        tpu.vector_store %arg10[%parallel_loop3A_1010, %parallel_loop3A_1011, %parallel_loop3A_1012], %parallel_loop3A_1008 {strides = array<i32>} : memref<2x64x128xf32, #tpu.memory_space<vmem>>, vector<16xf32>,
        %parallel_loop3A_1014 = tpu.iota {dimensions = array<i32: 0>} : vector<16xi32>
        %parallel_loop3A_1015 = arith.constant 112 : i32
        %parallel_loop3A_1016 = vector.broadcast %parallel_loop3A_1015 : i32 to vector<16xi32>
        %parallel_loop3A_1017 = arith.addi %parallel_loop3A_1014, %parallel_loop3A_1016 : vector<16xi32>
        %parallel_loop3A_1018 = arith.constant 0 : i32
        %parallel_loop3A_1019 = arith.index_cast %parallel_loop3A_1018 : i32 to index
        %parallel_loop3A_1020 = arith.constant 112 : index
        %parallel_loop3A_1021 = tpu.vector_load %arg8[%parallel_loop3A_1019, %parallel_loop3A_1020] {strides = array<i32>} : memref<2x128xi32, #tpu.memory_space<vmem>>, vector<16xi32>,
        %parallel_loop3A_1022 = vector.broadcast %parallel_loop3A_857 : i32 to vector<16xi32>
        %parallel_loop3A_1023 = arith.addi %parallel_loop3A_1021, %parallel_loop3A_1022 : vector<16xi32>
        %parallel_loop3A_1024 = arith.constant 0 : i32
        %parallel_loop3A_1025 = arith.constant 0 : i32
        %parallel_loop3A_1026 = arith.constant 0 : i32
        %parallel_loop3A_1027 = tpu.memref_slice %arg9[%parallel_loop3A_1024, %parallel_loop3A_1025, %parallel_loop3A_1026] : memref<2x128x128xf32, #tpu.memory_space<vmem>> -> memref<1x128x128xf32, #tpu.memory_space<vmem>>
        %parallel_loop3A_1028 = tpu.memref_squeeze %parallel_loop3A_1027 : memref<1x128x128xf32, #tpu.memory_space<vmem>> -> memref<128x128xf32, #tpu.memory_space<vmem>>
        %parallel_loop3A_1029 = tpu.vector_load_idx %parallel_loop3A_1028[%parallel_loop3A_1017, %parallel_loop3A_1023] : memref<128x128xf32, #tpu.memory_space<vmem>>[vector<16xi32>, vector<16xi32>], vector<16xf32>,
        %parallel_loop3A_1030 = arith.addf %parallel_loop3A_1029, %parallel_loop3A_859 : vector<16xf32>
        %parallel_loop3A_1031 = arith.constant 0 : i32
        %parallel_loop3A_1032 = arith.index_cast %parallel_loop3A_1031 : i32 to index
        %parallel_loop3A_1033 = arith.index_cast %parallel_loop3A_857 : i32 to index
        %parallel_loop3A_1034 = arith.constant 112 : index
        %parallel_loop3A_1035 = tpu.vector_load %arg10[%parallel_loop3A_1032, %parallel_loop3A_1033, %parallel_loop3A_1034] {strides = array<i32>} : memref<2x64x128xf32, #tpu.memory_space<vmem>>, vector<16xf32>,
        tpu.vector_store %arg10[%parallel_loop3A_1032, %parallel_loop3A_1033, %parallel_loop3A_1034], %parallel_loop3A_1030 {strides = array<i32>} : memref<2x64x128xf32, #tpu.memory_space<vmem>>, vector<16xf32>,
      } {sc.loop_unroll_factor = 1 : i64, sc.parallel_access}
      %dma_start3A_754 = arith.constant 0 : i32
      %dma_start3A_755 = arith.constant 0 : i32
      %dma_start3A_756 = arith.constant 0 : i32
      %dma_start3A_757 = tpu.memref_slice %arg10[%dma_start3A_754, %dma_start3A_755, %dma_start3A_756] : memref<2x64x128xf32, #tpu.memory_space<vmem>> -> memref<1x64x128xf32, #tpu.memory_space<vmem>>
      %dma_start3A_758 = tpu.memref_squeeze %dma_start3A_757 : memref<1x64x128xf32, #tpu.memory_space<vmem>> -> memref<64x128xf32, #tpu.memory_space<vmem>>
      %dma_start3A_759 = arith.constant 0 : i32
      %dma_start3A_760 = tpu.memref_slice %arg5[%select_n3A_719, %dma_start3A_759, %mul3A_737] : memref<200x64x1024xf32, #tpu.memory_space<hbm>> -> memref<1x64x128xf32, #tpu.memory_space<hbm>>
      %dma_start3A_761 = tpu.memref_squeeze %dma_start3A_760 : memref<1x64x128xf32, #tpu.memory_space<hbm>> -> memref<64x128xf32, #tpu.memory_space<hbm>>
      %dma_start3A_762 = arith.constant 0 : i32
      %dma_start3A_763 = tpu.memref_slice %arg5[%select_n3A_719, %dma_start3A_762, %mul3A_737] : memref<200x64x1024xf32, #tpu.memory_space<hbm>> -> memref<1x64x128xf32, #tpu.memory_space<hbm>>
      %dma_start3A_764 = tpu.memref_squeeze %dma_start3A_763 : memref<1x64x128xf32, #tpu.memory_space<hbm>> -> memref<64x128xf32, #tpu.memory_space<hbm>>
      %dma_start3A_765 = arith.constant 0 : i32
      %dma_start3A_766 = arith.constant 0 : i32
      %dma_start3A_767 = tpu.memref_slice %arg10[%dma_start3A_754, %dma_start3A_765, %dma_start3A_766] : memref<2x64x128xf32, #tpu.memory_space<vmem>> -> memref<1x64x128xf32, #tpu.memory_space<vmem>>
      %dma_start3A_768 = tpu.memref_squeeze %dma_start3A_767 : memref<1x64x128xf32, #tpu.memory_space<vmem>> -> memref<64x128xf32, #tpu.memory_space<vmem>>
      tpu.enqueue_dma source(%dma_start3A_768 : memref<64x128xf32, #tpu.memory_space<vmem>>) target(%dma_start3A_764 : memref<64x128xf32, #tpu.memory_space<hbm>>) target_semaphore(%arg14 : memref<!tpu.dma_semaphore, #tpu.memory_space<semaphore_mem>>)
      %add3A_769 = arith.constant 2 : i32
      %add3A_770 = arith.addi %mul3A_412, %add3A_769 : i32
      %lt3A_771 = arith.constant 50 : i32
      %lt3A_772 = arith.cmpi slt, %add3A_770, %lt3A_771 : i32
      %convert_element_type3A_773 = arith.extui %lt3A_772 : i1 to i32
      %cond3A_774 = arith.constant 0 : i32
      %cond3A_775 = arith.cmpi ne, %convert_element_type3A_773, %cond3A_774 : i32
      scf.if %cond3A_775 {
        %add3A_857 = arith.constant 2 : i32
        %add3A_858 = arith.addi %mul3A_412, %add3A_857 : i32
        %add3A_859 = arith.addi %mul3A_2, %add3A_858 : i32
        %jit3A_860 = arith.constant 8 : i32
        %div3A_861 = arith.divsi %add3A_859, %jit3A_860 : i32
        %sign3A_862 = arith.constant 0 : i32
        %sign3A_863 = arith.cmpi sgt, %add3A_859, %sign3A_862 : i32
        %sign3A_864 = arith.extui %sign3A_863 : i1 to i32
        %sign3A_865 = arith.constant 0 : i32
        %sign3A_866 = arith.cmpi slt, %add3A_859, %sign3A_865 : i32
        %sign3A_867 = arith.extui %sign3A_866 : i1 to i32
        %sign3A_868 = arith.subi %sign3A_864, %sign3A_867 : i32
        %sign3A_869 = arith.constant 0 : i32
        %sign3A_870 = arith.cmpi sgt, %jit3A_860, %sign3A_869 : i32
        %sign3A_871 = arith.extui %sign3A_870 : i1 to i32
        %sign3A_872 = arith.constant 0 : i32
        %sign3A_873 = arith.cmpi slt, %jit3A_860, %sign3A_872 : i32
        %sign3A_874 = arith.extui %sign3A_873 : i1 to i32
        %sign3A_875 = arith.subi %sign3A_871, %sign3A_874 : i32
        %ne3A_876 = arith.cmpi ne, %sign3A_868, %sign3A_875 : i32
        %rem3A_877 = arith.remsi %add3A_859, %jit3A_860 : i32
        %ne3A_878 = arith.constant 0 : i32
        %ne3A_879 = arith.cmpi ne, %rem3A_877, %ne3A_878 : i32
        %and3A_880 = arith.andi %ne3A_876, %ne3A_879 : i1
        %sub3A_881 = arith.constant 1 : i32
        %sub3A_882 = arith.subi %div3A_861, %sub3A_881 : i32
        %select_n3A_883 = arith.select %and3A_880, %sub3A_882, %div3A_861 : i32
        %jit3A_884 = arith.constant 8 : i32
        %eq3A_885 = arith.constant 0 : i32
        %eq3A_886 = arith.cmpi eq, %jit3A_884, %eq3A_885 : i32
        %jit3A_887 = arith.constant 1 : i32
        %select_n3A_888 = arith.select %eq3A_886, %jit3A_887, %jit3A_884 : i32
        %rem3A_889 = arith.remsi %add3A_859, %select_n3A_888 : i32
        %ne3A_890 = arith.constant 0 : i32
        %ne3A_891 = arith.cmpi ne, %rem3A_889, %ne3A_890 : i32
        %lt3A_892 = arith.constant 0 : i32
        %lt3A_893 = arith.cmpi slt, %rem3A_889, %lt3A_892 : i32
        %lt3A_894 = arith.constant 0 : i32
        %lt3A_895 = arith.cmpi slt, %select_n3A_888, %lt3A_894 : i32
        %ne3A_896 = arith.xori %lt3A_893, %lt3A_895 : i1
        %and3A_897 = arith.andi %ne3A_896, %ne3A_891 : i1
        %add3A_898 = arith.addi %rem3A_889, %select_n3A_888 : i32
        %select_n3A_899 = arith.select %and3A_897, %add3A_898, %rem3A_889 : i32
        %mul3A_900 = arith.constant 128 : i32
        %mul3A_901 = arith.muli %select_n3A_899, %mul3A_900 : i32
        %jit3A_902 = arith.constant 8 : i32
        %div3A_903 = arith.divsi %select_n3A_883, %jit3A_902 : i32
        %sign3A_904 = arith.constant 0 : i32
        %sign3A_905 = arith.cmpi sgt, %select_n3A_883, %sign3A_904 : i32
        %sign3A_906 = arith.extui %sign3A_905 : i1 to i32
        %sign3A_907 = arith.constant 0 : i32
        %sign3A_908 = arith.cmpi slt, %select_n3A_883, %sign3A_907 : i32
        %sign3A_909 = arith.extui %sign3A_908 : i1 to i32
        %sign3A_910 = arith.subi %sign3A_906, %sign3A_909 : i32
        %sign3A_911 = arith.constant 0 : i32
        %sign3A_912 = arith.cmpi sgt, %jit3A_902, %sign3A_911 : i32
        %sign3A_913 = arith.extui %sign3A_912 : i1 to i32
        %sign3A_914 = arith.constant 0 : i32
        %sign3A_915 = arith.cmpi slt, %jit3A_902, %sign3A_914 : i32
        %sign3A_916 = arith.extui %sign3A_915 : i1 to i32
        %sign3A_917 = arith.subi %sign3A_913, %sign3A_916 : i32
        %ne3A_918 = arith.cmpi ne, %sign3A_910, %sign3A_917 : i32
        %rem3A_919 = arith.remsi %select_n3A_883, %jit3A_902 : i32
        %ne3A_920 = arith.constant 0 : i32
        %ne3A_921 = arith.cmpi ne, %rem3A_919, %ne3A_920 : i32
        %and3A_922 = arith.andi %ne3A_918, %ne3A_921 : i1
        %sub3A_923 = arith.constant 1 : i32
        %sub3A_924 = arith.subi %div3A_903, %sub3A_923 : i32
        %select_n3A_925 = arith.select %and3A_922, %sub3A_924, %div3A_903 : i32
        %sub3A_926 = arith.subi %select_n3A_925, %select_n3A_42 : i32
        %jit3A_927 = arith.constant 8 : i32
        %eq3A_928 = arith.constant 0 : i32
        %eq3A_929 = arith.cmpi eq, %jit3A_927, %eq3A_928 : i32
        %jit3A_930 = arith.constant 1 : i32
        %select_n3A_931 = arith.select %eq3A_929, %jit3A_930, %jit3A_927 : i32
        %rem3A_932 = arith.remsi %select_n3A_883, %select_n3A_931 : i32
        %ne3A_933 = arith.constant 0 : i32
        %ne3A_934 = arith.cmpi ne, %rem3A_932, %ne3A_933 : i32
        %lt3A_935 = arith.constant 0 : i32
        %lt3A_936 = arith.cmpi slt, %rem3A_932, %lt3A_935 : i32
        %lt3A_937 = arith.constant 0 : i32
        %lt3A_938 = arith.cmpi slt, %select_n3A_931, %lt3A_937 : i32
        %ne3A_939 = arith.xori %lt3A_936, %lt3A_938 : i1
        %and3A_940 = arith.andi %ne3A_939, %ne3A_934 : i1
        %add3A_941 = arith.addi %rem3A_932, %select_n3A_931 : i32
        %select_n3A_942 = arith.select %and3A_940, %add3A_941, %rem3A_932 : i32
        %add3A_943 = arith.constant 0 : i32
        %add3A_944 = arith.addi %mul3A_901, %add3A_943 : i32
        %get3A_945 = arith.index_cast %sub3A_926 : i32 to index
        %get3A_946 = arith.index_cast %select_n3A_942 : i32 to index
        %get3A_947 = arith.index_cast %add3A_944 : i32 to index
        %get3A_948 = tpu.vector_load %arg6[%get3A_945, %get3A_946, %get3A_947] {strides = array<i32>} : memref<2x8x1024xi32, #tpu.memory_space<vmem>>, vector<16xi32>,
        %shift_right_logical3A_949 = arith.constant 1 : i32
        %shift_right_logical3A_950 = vector.broadcast %shift_right_logical3A_949 : i32 to vector<16xi32>
        %shift_right_logical3A_951 = arith.shrui %get3A_948, %shift_right_logical3A_950 : vector<16xi32>
        %swap3A_952 = arith.constant 0 : i32
        %swap3A_953 = arith.index_cast %swap3A_952 : i32 to index
        %swap3A_954 = arith.constant 0 : index
        %swap3A_955 = tpu.vector_load %arg7[%swap3A_953, %swap3A_954] {strides = array<i32>} : memref<2x128xi32, #tpu.memory_space<vmem>>, vector<16xi32>,
        tpu.vector_store %arg7[%swap3A_953, %swap3A_954], %shift_right_logical3A_951 {strides = array<i32>} : memref<2x128xi32, #tpu.memory_space<vmem>>, vector<16xi32>,
        %and3A_956 = arith.constant 1 : i32
        %and3A_957 = vector.broadcast %and3A_956 : i32 to vector<16xi32>
        %and3A_958 = arith.andi %get3A_948, %and3A_957 : vector<16xi32>
        %shift_left3A_959 = arith.constant 6 : i32
        %shift_left3A_960 = vector.broadcast %shift_left3A_959 : i32 to vector<16xi32>
        %shift_left3A_961 = arith.shli %and3A_958, %shift_left3A_960 : vector<16xi32>
        %swap3A_962 = arith.constant 0 : i32
        %swap3A_963 = arith.index_cast %swap3A_962 : i32 to index
        %swap3A_964 = arith.constant 0 : index
        %swap3A_965 = tpu.vector_load %arg8[%swap3A_963, %swap3A_964] {strides = array<i32>} : memref<2x128xi32, #tpu.memory_space<vmem>>, vector<16xi32>,
        tpu.vector_store %arg8[%swap3A_963, %swap3A_964], %shift_left3A_961 {strides = array<i32>} : memref<2x128xi32, #tpu.memory_space<vmem>>, vector<16xi32>,
        %add3A_966 = arith.constant 16 : i32
        %add3A_967 = arith.addi %mul3A_901, %add3A_966 : i32
        %get3A_968 = arith.index_cast %sub3A_926 : i32 to index
        %get3A_969 = arith.index_cast %select_n3A_942 : i32 to index
        %get3A_970 = arith.index_cast %add3A_967 : i32 to index
        %get3A_971 = tpu.vector_load %arg6[%get3A_968, %get3A_969, %get3A_970] {strides = array<i32>} : memref<2x8x1024xi32, #tpu.memory_space<vmem>>, vector<16xi32>,
        %shift_right_logical3A_972 = arith.constant 1 : i32
        %shift_right_logical3A_973 = vector.broadcast %shift_right_logical3A_972 : i32 to vector<16xi32>
        %shift_right_logical3A_974 = arith.shrui %get3A_971, %shift_right_logical3A_973 : vector<16xi32>
        %swap3A_975 = arith.constant 0 : i32
        %swap3A_976 = arith.index_cast %swap3A_975 : i32 to index
        %swap3A_977 = arith.constant 16 : index
        %swap3A_978 = tpu.vector_load %arg7[%swap3A_976, %swap3A_977] {strides = array<i32>} : memref<2x128xi32, #tpu.memory_space<vmem>>, vector<16xi32>,
        tpu.vector_store %arg7[%swap3A_976, %swap3A_977], %shift_right_logical3A_974 {strides = array<i32>} : memref<2x128xi32, #tpu.memory_space<vmem>>, vector<16xi32>,
        %and3A_979 = arith.constant 1 : i32
        %and3A_980 = vector.broadcast %and3A_979 : i32 to vector<16xi32>
        %and3A_981 = arith.andi %get3A_971, %and3A_980 : vector<16xi32>
        %shift_left3A_982 = arith.constant 6 : i32
        %shift_left3A_983 = vector.broadcast %shift_left3A_982 : i32 to vector<16xi32>
        %shift_left3A_984 = arith.shli %and3A_981, %shift_left3A_983 : vector<16xi32>
        %swap3A_985 = arith.constant 0 : i32
        %swap3A_986 = arith.index_cast %swap3A_985 : i32 to index
        %swap3A_987 = arith.constant 16 : index
        %swap3A_988 = tpu.vector_load %arg8[%swap3A_986, %swap3A_987] {strides = array<i32>} : memref<2x128xi32, #tpu.memory_space<vmem>>, vector<16xi32>,
        tpu.vector_store %arg8[%swap3A_986, %swap3A_987], %shift_left3A_984 {strides = array<i32>} : memref<2x128xi32, #tpu.memory_space<vmem>>, vector<16xi32>,
        %add3A_989 = arith.constant 32 : i32
        %add3A_990 = arith.addi %mul3A_901, %add3A_989 : i32
        %get3A_991 = arith.index_cast %sub3A_926 : i32 to index
        %get3A_992 = arith.index_cast %select_n3A_942 : i32 to index
        %get3A_993 = arith.index_cast %add3A_990 : i32 to index
        %get3A_994 = tpu.vector_load %arg6[%get3A_991, %get3A_992, %get3A_993] {strides = array<i32>} : memref<2x8x1024xi32, #tpu.memory_space<vmem>>, vector<16xi32>,
        %shift_right_logical3A_995 = arith.constant 1 : i32
        %shift_right_logical3A_996 = vector.broadcast %shift_right_logical3A_995 : i32 to vector<16xi32>
        %shift_right_logical3A_997 = arith.shrui %get3A_994, %shift_right_logical3A_996 : vector<16xi32>
        %swap3A_998 = arith.constant 0 : i32
        %swap3A_999 = arith.index_cast %swap3A_998 : i32 to index
        %swap3A_1000 = arith.constant 32 : index
        %swap3A_1001 = tpu.vector_load %arg7[%swap3A_999, %swap3A_1000] {strides = array<i32>} : memref<2x128xi32, #tpu.memory_space<vmem>>, vector<16xi32>,
        tpu.vector_store %arg7[%swap3A_999, %swap3A_1000], %shift_right_logical3A_997 {strides = array<i32>} : memref<2x128xi32, #tpu.memory_space<vmem>>, vector<16xi32>,
        %and3A_1002 = arith.constant 1 : i32
        %and3A_1003 = vector.broadcast %and3A_1002 : i32 to vector<16xi32>
        %and3A_1004 = arith.andi %get3A_994, %and3A_1003 : vector<16xi32>
        %shift_left3A_1005 = arith.constant 6 : i32
        %shift_left3A_1006 = vector.broadcast %shift_left3A_1005 : i32 to vector<16xi32>
        %shift_left3A_1007 = arith.shli %and3A_1004, %shift_left3A_1006 : vector<16xi32>
        %swap3A_1008 = arith.constant 0 : i32
        %swap3A_1009 = arith.index_cast %swap3A_1008 : i32 to index
        %swap3A_1010 = arith.constant 32 : index
        %swap3A_1011 = tpu.vector_load %arg8[%swap3A_1009, %swap3A_1010] {strides = array<i32>} : memref<2x128xi32, #tpu.memory_space<vmem>>, vector<16xi32>,
        tpu.vector_store %arg8[%swap3A_1009, %swap3A_1010], %shift_left3A_1007 {strides = array<i32>} : memref<2x128xi32, #tpu.memory_space<vmem>>, vector<16xi32>,
        %add3A_1012 = arith.constant 48 : i32
        %add3A_1013 = arith.addi %mul3A_901, %add3A_1012 : i32
        %get3A_1014 = arith.index_cast %sub3A_926 : i32 to index
        %get3A_1015 = arith.index_cast %select_n3A_942 : i32 to index
        %get3A_1016 = arith.index_cast %add3A_1013 : i32 to index
        %get3A_1017 = tpu.vector_load %arg6[%get3A_1014, %get3A_1015, %get3A_1016] {strides = array<i32>} : memref<2x8x1024xi32, #tpu.memory_space<vmem>>, vector<16xi32>,
        %shift_right_logical3A_1018 = arith.constant 1 : i32
        %shift_right_logical3A_1019 = vector.broadcast %shift_right_logical3A_1018 : i32 to vector<16xi32>
        %shift_right_logical3A_1020 = arith.shrui %get3A_1017, %shift_right_logical3A_1019 : vector<16xi32>
        %swap3A_1021 = arith.constant 0 : i32
        %swap3A_1022 = arith.index_cast %swap3A_1021 : i32 to index
        %swap3A_1023 = arith.constant 48 : index
        %swap3A_1024 = tpu.vector_load %arg7[%swap3A_1022, %swap3A_1023] {strides = array<i32>} : memref<2x128xi32, #tpu.memory_space<vmem>>, vector<16xi32>,
        tpu.vector_store %arg7[%swap3A_1022, %swap3A_1023], %shift_right_logical3A_1020 {strides = array<i32>} : memref<2x128xi32, #tpu.memory_space<vmem>>, vector<16xi32>,
        %and3A_1025 = arith.constant 1 : i32
        %and3A_1026 = vector.broadcast %and3A_1025 : i32 to vector<16xi32>
        %and3A_1027 = arith.andi %get3A_1017, %and3A_1026 : vector<16xi32>
        %shift_left3A_1028 = arith.constant 6 : i32
        %shift_left3A_1029 = vector.broadcast %shift_left3A_1028 : i32 to vector<16xi32>
        %shift_left3A_1030 = arith.shli %and3A_1027, %shift_left3A_1029 : vector<16xi32>
        %swap3A_1031 = arith.constant 0 : i32
        %swap3A_1032 = arith.index_cast %swap3A_1031 : i32 to index
        %swap3A_1033 = arith.constant 48 : index
        %swap3A_1034 = tpu.vector_load %arg8[%swap3A_1032, %swap3A_1033] {strides = array<i32>} : memref<2x128xi32, #tpu.memory_space<vmem>>, vector<16xi32>,
        tpu.vector_store %arg8[%swap3A_1032, %swap3A_1033], %shift_left3A_1030 {strides = array<i32>} : memref<2x128xi32, #tpu.memory_space<vmem>>, vector<16xi32>,
        %add3A_1035 = arith.constant 64 : i32
        %add3A_1036 = arith.addi %mul3A_901, %add3A_1035 : i32
        %get3A_1037 = arith.index_cast %sub3A_926 : i32 to index
        %get3A_1038 = arith.index_cast %select_n3A_942 : i32 to index
        %get3A_1039 = arith.index_cast %add3A_1036 : i32 to index
        %get3A_1040 = tpu.vector_load %arg6[%get3A_1037, %get3A_1038, %get3A_1039] {strides = array<i32>} : memref<2x8x1024xi32, #tpu.memory_space<vmem>>, vector<16xi32>,
        %shift_right_logical3A_1041 = arith.constant 1 : i32
        %shift_right_logical3A_1042 = vector.broadcast %shift_right_logical3A_1041 : i32 to vector<16xi32>
        %shift_right_logical3A_1043 = arith.shrui %get3A_1040, %shift_right_logical3A_1042 : vector<16xi32>
        %swap3A_1044 = arith.constant 0 : i32
        %swap3A_1045 = arith.index_cast %swap3A_1044 : i32 to index
        %swap3A_1046 = arith.constant 64 : index
        %swap3A_1047 = tpu.vector_load %arg7[%swap3A_1045, %swap3A_1046] {strides = array<i32>} : memref<2x128xi32, #tpu.memory_space<vmem>>, vector<16xi32>,
        tpu.vector_store %arg7[%swap3A_1045, %swap3A_1046], %shift_right_logical3A_1043 {strides = array<i32>} : memref<2x128xi32, #tpu.memory_space<vmem>>, vector<16xi32>,
        %and3A_1048 = arith.constant 1 : i32
        %and3A_1049 = vector.broadcast %and3A_1048 : i32 to vector<16xi32>
        %and3A_1050 = arith.andi %get3A_1040, %and3A_1049 : vector<16xi32>
        %shift_left3A_1051 = arith.constant 6 : i32
        %shift_left3A_1052 = vector.broadcast %shift_left3A_1051 : i32 to vector<16xi32>
        %shift_left3A_1053 = arith.shli %and3A_1050, %shift_left3A_1052 : vector<16xi32>
        %swap3A_1054 = arith.constant 0 : i32
        %swap3A_1055 = arith.index_cast %swap3A_1054 : i32 to index
        %swap3A_1056 = arith.constant 64 : index
        %swap3A_1057 = tpu.vector_load %arg8[%swap3A_1055, %swap3A_1056] {strides = array<i32>} : memref<2x128xi32, #tpu.memory_space<vmem>>, vector<16xi32>,
        tpu.vector_store %arg8[%swap3A_1055, %swap3A_1056], %shift_left3A_1053 {strides = array<i32>} : memref<2x128xi32, #tpu.memory_space<vmem>>, vector<16xi32>,
        %add3A_1058 = arith.constant 80 : i32
        %add3A_1059 = arith.addi %mul3A_901, %add3A_1058 : i32
        %get3A_1060 = arith.index_cast %sub3A_926 : i32 to index
        %get3A_1061 = arith.index_cast %select_n3A_942 : i32 to index
        %get3A_1062 = arith.index_cast %add3A_1059 : i32 to index
        %get3A_1063 = tpu.vector_load %arg6[%get3A_1060, %get3A_1061, %get3A_1062] {strides = array<i32>} : memref<2x8x1024xi32, #tpu.memory_space<vmem>>, vector<16xi32>,
        %shift_right_logical3A_1064 = arith.constant 1 : i32
        %shift_right_logical3A_1065 = vector.broadcast %shift_right_logical3A_1064 : i32 to vector<16xi32>
        %shift_right_logical3A_1066 = arith.shrui %get3A_1063, %shift_right_logical3A_1065 : vector<16xi32>
        %swap3A_1067 = arith.constant 0 : i32
        %swap3A_1068 = arith.index_cast %swap3A_1067 : i32 to index
        %swap3A_1069 = arith.constant 80 : index
        %swap3A_1070 = tpu.vector_load %arg7[%swap3A_1068, %swap3A_1069] {strides = array<i32>} : memref<2x128xi32, #tpu.memory_space<vmem>>, vector<16xi32>,
        tpu.vector_store %arg7[%swap3A_1068, %swap3A_1069], %shift_right_logical3A_1066 {strides = array<i32>} : memref<2x128xi32, #tpu.memory_space<vmem>>, vector<16xi32>,
        %and3A_1071 = arith.constant 1 : i32
        %and3A_1072 = vector.broadcast %and3A_1071 : i32 to vector<16xi32>
        %and3A_1073 = arith.andi %get3A_1063, %and3A_1072 : vector<16xi32>
        %shift_left3A_1074 = arith.constant 6 : i32
        %shift_left3A_1075 = vector.broadcast %shift_left3A_1074 : i32 to vector<16xi32>
        %shift_left3A_1076 = arith.shli %and3A_1073, %shift_left3A_1075 : vector<16xi32>
        %swap3A_1077 = arith.constant 0 : i32
        %swap3A_1078 = arith.index_cast %swap3A_1077 : i32 to index
        %swap3A_1079 = arith.constant 80 : index
        %swap3A_1080 = tpu.vector_load %arg8[%swap3A_1078, %swap3A_1079] {strides = array<i32>} : memref<2x128xi32, #tpu.memory_space<vmem>>, vector<16xi32>,
        tpu.vector_store %arg8[%swap3A_1078, %swap3A_1079], %shift_left3A_1076 {strides = array<i32>} : memref<2x128xi32, #tpu.memory_space<vmem>>, vector<16xi32>,
        %add3A_1081 = arith.constant 96 : i32
        %add3A_1082 = arith.addi %mul3A_901, %add3A_1081 : i32
        %get3A_1083 = arith.index_cast %sub3A_926 : i32 to index
        %get3A_1084 = arith.index_cast %select_n3A_942 : i32 to index
        %get3A_1085 = arith.index_cast %add3A_1082 : i32 to index
        %get3A_1086 = tpu.vector_load %arg6[%get3A_1083, %get3A_1084, %get3A_1085] {strides = array<i32>} : memref<2x8x1024xi32, #tpu.memory_space<vmem>>, vector<16xi32>,
        %shift_right_logical3A_1087 = arith.constant 1 : i32
        %shift_right_logical3A_1088 = vector.broadcast %shift_right_logical3A_1087 : i32 to vector<16xi32>
        %shift_right_logical3A_1089 = arith.shrui %get3A_1086, %shift_right_logical3A_1088 : vector<16xi32>
        %swap3A_1090 = arith.constant 0 : i32
        %swap3A_1091 = arith.index_cast %swap3A_1090 : i32 to index
        %swap3A_1092 = arith.constant 96 : index
        %swap3A_1093 = tpu.vector_load %arg7[%swap3A_1091, %swap3A_1092] {strides = array<i32>} : memref<2x128xi32, #tpu.memory_space<vmem>>, vector<16xi32>,
        tpu.vector_store %arg7[%swap3A_1091, %swap3A_1092], %shift_right_logical3A_1089 {strides = array<i32>} : memref<2x128xi32, #tpu.memory_space<vmem>>, vector<16xi32>,
        %and3A_1094 = arith.constant 1 : i32
        %and3A_1095 = vector.broadcast %and3A_1094 : i32 to vector<16xi32>
        %and3A_1096 = arith.andi %get3A_1086, %and3A_1095 : vector<16xi32>
        %shift_left3A_1097 = arith.constant 6 : i32
        %shift_left3A_1098 = vector.broadcast %shift_left3A_1097 : i32 to vector<16xi32>
        %shift_left3A_1099 = arith.shli %and3A_1096, %shift_left3A_1098 : vector<16xi32>
        %swap3A_1100 = arith.constant 0 : i32
        %swap3A_1101 = arith.index_cast %swap3A_1100 : i32 to index
        %swap3A_1102 = arith.constant 96 : index
        %swap3A_1103 = tpu.vector_load %arg8[%swap3A_1101, %swap3A_1102] {strides = array<i32>} : memref<2x128xi32, #tpu.memory_space<vmem>>, vector<16xi32>,
        tpu.vector_store %arg8[%swap3A_1101, %swap3A_1102], %shift_left3A_1099 {strides = array<i32>} : memref<2x128xi32, #tpu.memory_space<vmem>>, vector<16xi32>,
        %add3A_1104 = arith.constant 112 : i32
        %add3A_1105 = arith.addi %mul3A_901, %add3A_1104 : i32
        %get3A_1106 = arith.index_cast %sub3A_926 : i32 to index
        %get3A_1107 = arith.index_cast %select_n3A_942 : i32 to index
        %get3A_1108 = arith.index_cast %add3A_1105 : i32 to index
        %get3A_1109 = tpu.vector_load %arg6[%get3A_1106, %get3A_1107, %get3A_1108] {strides = array<i32>} : memref<2x8x1024xi32, #tpu.memory_space<vmem>>, vector<16xi32>,
        %shift_right_logical3A_1110 = arith.constant 1 : i32
        %shift_right_logical3A_1111 = vector.broadcast %shift_right_logical3A_1110 : i32 to vector<16xi32>
        %shift_right_logical3A_1112 = arith.shrui %get3A_1109, %shift_right_logical3A_1111 : vector<16xi32>
        %swap3A_1113 = arith.constant 0 : i32
        %swap3A_1114 = arith.index_cast %swap3A_1113 : i32 to index
        %swap3A_1115 = arith.constant 112 : index
        %swap3A_1116 = tpu.vector_load %arg7[%swap3A_1114, %swap3A_1115] {strides = array<i32>} : memref<2x128xi32, #tpu.memory_space<vmem>>, vector<16xi32>,
        tpu.vector_store %arg7[%swap3A_1114, %swap3A_1115], %shift_right_logical3A_1112 {strides = array<i32>} : memref<2x128xi32, #tpu.memory_space<vmem>>, vector<16xi32>,
        %and3A_1117 = arith.constant 1 : i32
        %and3A_1118 = vector.broadcast %and3A_1117 : i32 to vector<16xi32>
        %and3A_1119 = arith.andi %get3A_1109, %and3A_1118 : vector<16xi32>
        %shift_left3A_1120 = arith.constant 6 : i32
        %shift_left3A_1121 = vector.broadcast %shift_left3A_1120 : i32 to vector<16xi32>
        %shift_left3A_1122 = arith.shli %and3A_1119, %shift_left3A_1121 : vector<16xi32>
        %swap3A_1123 = arith.constant 0 : i32
        %swap3A_1124 = arith.index_cast %swap3A_1123 : i32 to index
        %swap3A_1125 = arith.constant 112 : index
        %swap3A_1126 = tpu.vector_load %arg8[%swap3A_1124, %swap3A_1125] {strides = array<i32>} : memref<2x128xi32, #tpu.memory_space<vmem>>, vector<16xi32>,
        tpu.vector_store %arg8[%swap3A_1124, %swap3A_1125], %shift_left3A_1122 {strides = array<i32>} : memref<2x128xi32, #tpu.memory_space<vmem>>, vector<16xi32>,
        %dma_start3A_1127 = arith.constant 0 : i32
        %dma_start3A_1128 = arith.constant 0 : i32
        %dma_start3A_1129 = arith.constant 0 : i32
        %dma_start3A_1130 = arith.constant 0 : i32
        %dma_start3A_1131 = tpu.memref_slice %arg9[%dma_start3A_1128, %dma_start3A_1129, %dma_start3A_1130] : memref<2x128x128xf32, #tpu.memory_space<vmem>> -> memref<1x128x128xf32, #tpu.memory_space<vmem>>
        %dma_start3A_1132 = tpu.memref_squeeze %dma_start3A_1131 : memref<1x128x128xf32, #tpu.memory_space<vmem>> -> memref<128x128xf32, #tpu.memory_space<vmem>>
        %dma_start3A_1133 = arith.constant 0 : i32
        %dma_start3A_1134 = tpu.memref_slice %arg7[%dma_start3A_1127, %dma_start3A_1133] : memref<2x128xi32, #tpu.memory_space<vmem>> -> memref<1x128xi32, #tpu.memory_space<vmem>>
        %dma_start3A_1135 = tpu.memref_squeeze %dma_start3A_1134 : memref<1x128xi32, #tpu.memory_space<vmem>> -> memref<128xi32, #tpu.memory_space<vmem>>
        %dma_start3A_1136 = arith.constant 0 : i32
        %dma_start3A_1137 = arith.constant 0 : i32
        %dma_start3A_1138 = tpu.memref_slice %arg3[%dma_start3A_1136, %dma_start3A_1137] : memref<500001x128xf32, #tpu.memory_space<hbm>> -> memref<500001x128xf32, #tpu.memory_space<hbm>>
        tpu.enqueue_indirect_dma source(%dma_start3A_1138 : memref<500001x128xf32, #tpu.memory_space<hbm>>) target(%dma_start3A_1132 : memref<128x128xf32, #tpu.memory_space<vmem>>) offsets(%dma_start3A_1135 : memref<128xi32, #tpu.memory_space<vmem>>) semaphore(%arg12 : memref<!tpu.dma_semaphore, #tpu.memory_space<semaphore_mem>>)
      } else {
      }
      %add3A_776 = arith.constant 1 : i32
      %add3A_777 = arith.addi %mul3A_412, %add3A_776 : i32
      %add3A_778 = arith.addi %mul3A_2, %add3A_777 : i32
      %jit3A_779 = arith.constant 8 : i32
      %div3A_780 = arith.divsi %add3A_778, %jit3A_779 : i32
      %sign3A_781 = arith.constant 0 : i32
      %sign3A_782 = arith.cmpi sgt, %add3A_778, %sign3A_781 : i32
      %sign3A_783 = arith.extui %sign3A_782 : i1 to i32
      %sign3A_784 = arith.constant 0 : i32
      %sign3A_785 = arith.cmpi slt, %add3A_778, %sign3A_784 : i32
      %sign3A_786 = arith.extui %sign3A_785 : i1 to i32
      %sign3A_787 = arith.subi %sign3A_783, %sign3A_786 : i32
      %sign3A_788 = arith.constant 0 : i32
      %sign3A_789 = arith.cmpi sgt, %jit3A_779, %sign3A_788 : i32
      %sign3A_790 = arith.extui %sign3A_789 : i1 to i32
      %sign3A_791 = arith.constant 0 : i32
      %sign3A_792 = arith.cmpi slt, %jit3A_779, %sign3A_791 : i32
      %sign3A_793 = arith.extui %sign3A_792 : i1 to i32
      %sign3A_794 = arith.subi %sign3A_790, %sign3A_793 : i32
      %ne3A_795 = arith.cmpi ne, %sign3A_787, %sign3A_794 : i32
      %rem3A_796 = arith.remsi %add3A_778, %jit3A_779 : i32
      %ne3A_797 = arith.constant 0 : i32
      %ne3A_798 = arith.cmpi ne, %rem3A_796, %ne3A_797 : i32
      %and3A_799 = arith.andi %ne3A_795, %ne3A_798 : i1
      %sub3A_800 = arith.constant 1 : i32
      %sub3A_801 = arith.subi %div3A_780, %sub3A_800 : i32
      %select_n3A_802 = arith.select %and3A_799, %sub3A_801, %div3A_780 : i32
      %jit3A_803 = arith.constant 8 : i32
      %eq3A_804 = arith.constant 0 : i32
      %eq3A_805 = arith.cmpi eq, %jit3A_803, %eq3A_804 : i32
      %jit3A_806 = arith.constant 1 : i32
      %select_n3A_807 = arith.select %eq3A_805, %jit3A_806, %jit3A_803 : i32
      %rem3A_808 = arith.remsi %add3A_778, %select_n3A_807 : i32
      %ne3A_809 = arith.constant 0 : i32
      %ne3A_810 = arith.cmpi ne, %rem3A_808, %ne3A_809 : i32
      %lt3A_811 = arith.constant 0 : i32
      %lt3A_812 = arith.cmpi slt, %rem3A_808, %lt3A_811 : i32
      %lt3A_813 = arith.constant 0 : i32
      %lt3A_814 = arith.cmpi slt, %select_n3A_807, %lt3A_813 : i32
      %ne3A_815 = arith.xori %lt3A_812, %lt3A_814 : i1
      %and3A_816 = arith.andi %ne3A_815, %ne3A_810 : i1
      %add3A_817 = arith.addi %rem3A_808, %select_n3A_807 : i32
      %select_n3A_818 = arith.select %and3A_816, %add3A_817, %rem3A_808 : i32
      %mul3A_819 = arith.constant 128 : i32
      %mul3A_820 = arith.muli %select_n3A_818, %mul3A_819 : i32
      %dma_wait3A_821 = arith.constant 1 : i32
      %dma_wait3A_822 = arith.constant 1 : i32
      %dma_wait3A_823 = arith.constant 0 : i32
      %dma_wait3A_824 = arith.constant 0 : i32
      %dma_wait3A_825 = tpu.memref_slice %arg9[%dma_wait3A_822, %dma_wait3A_823, %dma_wait3A_824] : memref<2x128x128xf32, #tpu.memory_space<vmem>> -> memref<1x128x128xf32, #tpu.memory_space<vmem>>
      %dma_wait3A_826 = tpu.memref_squeeze %dma_wait3A_825 : memref<1x128x128xf32, #tpu.memory_space<vmem>> -> memref<128x128xf32, #tpu.memory_space<vmem>>
      %dma_wait3A_827 = arith.constant 0 : i32
      %dma_wait3A_828 = tpu.memref_slice %arg7[%dma_wait3A_821, %dma_wait3A_827] : memref<2x128xi32, #tpu.memory_space<vmem>> -> memref<1x128xi32, #tpu.memory_space<vmem>>
      %dma_wait3A_829 = tpu.memref_squeeze %dma_wait3A_828 : memref<1x128xi32, #tpu.memory_space<vmem>> -> memref<128xi32, #tpu.memory_space<vmem>>
      %dma_wait3A_830 = arith.constant 0 : i32
      %dma_wait3A_831 = arith.constant 0 : i32
      %dma_wait3A_832 = tpu.memref_slice %arg3[%dma_wait3A_830, %dma_wait3A_831] : memref<500001x128xf32, #tpu.memory_space<hbm>> -> memref<500001x128xf32, #tpu.memory_space<hbm>>
      tpu.wait_indirect_dma semaphore(%arg13 : memref<!tpu.dma_semaphore, #tpu.memory_space<semaphore_mem>>) src(%dma_wait3A_832 : memref<500001x128xf32, #tpu.memory_space<hbm>>) dst(%dma_wait3A_826 : memref<128x128xf32, #tpu.memory_space<vmem>>)
      %ge3A_833 = arith.constant 2 : i32
      %ge3A_834 = arith.cmpi sge, %add3A_777, %ge3A_833 : i32
      %convert_element_type3A_835 = arith.extui %ge3A_834 : i1 to i32
      %cond3A_836 = arith.constant 0 : i32
      %cond3A_837 = arith.cmpi ne, %convert_element_type3A_835, %cond3A_836 : i32
      scf.if %cond3A_837 {
        %dma_wait3A_857 = arith.constant 1 : i32
        %dma_wait3A_858 = arith.constant 0 : i32
        %dma_wait3A_859 = arith.constant 0 : i32
        %dma_wait3A_860 = arith.constant 0 : i32
        %dma_wait3A_861 = tpu.memref_slice %arg10[%dma_wait3A_857, %dma_wait3A_859, %dma_wait3A_860] : memref<2x64x128xf32, #tpu.memory_space<vmem>> -> memref<1x64x128xf32, #tpu.memory_space<vmem>>
        %dma_wait3A_862 = tpu.memref_squeeze %dma_wait3A_861 : memref<1x64x128xf32, #tpu.memory_space<vmem>> -> memref<64x128xf32, #tpu.memory_space<vmem>>
        %dma_wait3A_863 = arith.constant 0 : i32
        %dma_wait3A_864 = arith.constant 0 : i32
        %dma_wait3A_865 = tpu.memref_slice %arg5[%dma_wait3A_858, %dma_wait3A_863, %dma_wait3A_864] : memref<200x64x1024xf32, #tpu.memory_space<hbm>> -> memref<1x64x128xf32, #tpu.memory_space<hbm>>
        %dma_wait3A_866 = tpu.memref_squeeze %dma_wait3A_865 : memref<1x64x128xf32, #tpu.memory_space<hbm>> -> memref<64x128xf32, #tpu.memory_space<hbm>>
        %dma_wait3A_867 = arith.constant 0 : i32
        %dma_wait3A_868 = arith.constant 0 : i32
        %dma_wait3A_869 = tpu.memref_slice %arg5[%dma_wait3A_858, %dma_wait3A_867, %dma_wait3A_868] : memref<200x64x1024xf32, #tpu.memory_space<hbm>> -> memref<1x64x128xf32, #tpu.memory_space<hbm>>
        %dma_wait3A_870 = tpu.memref_squeeze %dma_wait3A_869 : memref<1x64x128xf32, #tpu.memory_space<hbm>> -> memref<64x128xf32, #tpu.memory_space<hbm>>
        %dma_wait3A_871 = arith.constant 0 : i32
        %dma_wait3A_872 = arith.constant 0 : i32
        %dma_wait3A_873 = tpu.memref_slice %arg10[%dma_wait3A_857, %dma_wait3A_871, %dma_wait3A_872] : memref<2x64x128xf32, #tpu.memory_space<vmem>> -> memref<1x64x128xf32, #tpu.memory_space<vmem>>
        %dma_wait3A_874 = tpu.memref_squeeze %dma_wait3A_873 : memref<1x64x128xf32, #tpu.memory_space<vmem>> -> memref<64x128xf32, #tpu.memory_space<vmem>>
        tpu.wait_dma2 semaphore(%arg15 : memref<!tpu.dma_semaphore, #tpu.memory_space<semaphore_mem>>) src(%dma_wait3A_874 : memref<64x128xf32, #tpu.memory_space<vmem>>) dst(%dma_wait3A_870 : memref<64x128xf32, #tpu.memory_space<hbm>>)
      } else {
      }
      %broadcast_in_dim3A_838 = vector.broadcast %select_n3A_802 : i32 to vector<16xi32>
      %parallel_loop3A_839 = arith.constant 0 : i32
      %parallel_loop3A_840 = arith.constant 64 : i32
      %parallel_loop3A_841 = arith.constant 1 : i32
      scf.for %parallel_loop3A_857 = %parallel_loop3A_839 to %parallel_loop3A_840 step %parallel_loop3A_841  : i32 {
        %parallel_loop3A_858 = vector.broadcast %parallel_loop3A_857 : i32 to vector<16xi32>
        %parallel_loop3A_859 = tpu.vector_load_idx %arg11[%broadcast_in_dim3A_838, %parallel_loop3A_858] : memref<200x64xf32, #tpu.memory_space<vmem>>[vector<16xi32>, vector<16xi32>], vector<16xf32>,
        %parallel_loop3A_860 = tpu.iota {dimensions = array<i32: 0>} : vector<16xi32>
        %parallel_loop3A_861 = arith.constant 0 : i32
        %parallel_loop3A_862 = vector.broadcast %parallel_loop3A_861 : i32 to vector<16xi32>
        %parallel_loop3A_863 = arith.addi %parallel_loop3A_860, %parallel_loop3A_862 : vector<16xi32>
        %parallel_loop3A_864 = arith.constant 1 : i32
        %parallel_loop3A_865 = arith.index_cast %parallel_loop3A_864 : i32 to index
        %parallel_loop3A_866 = arith.constant 0 : index
        %parallel_loop3A_867 = tpu.vector_load %arg8[%parallel_loop3A_865, %parallel_loop3A_866] {strides = array<i32>} : memref<2x128xi32, #tpu.memory_space<vmem>>, vector<16xi32>,
        %parallel_loop3A_868 = vector.broadcast %parallel_loop3A_857 : i32 to vector<16xi32>
        %parallel_loop3A_869 = arith.addi %parallel_loop3A_867, %parallel_loop3A_868 : vector<16xi32>
        %parallel_loop3A_870 = arith.constant 1 : i32
        %parallel_loop3A_871 = arith.constant 0 : i32
        %parallel_loop3A_872 = arith.constant 0 : i32
        %parallel_loop3A_873 = tpu.memref_slice %arg9[%parallel_loop3A_870, %parallel_loop3A_871, %parallel_loop3A_872] : memref<2x128x128xf32, #tpu.memory_space<vmem>> -> memref<1x128x128xf32, #tpu.memory_space<vmem>>
        %parallel_loop3A_874 = tpu.memref_squeeze %parallel_loop3A_873 : memref<1x128x128xf32, #tpu.memory_space<vmem>> -> memref<128x128xf32, #tpu.memory_space<vmem>>
        %parallel_loop3A_875 = tpu.vector_load_idx %parallel_loop3A_874[%parallel_loop3A_863, %parallel_loop3A_869] : memref<128x128xf32, #tpu.memory_space<vmem>>[vector<16xi32>, vector<16xi32>], vector<16xf32>,
        %parallel_loop3A_876 = arith.addf %parallel_loop3A_875, %parallel_loop3A_859 : vector<16xf32>
        %parallel_loop3A_877 = arith.constant 1 : i32
        %parallel_loop3A_878 = arith.index_cast %parallel_loop3A_877 : i32 to index
        %parallel_loop3A_879 = arith.index_cast %parallel_loop3A_857 : i32 to index
        %parallel_loop3A_880 = arith.constant 0 : index
        %parallel_loop3A_881 = tpu.vector_load %arg10[%parallel_loop3A_878, %parallel_loop3A_879, %parallel_loop3A_880] {strides = array<i32>} : memref<2x64x128xf32, #tpu.memory_space<vmem>>, vector<16xf32>,
        tpu.vector_store %arg10[%parallel_loop3A_878, %parallel_loop3A_879, %parallel_loop3A_880], %parallel_loop3A_876 {strides = array<i32>} : memref<2x64x128xf32, #tpu.memory_space<vmem>>, vector<16xf32>,
        %parallel_loop3A_882 = tpu.iota {dimensions = array<i32: 0>} : vector<16xi32>
        %parallel_loop3A_883 = arith.constant 16 : i32
        %parallel_loop3A_884 = vector.broadcast %parallel_loop3A_883 : i32 to vector<16xi32>
        %parallel_loop3A_885 = arith.addi %parallel_loop3A_882, %parallel_loop3A_884 : vector<16xi32>
        %parallel_loop3A_886 = arith.constant 1 : i32
        %parallel_loop3A_887 = arith.index_cast %parallel_loop3A_886 : i32 to index
        %parallel_loop3A_888 = arith.constant 16 : index
        %parallel_loop3A_889 = tpu.vector_load %arg8[%parallel_loop3A_887, %parallel_loop3A_888] {strides = array<i32>} : memref<2x128xi32, #tpu.memory_space<vmem>>, vector<16xi32>,
        %parallel_loop3A_890 = vector.broadcast %parallel_loop3A_857 : i32 to vector<16xi32>
        %parallel_loop3A_891 = arith.addi %parallel_loop3A_889, %parallel_loop3A_890 : vector<16xi32>
        %parallel_loop3A_892 = arith.constant 1 : i32
        %parallel_loop3A_893 = arith.constant 0 : i32
        %parallel_loop3A_894 = arith.constant 0 : i32
        %parallel_loop3A_895 = tpu.memref_slice %arg9[%parallel_loop3A_892, %parallel_loop3A_893, %parallel_loop3A_894] : memref<2x128x128xf32, #tpu.memory_space<vmem>> -> memref<1x128x128xf32, #tpu.memory_space<vmem>>
        %parallel_loop3A_896 = tpu.memref_squeeze %parallel_loop3A_895 : memref<1x128x128xf32, #tpu.memory_space<vmem>> -> memref<128x128xf32, #tpu.memory_space<vmem>>
        %parallel_loop3A_897 = tpu.vector_load_idx %parallel_loop3A_896[%parallel_loop3A_885, %parallel_loop3A_891] : memref<128x128xf32, #tpu.memory_space<vmem>>[vector<16xi32>, vector<16xi32>], vector<16xf32>,
        %parallel_loop3A_898 = arith.addf %parallel_loop3A_897, %parallel_loop3A_859 : vector<16xf32>
        %parallel_loop3A_899 = arith.constant 1 : i32
        %parallel_loop3A_900 = arith.index_cast %parallel_loop3A_899 : i32 to index
        %parallel_loop3A_901 = arith.index_cast %parallel_loop3A_857 : i32 to index
        %parallel_loop3A_902 = arith.constant 16 : index
        %parallel_loop3A_903 = tpu.vector_load %arg10[%parallel_loop3A_900, %parallel_loop3A_901, %parallel_loop3A_902] {strides = array<i32>} : memref<2x64x128xf32, #tpu.memory_space<vmem>>, vector<16xf32>,
        tpu.vector_store %arg10[%parallel_loop3A_900, %parallel_loop3A_901, %parallel_loop3A_902], %parallel_loop3A_898 {strides = array<i32>} : memref<2x64x128xf32, #tpu.memory_space<vmem>>, vector<16xf32>,
        %parallel_loop3A_904 = tpu.iota {dimensions = array<i32: 0>} : vector<16xi32>
        %parallel_loop3A_905 = arith.constant 32 : i32
        %parallel_loop3A_906 = vector.broadcast %parallel_loop3A_905 : i32 to vector<16xi32>
        %parallel_loop3A_907 = arith.addi %parallel_loop3A_904, %parallel_loop3A_906 : vector<16xi32>
        %parallel_loop3A_908 = arith.constant 1 : i32
        %parallel_loop3A_909 = arith.index_cast %parallel_loop3A_908 : i32 to index
        %parallel_loop3A_910 = arith.constant 32 : index
        %parallel_loop3A_911 = tpu.vector_load %arg8[%parallel_loop3A_909, %parallel_loop3A_910] {strides = array<i32>} : memref<2x128xi32, #tpu.memory_space<vmem>>, vector<16xi32>,
        %parallel_loop3A_912 = vector.broadcast %parallel_loop3A_857 : i32 to vector<16xi32>
        %parallel_loop3A_913 = arith.addi %parallel_loop3A_911, %parallel_loop3A_912 : vector<16xi32>
        %parallel_loop3A_914 = arith.constant 1 : i32
        %parallel_loop3A_915 = arith.constant 0 : i32
        %parallel_loop3A_916 = arith.constant 0 : i32
        %parallel_loop3A_917 = tpu.memref_slice %arg9[%parallel_loop3A_914, %parallel_loop3A_915, %parallel_loop3A_916] : memref<2x128x128xf32, #tpu.memory_space<vmem>> -> memref<1x128x128xf32, #tpu.memory_space<vmem>>
        %parallel_loop3A_918 = tpu.memref_squeeze %parallel_loop3A_917 : memref<1x128x128xf32, #tpu.memory_space<vmem>> -> memref<128x128xf32, #tpu.memory_space<vmem>>
        %parallel_loop3A_919 = tpu.vector_load_idx %parallel_loop3A_918[%parallel_loop3A_907, %parallel_loop3A_913] : memref<128x128xf32, #tpu.memory_space<vmem>>[vector<16xi32>, vector<16xi32>], vector<16xf32>,
        %parallel_loop3A_920 = arith.addf %parallel_loop3A_919, %parallel_loop3A_859 : vector<16xf32>
        %parallel_loop3A_921 = arith.constant 1 : i32
        %parallel_loop3A_922 = arith.index_cast %parallel_loop3A_921 : i32 to index
        %parallel_loop3A_923 = arith.index_cast %parallel_loop3A_857 : i32 to index
        %parallel_loop3A_924 = arith.constant 32 : index
        %parallel_loop3A_925 = tpu.vector_load %arg10[%parallel_loop3A_922, %parallel_loop3A_923, %parallel_loop3A_924] {strides = array<i32>} : memref<2x64x128xf32, #tpu.memory_space<vmem>>, vector<16xf32>,
        tpu.vector_store %arg10[%parallel_loop3A_922, %parallel_loop3A_923, %parallel_loop3A_924], %parallel_loop3A_920 {strides = array<i32>} : memref<2x64x128xf32, #tpu.memory_space<vmem>>, vector<16xf32>,
        %parallel_loop3A_926 = tpu.iota {dimensions = array<i32: 0>} : vector<16xi32>
        %parallel_loop3A_927 = arith.constant 48 : i32
        %parallel_loop3A_928 = vector.broadcast %parallel_loop3A_927 : i32 to vector<16xi32>
        %parallel_loop3A_929 = arith.addi %parallel_loop3A_926, %parallel_loop3A_928 : vector<16xi32>
        %parallel_loop3A_930 = arith.constant 1 : i32
        %parallel_loop3A_931 = arith.index_cast %parallel_loop3A_930 : i32 to index
        %parallel_loop3A_932 = arith.constant 48 : index
        %parallel_loop3A_933 = tpu.vector_load %arg8[%parallel_loop3A_931, %parallel_loop3A_932] {strides = array<i32>} : memref<2x128xi32, #tpu.memory_space<vmem>>, vector<16xi32>,
        %parallel_loop3A_934 = vector.broadcast %parallel_loop3A_857 : i32 to vector<16xi32>
        %parallel_loop3A_935 = arith.addi %parallel_loop3A_933, %parallel_loop3A_934 : vector<16xi32>
        %parallel_loop3A_936 = arith.constant 1 : i32
        %parallel_loop3A_937 = arith.constant 0 : i32
        %parallel_loop3A_938 = arith.constant 0 : i32
        %parallel_loop3A_939 = tpu.memref_slice %arg9[%parallel_loop3A_936, %parallel_loop3A_937, %parallel_loop3A_938] : memref<2x128x128xf32, #tpu.memory_space<vmem>> -> memref<1x128x128xf32, #tpu.memory_space<vmem>>
        %parallel_loop3A_940 = tpu.memref_squeeze %parallel_loop3A_939 : memref<1x128x128xf32, #tpu.memory_space<vmem>> -> memref<128x128xf32, #tpu.memory_space<vmem>>
        %parallel_loop3A_941 = tpu.vector_load_idx %parallel_loop3A_940[%parallel_loop3A_929, %parallel_loop3A_935] : memref<128x128xf32, #tpu.memory_space<vmem>>[vector<16xi32>, vector<16xi32>], vector<16xf32>,
        %parallel_loop3A_942 = arith.addf %parallel_loop3A_941, %parallel_loop3A_859 : vector<16xf32>
        %parallel_loop3A_943 = arith.constant 1 : i32
        %parallel_loop3A_944 = arith.index_cast %parallel_loop3A_943 : i32 to index
        %parallel_loop3A_945 = arith.index_cast %parallel_loop3A_857 : i32 to index
        %parallel_loop3A_946 = arith.constant 48 : index
        %parallel_loop3A_947 = tpu.vector_load %arg10[%parallel_loop3A_944, %parallel_loop3A_945, %parallel_loop3A_946] {strides = array<i32>} : memref<2x64x128xf32, #tpu.memory_space<vmem>>, vector<16xf32>,
        tpu.vector_store %arg10[%parallel_loop3A_944, %parallel_loop3A_945, %parallel_loop3A_946], %parallel_loop3A_942 {strides = array<i32>} : memref<2x64x128xf32, #tpu.memory_space<vmem>>, vector<16xf32>,
        %parallel_loop3A_948 = tpu.iota {dimensions = array<i32: 0>} : vector<16xi32>
        %parallel_loop3A_949 = arith.constant 64 : i32
        %parallel_loop3A_950 = vector.broadcast %parallel_loop3A_949 : i32 to vector<16xi32>
        %parallel_loop3A_951 = arith.addi %parallel_loop3A_948, %parallel_loop3A_950 : vector<16xi32>
        %parallel_loop3A_952 = arith.constant 1 : i32
        %parallel_loop3A_953 = arith.index_cast %parallel_loop3A_952 : i32 to index
        %parallel_loop3A_954 = arith.constant 64 : index
        %parallel_loop3A_955 = tpu.vector_load %arg8[%parallel_loop3A_953, %parallel_loop3A_954] {strides = array<i32>} : memref<2x128xi32, #tpu.memory_space<vmem>>, vector<16xi32>,
        %parallel_loop3A_956 = vector.broadcast %parallel_loop3A_857 : i32 to vector<16xi32>
        %parallel_loop3A_957 = arith.addi %parallel_loop3A_955, %parallel_loop3A_956 : vector<16xi32>
        %parallel_loop3A_958 = arith.constant 1 : i32
        %parallel_loop3A_959 = arith.constant 0 : i32
        %parallel_loop3A_960 = arith.constant 0 : i32
        %parallel_loop3A_961 = tpu.memref_slice %arg9[%parallel_loop3A_958, %parallel_loop3A_959, %parallel_loop3A_960] : memref<2x128x128xf32, #tpu.memory_space<vmem>> -> memref<1x128x128xf32, #tpu.memory_space<vmem>>
        %parallel_loop3A_962 = tpu.memref_squeeze %parallel_loop3A_961 : memref<1x128x128xf32, #tpu.memory_space<vmem>> -> memref<128x128xf32, #tpu.memory_space<vmem>>
        %parallel_loop3A_963 = tpu.vector_load_idx %parallel_loop3A_962[%parallel_loop3A_951, %parallel_loop3A_957] : memref<128x128xf32, #tpu.memory_space<vmem>>[vector<16xi32>, vector<16xi32>], vector<16xf32>,
        %parallel_loop3A_964 = arith.addf %parallel_loop3A_963, %parallel_loop3A_859 : vector<16xf32>
        %parallel_loop3A_965 = arith.constant 1 : i32
        %parallel_loop3A_966 = arith.index_cast %parallel_loop3A_965 : i32 to index
        %parallel_loop3A_967 = arith.index_cast %parallel_loop3A_857 : i32 to index
        %parallel_loop3A_968 = arith.constant 64 : index
        %parallel_loop3A_969 = tpu.vector_load %arg10[%parallel_loop3A_966, %parallel_loop3A_967, %parallel_loop3A_968] {strides = array<i32>} : memref<2x64x128xf32, #tpu.memory_space<vmem>>, vector<16xf32>,
        tpu.vector_store %arg10[%parallel_loop3A_966, %parallel_loop3A_967, %parallel_loop3A_968], %parallel_loop3A_964 {strides = array<i32>} : memref<2x64x128xf32, #tpu.memory_space<vmem>>, vector<16xf32>,
        %parallel_loop3A_970 = tpu.iota {dimensions = array<i32: 0>} : vector<16xi32>
        %parallel_loop3A_971 = arith.constant 80 : i32
        %parallel_loop3A_972 = vector.broadcast %parallel_loop3A_971 : i32 to vector<16xi32>
        %parallel_loop3A_973 = arith.addi %parallel_loop3A_970, %parallel_loop3A_972 : vector<16xi32>
        %parallel_loop3A_974 = arith.constant 1 : i32
        %parallel_loop3A_975 = arith.index_cast %parallel_loop3A_974 : i32 to index
        %parallel_loop3A_976 = arith.constant 80 : index
        %parallel_loop3A_977 = tpu.vector_load %arg8[%parallel_loop3A_975, %parallel_loop3A_976] {strides = array<i32>} : memref<2x128xi32, #tpu.memory_space<vmem>>, vector<16xi32>,
        %parallel_loop3A_978 = vector.broadcast %parallel_loop3A_857 : i32 to vector<16xi32>
        %parallel_loop3A_979 = arith.addi %parallel_loop3A_977, %parallel_loop3A_978 : vector<16xi32>
        %parallel_loop3A_980 = arith.constant 1 : i32
        %parallel_loop3A_981 = arith.constant 0 : i32
        %parallel_loop3A_982 = arith.constant 0 : i32
        %parallel_loop3A_983 = tpu.memref_slice %arg9[%parallel_loop3A_980, %parallel_loop3A_981, %parallel_loop3A_982] : memref<2x128x128xf32, #tpu.memory_space<vmem>> -> memref<1x128x128xf32, #tpu.memory_space<vmem>>
        %parallel_loop3A_984 = tpu.memref_squeeze %parallel_loop3A_983 : memref<1x128x128xf32, #tpu.memory_space<vmem>> -> memref<128x128xf32, #tpu.memory_space<vmem>>
        %parallel_loop3A_985 = tpu.vector_load_idx %parallel_loop3A_984[%parallel_loop3A_973, %parallel_loop3A_979] : memref<128x128xf32, #tpu.memory_space<vmem>>[vector<16xi32>, vector<16xi32>], vector<16xf32>,
        %parallel_loop3A_986 = arith.addf %parallel_loop3A_985, %parallel_loop3A_859 : vector<16xf32>
        %parallel_loop3A_987 = arith.constant 1 : i32
        %parallel_loop3A_988 = arith.index_cast %parallel_loop3A_987 : i32 to index
        %parallel_loop3A_989 = arith.index_cast %parallel_loop3A_857 : i32 to index
        %parallel_loop3A_990 = arith.constant 80 : index
        %parallel_loop3A_991 = tpu.vector_load %arg10[%parallel_loop3A_988, %parallel_loop3A_989, %parallel_loop3A_990] {strides = array<i32>} : memref<2x64x128xf32, #tpu.memory_space<vmem>>, vector<16xf32>,
        tpu.vector_store %arg10[%parallel_loop3A_988, %parallel_loop3A_989, %parallel_loop3A_990], %parallel_loop3A_986 {strides = array<i32>} : memref<2x64x128xf32, #tpu.memory_space<vmem>>, vector<16xf32>,
        %parallel_loop3A_992 = tpu.iota {dimensions = array<i32: 0>} : vector<16xi32>
        %parallel_loop3A_993 = arith.constant 96 : i32
        %parallel_loop3A_994 = vector.broadcast %parallel_loop3A_993 : i32 to vector<16xi32>
        %parallel_loop3A_995 = arith.addi %parallel_loop3A_992, %parallel_loop3A_994 : vector<16xi32>
        %parallel_loop3A_996 = arith.constant 1 : i32
        %parallel_loop3A_997 = arith.index_cast %parallel_loop3A_996 : i32 to index
        %parallel_loop3A_998 = arith.constant 96 : index
        %parallel_loop3A_999 = tpu.vector_load %arg8[%parallel_loop3A_997, %parallel_loop3A_998] {strides = array<i32>} : memref<2x128xi32, #tpu.memory_space<vmem>>, vector<16xi32>,
        %parallel_loop3A_1000 = vector.broadcast %parallel_loop3A_857 : i32 to vector<16xi32>
        %parallel_loop3A_1001 = arith.addi %parallel_loop3A_999, %parallel_loop3A_1000 : vector<16xi32>
        %parallel_loop3A_1002 = arith.constant 1 : i32
        %parallel_loop3A_1003 = arith.constant 0 : i32
        %parallel_loop3A_1004 = arith.constant 0 : i32
        %parallel_loop3A_1005 = tpu.memref_slice %arg9[%parallel_loop3A_1002, %parallel_loop3A_1003, %parallel_loop3A_1004] : memref<2x128x128xf32, #tpu.memory_space<vmem>> -> memref<1x128x128xf32, #tpu.memory_space<vmem>>
        %parallel_loop3A_1006 = tpu.memref_squeeze %parallel_loop3A_1005 : memref<1x128x128xf32, #tpu.memory_space<vmem>> -> memref<128x128xf32, #tpu.memory_space<vmem>>
        %parallel_loop3A_1007 = tpu.vector_load_idx %parallel_loop3A_1006[%parallel_loop3A_995, %parallel_loop3A_1001] : memref<128x128xf32, #tpu.memory_space<vmem>>[vector<16xi32>, vector<16xi32>], vector<16xf32>,
        %parallel_loop3A_1008 = arith.addf %parallel_loop3A_1007, %parallel_loop3A_859 : vector<16xf32>
        %parallel_loop3A_1009 = arith.constant 1 : i32
        %parallel_loop3A_1010 = arith.index_cast %parallel_loop3A_1009 : i32 to index
        %parallel_loop3A_1011 = arith.index_cast %parallel_loop3A_857 : i32 to index
        %parallel_loop3A_1012 = arith.constant 96 : index
        %parallel_loop3A_1013 = tpu.vector_load %arg10[%parallel_loop3A_1010, %parallel_loop3A_1011, %parallel_loop3A_1012] {strides = array<i32>} : memref<2x64x128xf32, #tpu.memory_space<vmem>>, vector<16xf32>,
        tpu.vector_store %arg10[%parallel_loop3A_1010, %parallel_loop3A_1011, %parallel_loop3A_1012], %parallel_loop3A_1008 {strides = array<i32>} : memref<2x64x128xf32, #tpu.memory_space<vmem>>, vector<16xf32>,
        %parallel_loop3A_1014 = tpu.iota {dimensions = array<i32: 0>} : vector<16xi32>
        %parallel_loop3A_1015 = arith.constant 112 : i32
        %parallel_loop3A_1016 = vector.broadcast %parallel_loop3A_1015 : i32 to vector<16xi32>
        %parallel_loop3A_1017 = arith.addi %parallel_loop3A_1014, %parallel_loop3A_1016 : vector<16xi32>
        %parallel_loop3A_1018 = arith.constant 1 : i32
        %parallel_loop3A_1019 = arith.index_cast %parallel_loop3A_1018 : i32 to index
        %parallel_loop3A_1020 = arith.constant 112 : index
        %parallel_loop3A_1021 = tpu.vector_load %arg8[%parallel_loop3A_1019, %parallel_loop3A_1020] {strides = array<i32>} : memref<2x128xi32, #tpu.memory_space<vmem>>, vector<16xi32>,
        %parallel_loop3A_1022 = vector.broadcast %parallel_loop3A_857 : i32 to vector<16xi32>
        %parallel_loop3A_1023 = arith.addi %parallel_loop3A_1021, %parallel_loop3A_1022 : vector<16xi32>
        %parallel_loop3A_1024 = arith.constant 1 : i32
        %parallel_loop3A_1025 = arith.constant 0 : i32
        %parallel_loop3A_1026 = arith.constant 0 : i32
        %parallel_loop3A_1027 = tpu.memref_slice %arg9[%parallel_loop3A_1024, %parallel_loop3A_1025, %parallel_loop3A_1026] : memref<2x128x128xf32, #tpu.memory_space<vmem>> -> memref<1x128x128xf32, #tpu.memory_space<vmem>>
        %parallel_loop3A_1028 = tpu.memref_squeeze %parallel_loop3A_1027 : memref<1x128x128xf32, #tpu.memory_space<vmem>> -> memref<128x128xf32, #tpu.memory_space<vmem>>
        %parallel_loop3A_1029 = tpu.vector_load_idx %parallel_loop3A_1028[%parallel_loop3A_1017, %parallel_loop3A_1023] : memref<128x128xf32, #tpu.memory_space<vmem>>[vector<16xi32>, vector<16xi32>], vector<16xf32>,
        %parallel_loop3A_1030 = arith.addf %parallel_loop3A_1029, %parallel_loop3A_859 : vector<16xf32>
        %parallel_loop3A_1031 = arith.constant 1 : i32
        %parallel_loop3A_1032 = arith.index_cast %parallel_loop3A_1031 : i32 to index
        %parallel_loop3A_1033 = arith.index_cast %parallel_loop3A_857 : i32 to index
        %parallel_loop3A_1034 = arith.constant 112 : index
        %parallel_loop3A_1035 = tpu.vector_load %arg10[%parallel_loop3A_1032, %parallel_loop3A_1033, %parallel_loop3A_1034] {strides = array<i32>} : memref<2x64x128xf32, #tpu.memory_space<vmem>>, vector<16xf32>,
        tpu.vector_store %arg10[%parallel_loop3A_1032, %parallel_loop3A_1033, %parallel_loop3A_1034], %parallel_loop3A_1030 {strides = array<i32>} : memref<2x64x128xf32, #tpu.memory_space<vmem>>, vector<16xf32>,
      } {sc.loop_unroll_factor = 1 : i64, sc.parallel_access}
      %dma_start3A_842 = arith.constant 1 : i32
      %dma_start3A_843 = arith.constant 0 : i32
      %dma_start3A_844 = arith.constant 0 : i32
      %dma_start3A_845 = tpu.memref_slice %arg10[%dma_start3A_842, %dma_start3A_843, %dma_start3A_844] : memref<2x64x128xf32, #tpu.memory_space<vmem>> -> memref<1x64x128xf32, #tpu.memory_space<vmem>>
      %dma_start3A_846 = tpu.memref_squeeze %dma_start3A_845 : memref<1x64x128xf32, #tpu.memory_space<vmem>> -> memref<64x128xf32, #tpu.memory_space<vmem>>
      %dma_start3A_847 = arith.constant 0 : i32
      %dma_start3A_848 = tpu.memref_slice %arg5[%select_n3A_802, %dma_start3A_847, %mul3A_820] : memref<200x64x1024xf32, #tpu.memory_space<hbm>> -> memref<1x64x128xf32, #tpu.memory_space<hbm>>
      %dma_start3A_849 = tpu.memref_squeeze %dma_start3A_848 : memref<1x64x128xf32, #tpu.memory_space<hbm>> -> memref<64x128xf32, #tpu.memory_space<hbm>>
      %dma_start3A_850 = arith.constant 0 : i32
      %dma_start3A_851 = tpu.memref_slice %arg5[%select_n3A_802, %dma_start3A_850, %mul3A_820] : memref<200x64x1024xf32, #tpu.memory_space<hbm>> -> memref<1x64x128xf32, #tpu.memory_space<hbm>>
      %dma_start3A_852 = tpu.memref_squeeze %dma_start3A_851 : memref<1x64x128xf32, #tpu.memory_space<hbm>> -> memref<64x128xf32, #tpu.memory_space<hbm>>
      %dma_start3A_853 = arith.constant 0 : i32
      %dma_start3A_854 = arith.constant 0 : i32
      %dma_start3A_855 = tpu.memref_slice %arg10[%dma_start3A_842, %dma_start3A_853, %dma_start3A_854] : memref<2x64x128xf32, #tpu.memory_space<vmem>> -> memref<1x64x128xf32, #tpu.memory_space<vmem>>
      %dma_start3A_856 = tpu.memref_squeeze %dma_start3A_855 : memref<1x64x128xf32, #tpu.memory_space<vmem>> -> memref<64x128xf32, #tpu.memory_space<vmem>>
      tpu.enqueue_dma source(%dma_start3A_856 : memref<64x128xf32, #tpu.memory_space<vmem>>) target(%dma_start3A_852 : memref<64x128xf32, #tpu.memory_space<hbm>>) target_semaphore(%arg15 : memref<!tpu.dma_semaphore, #tpu.memory_space<semaphore_mem>>)
    }
    %scan3A_374 = arith.constant 25 : i32
    %dma_wait3A = arith.constant 0 : i32
    %dma_wait3A_375 = arith.constant 0 : i32
    %dma_wait3A_376 = arith.constant 0 : i32
    %dma_wait3A_377 = arith.constant 0 : i32
    %dma_wait3A_378 = tpu.memref_slice %arg10[%dma_wait3A, %dma_wait3A_376, %dma_wait3A_377] : memref<2x64x128xf32, #tpu.memory_space<vmem>> -> memref<1x64x128xf32, #tpu.memory_space<vmem>>
    %dma_wait3A_379 = tpu.memref_squeeze %dma_wait3A_378 : memref<1x64x128xf32, #tpu.memory_space<vmem>> -> memref<64x128xf32, #tpu.memory_space<vmem>>
    %dma_wait3A_380 = arith.constant 0 : i32
    %dma_wait3A_381 = arith.constant 0 : i32
    %dma_wait3A_382 = tpu.memref_slice %arg5[%dma_wait3A_375, %dma_wait3A_380, %dma_wait3A_381] : memref<200x64x1024xf32, #tpu.memory_space<hbm>> -> memref<1x64x128xf32, #tpu.memory_space<hbm>>
    %dma_wait3A_383 = tpu.memref_squeeze %dma_wait3A_382 : memref<1x64x128xf32, #tpu.memory_space<hbm>> -> memref<64x128xf32, #tpu.memory_space<hbm>>
    %dma_wait3A_384 = arith.constant 0 : i32
    %dma_wait3A_385 = arith.constant 0 : i32
    %dma_wait3A_386 = tpu.memref_slice %arg5[%dma_wait3A_375, %dma_wait3A_384, %dma_wait3A_385] : memref<200x64x1024xf32, #tpu.memory_space<hbm>> -> memref<1x64x128xf32, #tpu.memory_space<hbm>>
    %dma_wait3A_387 = tpu.memref_squeeze %dma_wait3A_386 : memref<1x64x128xf32, #tpu.memory_space<hbm>> -> memref<64x128xf32, #tpu.memory_space<hbm>>
    %dma_wait3A_388 = arith.constant 0 : i32
    %dma_wait3A_389 = arith.constant 0 : i32
    %dma_wait3A_390 = tpu.memref_slice %arg10[%dma_wait3A, %dma_wait3A_388, %dma_wait3A_389] : memref<2x64x128xf32, #tpu.memory_space<vmem>> -> memref<1x64x128xf32, #tpu.memory_space<vmem>>
    %dma_wait3A_391 = tpu.memref_squeeze %dma_wait3A_390 : memref<1x64x128xf32, #tpu.memory_space<vmem>> -> memref<64x128xf32, #tpu.memory_space<vmem>>
    tpu.wait_dma2 semaphore(%arg14 : memref<!tpu.dma_semaphore, #tpu.memory_space<semaphore_mem>>) src(%dma_wait3A_391 : memref<64x128xf32, #tpu.memory_space<vmem>>) dst(%dma_wait3A_387 : memref<64x128xf32, #tpu.memory_space<hbm>>)
    %dma_wait3A_392 = arith.constant 1 : i32
    %dma_wait3A_393 = arith.constant 0 : i32
    %dma_wait3A_394 = arith.constant 0 : i32
    %dma_wait3A_395 = arith.constant 0 : i32
    %dma_wait3A_396 = tpu.memref_slice %arg10[%dma_wait3A_392, %dma_wait3A_394, %dma_wait3A_395] : memref<2x64x128xf32, #tpu.memory_space<vmem>> -> memref<1x64x128xf32, #tpu.memory_space<vmem>>
    %dma_wait3A_397 = tpu.memref_squeeze %dma_wait3A_396 : memref<1x64x128xf32, #tpu.memory_space<vmem>> -> memref<64x128xf32, #tpu.memory_space<vmem>>
    %dma_wait3A_398 = arith.constant 0 : i32
    %dma_wait3A_399 = arith.constant 0 : i32
    %dma_wait3A_400 = tpu.memref_slice %arg5[%dma_wait3A_393, %dma_wait3A_398, %dma_wait3A_399] : memref<200x64x1024xf32, #tpu.memory_space<hbm>> -> memref<1x64x128xf32, #tpu.memory_space<hbm>>
    %dma_wait3A_401 = tpu.memref_squeeze %dma_wait3A_400 : memref<1x64x128xf32, #tpu.memory_space<hbm>> -> memref<64x128xf32, #tpu.memory_space<hbm>>
    %dma_wait3A_402 = arith.constant 0 : i32
    %dma_wait3A_403 = arith.constant 0 : i32
    %dma_wait3A_404 = tpu.memref_slice %arg5[%dma_wait3A_393, %dma_wait3A_402, %dma_wait3A_403] : memref<200x64x1024xf32, #tpu.memory_space<hbm>> -> memref<1x64x128xf32, #tpu.memory_space<hbm>>
    %dma_wait3A_405 = tpu.memref_squeeze %dma_wait3A_404 : memref<1x64x128xf32, #tpu.memory_space<hbm>> -> memref<64x128xf32, #tpu.memory_space<hbm>>
    %dma_wait3A_406 = arith.constant 0 : i32
    %dma_wait3A_407 = arith.constant 0 : i32
    %dma_wait3A_408 = tpu.memref_slice %arg10[%dma_wait3A_392, %dma_wait3A_406, %dma_wait3A_407] : memref<2x64x128xf32, #tpu.memory_space<vmem>> -> memref<1x64x128xf32, #tpu.memory_space<vmem>>
    %dma_wait3A_409 = tpu.memref_squeeze %dma_wait3A_408 : memref<1x64x128xf32, #tpu.memory_space<vmem>> -> memref<64x128xf32, #tpu.memory_space<vmem>>
    tpu.wait_dma2 semaphore(%arg15 : memref<!tpu.dma_semaphore, #tpu.memory_space<semaphore_mem>>) src(%dma_wait3A_409 : memref<64x128xf32, #tpu.memory_space<vmem>>) dst(%dma_wait3A_405 : memref<64x128xf32, #tpu.memory_space<hbm>>)
    return
  }
}

module attributes {stable_mosaic.version = 14 : i64} {
  func.func @_mask_body(%arg0: i32, %arg1: memref<200x1024xi32, #tpu.memory_space<vmem>>, %arg2: memref<1x1x200x1024xi32, #tpu.memory_space<vmem>>) attributes {dimension_semantics = [#tpu.dimension_semantics<arbitrary>], iteration_bounds = array<i64: 200>, scalar_prefetch = 0 : i64, scratch_operands = 0 : i64, tpu.core_type = #tpu.core_type<tc>, window_params = [{pipeline_mode = #tpu.pipeline_mode<synchronous>, transform_indices = @transform_0, window_bounds = array<i64: 200, 1024>}, {transform_indices = @transform_1, window_bounds = array<i64: 1, 1, 200, 1024>}]} {
    %get3A = arith.constant 0 : index
    %get3A_0 = arith.constant 0 : index
    %get3A_1 = vector.load %arg1[%get3A, %get3A_0] : memref<200x1024xi32, #tpu.memory_space<vmem>>, vector<200x1024xi32>
    %gt3A = arith.constant 0 : i32
    %gt3A_2 = vector.broadcast %gt3A : i32 to vector<200x1024xi32>
    %gt3A_3 = arith.cmpi sgt, %get3A_1, %gt3A_2 : vector<200x1024xi32>
    %swap3A = arith.constant 0 : index
    %swap3A_4 = arith.constant 0 : index
    %swap3A_5 = arith.constant 0 : index
    %swap3A_6 = arith.constant 0 : index
    %swap3A_7 = vector.load %arg2[%swap3A, %swap3A_4, %swap3A_5, %swap3A_6] : memref<1x1x200x1024xi32, #tpu.memory_space<vmem>>, vector<1x1x200x1024xi32>
    %swap3A_8 = arith.extui %gt3A_3 : vector<200x1024xi1> to vector<200x1024xi32>
    %swap3A_9 = vector.shape_cast %swap3A_7 : vector<1x1x200x1024xi32> to vector<200x1024xi32>
    %swap3A_10 = vector.shape_cast %swap3A_8 : vector<200x1024xi32> to vector<1x1x200x1024xi32>
    %swap3A_11 = arith.constant dense<0> : vector<200x1024xi32>
    %swap3A_12 = arith.cmpi ne, %swap3A_9, %swap3A_11 : vector<200x1024xi32>
    tpu.vector_store %arg2[%swap3A, %swap3A_4, %swap3A_5, %swap3A_6], %swap3A_10 {strides = array<i32>} : memref<1x1x200x1024xi32, #tpu.memory_space<vmem>>, vector<1x1x200x1024xi32>,
    return
  }
  func.func @transform_0(%arg0: i32) -> (i32, i32) {
    %c0_i32 = arith.constant 0 : i32
    %c0_i32_0 = arith.constant 0 : i32
    %c0_i32_1 = arith.constant 0 : i32
    return %c0_i32, %c0_i32_0 : i32, i32
  }
  func.func @transform_1(%arg0: i32) -> (i32, i32, i32, i32) {
    %c0_i32 = arith.constant 0 : i32
    %c0_i32_0 = arith.constant 0 : i32
    %c0_i32_1 = arith.constant 0 : i32
    %c0_i32_2 = arith.constant 0 : i32
    return %c0_i32, %arg0, %c0_i32_0, %c0_i32_1 : i32, i32, i32, i32
  }
}

</mosaic_0001>

<sc_bundles>
// kernel: kernel.4.cloned.1.call-start
scs
__scs_entry_jumppad:
0x0: {  	(pc) =	sbr.rel $0x88, $3  }
0x1: {  	(tag) =	ssettag $0x0;
	lr =	simm.s32 $0x1  }
0x2: {  	[smem:$0x3F9E] =	sst lr;
	_ =	strace $0xD0000000  }
0x3: {  	_ = 	snop  }
0x4: {  	_ = 	snop  }
0x5: {  	_ = 	snop  }
0x6: {  	_ = 	snop  }
0x7: {  	_ = 	snop  }
__scs_overlays_trampoline_lowered:
0x8: {  	[smem:$0x3FAD] =	sst s0  }
0x9: {  	[smem:$0x3FAE] =	sst s1  }
0xa: {  	[smem:$0x3FAF] =	sst s2  }
0xb: {  	[smem:$0x3FB0] =	sst s3  }
0xc: {  	[smem:$0x3FB1] =	sst s4  }
0xd: {  	[smem:$0x3FB2] =	sst s5  }
0xe: {  	[smem:$0x3FB3] =	sst s6  }
0xf: {  	[smem:$0x3FB4] =	sst s7  }
0x10: {  	[smem:$0x3FB5] =	sst s8  }
0x11: {  	[smem:$0x3FB6] =	sst s9;
	s0 =	simm.s32 @!p0 $0x0  }
0x12: {  	s1 =	sld [smem:$0x3F9C];
	s0 =	simm.s32 @p0 $0x1  }
0x13: {  	[smem:$0x3FB7] =	sst s0;
	s0 =	simm.s32 @!p1 $0x0  }
0x14: {  	s2 =	sld [smem:$0x3F9B];
	s0 =	simm.s32 @p1 $0x1  }
0x15: {  	[smem:$0x3FB8] =	sst s0;
	s0 =	simm.s32 @!p2 $0x0  }
0x16: {  	s3 =	sld [smem:$0x3FDB];
	s0 =	simm.s32 @p2 $0x1  }
0x17: {  	s4 =	simm.s32 $0x1BF5;
	[smem:$0x3FBA] =	sst s0  }
0x18: {  	s0 =	sld [smem:$0x3F9D];
	_ =	swait.ge [sflag:s4], $0x0  }
0x19: {  	s7 =	sld [smem:$0x3F9E]  }
0x1a: {  	s8 =	sadd.s32 $0xFFFFE003, lr  }
0x1b: {  	s9 =	sadd.s32 $0xFFFFFEF7, lr;
	s5 =	simm.s32 $0xFFFFFFFF;
	p2 =	slt.u32 s8, $0xFFFFF086  }
0x1c: {  	p1 =	slt.u32 s9, $0xF7A;
	s5 =	simm.s32 @!p2 $0x0  }
0x1d: {  	s5 =	simm.s32 @p1 $0x1;
	p0 =	seq.s32 s7, s2  }
0x1e: {  	s7 =	smul.u32 @!p0 $0xF7A, s2;
	p2 =	seq.s32 @!p0 s5, $0x0  }
0x1f: {  	s9 =	smul.u32 $0xF7A, s1;
	s8 =	simm.s32 @!p0 $0x1BF5;
	p2 =	por !p2, p0  }
0x20: {  	[sflag:s8] =	ssyncset.s32 @!p0 $0xFFFFF086;
	s6 =	sadd.s32 @!p0 s3, s7;
	s7 =	simm.s32 @!p0 $0x108  }
0x21: {  	s3 =	sadd.s32 s3, s9;
	s6 =	sadd.s32 @!p0 $0x88, s6;
	s7 =	simm.s32 @p2 $0x1082  }
0x22: {  	[simem:s7], [sflag:s8] =	dma.local @!p0 [hbm:s6], $0xF7A  }
0x23: {  	s9 =	sor.u32 $0xD0000000, s2;
	s6 =	simm.s32 $0x108;
	_ =	swait.ge @!p0 [sflag:s8], $0x0  }
0x24: {  	s3 =	sadd.s32 $0x88, s3;
	s6 =	simm.s32 @!p1 $0x1082;
	[sflag:s4] =	ssyncset.s32 $0xFFFFF086  }
0x25: {  	[simem:s6], [sflag:s4] =	dma.local [hbm:s3], $0xF7A  }
0x26: {  	[smem:$0x3F9E] =	sst s1;
	(tag) =	ssettag s2;
	_ =	strace s9  }
0x27: {  	s1 =	sld [smem:$0x3FAE]  }
0x28: {  	s2 =	sld [smem:$0x3FAF]  }
0x29: {  	s4 =	sld [smem:$0x3FB1]  }
0x2a: {  	p0 =	seq.s32 s5, $0x0;
	s5 =	sld [smem:$0x3FB2]  }
0x2b: {  	s6 =	sld [smem:$0x3FB3]  }
0x2c: {  	s7 =	sld [smem:$0x3FB4]  }
0x2d: {  	s3 =	simm.s32 $0x108;
	s8 =	sld [smem:$0x3FB5]  }
0x2e: {  	s3 =	simm.s32 @!p0 $0x1082;
	s9 =	sld [smem:$0x3FB6]  }
0x2f: {  	lr =	sadd.s32 s0, s3;
	s0 =	sld [smem:$0x3FAD]  }
0x30: {  	s3 =	sld [smem:$0x3FB0]  }
0x31: {  	[smem:$0x3FB9] =	sst s10  }
0x32: {  	s10 =	sld [smem:$0x3FB7];
	_ =	sdelay $0x3  }
0x33: {  	p0 =	seq.s32 s10, $0x1;
	s10 =	sld [smem:$0x3FB9];
	_ =	sdelay $0x3  }
0x34: {  	[smem:$0x3FB9] =	sst s10  }
0x35: {  	s10 =	sld [smem:$0x3FB8];
	_ =	sdelay $0x3  }
0x36: {  	p1 =	seq.s32 s10, $0x1;
	s10 =	sld [smem:$0x3FB9];
	_ =	sdelay $0x3  }
0x37: {  	[smem:$0x3FB9] =	sst s10  }
0x38: {  	s10 =	sld [smem:$0x3FBA]  }
0x39: {  	_ = 	snop;
	(pc) =	sbr.ind lr, $3  }
0x3a: {  	_ = 	snop  }
0x3b: {  	_ = 	snop  }
0x3c: {  	p2 =	seq.s32 s10, $0x1;
	s10 =	sld [smem:$0x3FB9]  }
0x3d: {  	_ =	shalt  }
0x3e: {  	_ =	shalt  }
0x3f: {  	_ =	shalt  }
0x40: {  	_ =	shalt  }
0x41: {  	_ =	shalt  }
0x42: {  	_ =	shalt  }
0x43: {  	_ =	shalt  }
0x44: {  	_ =	shalt  }
0x45: {  	_ =	shalt  }
0x46: {  	_ =	shalt  }
0x47: {  	_ =	shalt  }
0x48: {  	_ =	shalt  }
0x49: {  	_ =	shalt  }
0x4a: {  	_ =	shalt  }
0x4b: {  	_ =	shalt  }
0x4c: {  	_ =	shalt  }
0x4d: {  	_ =	shalt  }
0x4e: {  	_ =	shalt  }
0x4f: {  	_ =	shalt  }
0x50: {  	_ =	shalt  }
0x51: {  	_ =	shalt  }
0x52: {  	_ =	shalt  }
0x53: {  	_ =	shalt  }
0x54: {  	_ =	shalt  }
0x55: {  	_ =	shalt  }
0x56: {  	_ =	shalt  }
0x57: {  	_ =	shalt  }
0x58: {  	_ =	shalt  }
0x59: {  	_ =	shalt  }
0x5a: {  	_ =	shalt  }
0x5b: {  	_ =	shalt  }
0x5c: {  	_ =	shalt  }
0x5d: {  	_ =	shalt  }
0x5e: {  	_ =	shalt  }
0x5f: {  	_ =	shalt  }
0x60: {  	_ =	shalt  }
0x61: {  	_ =	shalt  }
0x62: {  	_ =	shalt  }
0x63: {  	_ =	shalt  }
0x64: {  	_ =	shalt  }
0x65: {  	_ =	shalt  }
0x66: {  	_ =	shalt  }
0x67: {  	_ =	shalt  }
0x68: {  	_ =	shalt  }
0x69: {  	_ =	shalt  }
0x6a: {  	_ =	shalt  }
0x6b: {  	_ =	shalt  }
0x6c: {  	_ =	shalt  }
0x6d: {  	_ =	shalt  }
0x6e: {  	_ =	shalt  }
0x6f: {  	_ =	shalt  }
0x70: {  	_ =	shalt  }
0x71: {  	_ =	shalt  }
0x72: {  	_ =	shalt  }
0x73: {  	_ =	shalt  }
0x74: {  	_ =	shalt  }
0x75: {  	_ =	shalt  }
0x76: {  	_ =	shalt  }
0x77: {  	_ =	shalt  }
0x78: {  	_ =	shalt  }
0x79: {  	_ =	shalt  }
0x7a: {  	_ =	shalt  }
0x7b: {  	_ =	shalt  }
0x7c: {  	_ =	shalt  }
0x7d: {  	_ =	shalt  }
0x7e: {  	_ =	shalt  }
0x7f: {  	_ =	shalt  }
0x80: {  	_ =	shalt  }
0x81: {  	_ =	shalt  }
0x82: {  	_ =	shalt  }
0x83: {  	_ =	shalt  }
0x84: {  	_ =	shalt  }
0x85: {  	_ =	shalt  }
0x86: {  	_ =	shalt  }
0x87: {  	_ =	shalt  }
.Lfunc_end0:
.L_simem_size_0:
called_computation_lowered:
.L_overlay_start_0:
0x88: {  	s2 =	sld [smem:$0x3FD9]  }
0x89: {  	s3 =	sld [smem:$0x3FFE];
	_ =	sdelay $0x1  }
0x8a: {  	s1 =	srdreg.scid  }
0x8b: {  	s0 =	sand.u32 $0x1, s1  }
0x8c: {  	s14 =	sshll.u32 s0, $0xA;
	s2 =	sadd.s32 s3, s2  }
0x8d: {  	s2 =	sadd.s32 s2, s14  }
0x8e: {  	[smem:$0x3FC5] =	sst s2  }
0x8f: {  	_ = 	snop  }
0x90: {  	s2 =	sld [smem:$0x3FD0];
	_ =	sdelay $0x2  }
0x91: {  	s4 =	simm.s32 $0xA;
	s5 =	simm.s32 $0x10;
	s15 =	sld [smem:$0x3FC9]  }
0x92: {  	[smem:s5], [sflag:s4] =	dma.local [hbm:s2], $0x1  }
0x93: {  	_ =	swait.eq [sflag:s4], $0x1  }
0x94: {  	[sflag:s4] =	ssyncset.done $0x0  }
0x95: {  	[sflag:s4] =	ssyncadd.s32 $0xFFFFFFFF  }
0x96: {  	s16 =	sld [smem:$0x10];
	(tm) =	ssettm $0x1  }
0x97: {  	s17 =	sld [smem:$0x3FFB];
	_ =	sdelay $0x3  }
0x98: {  	_ =	strace s17  }
0x99: {  	s4 =	sld [smem:$0x3FFC];
	_ =	sdelay $0x3  }
0x9a: {  	_ =	strace s4  }
0x9b: {  	s4 =	sld [smem:$0x3FFD];
	_ =	sdelay $0x3  }
0x9c: {  	_ =	strace s4  }
0x9d: {  	_ =	strace $0x8FFFFFFF  }
0x9e: {  	s18 =	sld [smem:$0x3FDB];
	_ =	sdelay $0x1  }
0x9f: {  	s19 =	simm.s32 $_scs_section_size  }
0xa0: {  	s6 =	simm.s32 $_size__tile_overlayer_lowered;
	s7 =	simm.s32 $_tile_overlayer_lowered  }
0xa1: {  	s22 =	simm.s32 $0x1BFF;
	s21 =	sshll.u32 s7, $0x1;
	s4 =	sadd.s32 s19, s18  }
0xa2: {  	s8 =	simm.s32 $0x0;
	s20 =	sshll.u32 s6, $0x1;
	s6 =	sadd.s32 s21, s4  }
0xa3: {  	[timem:s8], [sflag:s22] =	dma.local [hbm:s6], s20  }
0xa4: {  	_ =	swait.ge [sflag:s22], s20  }
0xa5: {  	s5 =	ssub.s32 $0x0, s20;
	[sflag:s22] =	ssyncset.done $0x0  }
0xa6: {  	[sflag:s22] =	ssyncadd.s32 s5;
	_ =	sdelay $0x1  }
0xa7: {  	s23 =	simm.s32 $0x1B8B  }
0xa8: {  	_ =	swait.ge [sflag:s23], $0x1  }
0xa9: {  	[sflag:s23] =	ssyncset.done $0x0  }
0xaa: {  	s25 =	simm.s32 $0x1B8E;
	s24 =	sld [smem:$0x3FFE];
	[sflag:s23] =	ssyncadd.s32 $0xFFFFFFFF  }
0xab: {  	s26 =	simm.s32 $execute0_lowered;
	[smem:$0x3FD2] =	sst s25  }
0xac: {  	s6 =	sshll.u32 s26, $0x1;
	_ =	strace $0x80000046;
	[dreg:$0x1] =	wrdreg $0xFFFFFFFF  }
0xad: {  	s28 =	simm.s32 $_size_execute0_lowered;
	s4 =	sadd.s32 s4, s6;
	[dreg:$0x0] =	wrdreg $0x0  }
0xae: {  	s6 =	sshll.u32 s28, $0x1;
	[dreg:$0x2] =	wrdreg s4  }
0xaf: {  	[dreg:$0x3] =	wrdreg s6  }
0xb0: {  	[dreg:$0x4] =	wrdreg $0xC0  }
0xb1: {  	_ =	task [dreg:s8], $0x5FFFF  }
0xb2: {  	[dreg:$0x1] =	wrdreg $0xFFFFFFFF  }
0xb3: {  	[dreg:$0x0] =	wrdreg $0x60  }
0xb4: {  	[dreg:$0x2] =	wrdreg s15  }
0xb5: {  	[dreg:$0x3] =	wrdreg s24  }
0xb6: {  	[dreg:$0x4] =	wrdreg s16  }
0xb7: {  	[dreg:$0x5] =	wrdreg $0x9  }
0xb8: {  	_ =	task.clear_ibuf [dreg:s8], $0x6FFFF;
	_ =	strace $0x90000046  }
0xb9: {  	s29 =	simm.s32 $0x9;
	_ =	strace $0x80000048  }
0xba: {  	_ =	swait.ge [sflag:s29], $0x1  }
0xbb: {  	[sflag:s29] =	ssyncadd.s32 $0xFFFFFFFF  }
0xbc: {  	_ =	strace $0x90000048  }
0xbd: {  	_ =	sfence  }
0xbe: {  	s30 =	sld [smem:$0x0];
	_ =	sdelay $0x2  }
0xbf: {  	s31 =	sshll.u32 s1, $0xD;
	s1 =	sshrl.u32 s1, $0x2  }
0xc0: {  	s3 =	sand.u32 $0x4000, s31;
	s1 =	sadd.s32 s1, s30  }
0xc1: {  	s0 =	sor.u32 s3, s0;
	s1 =	sshll.u32 s1, $0x11  }
0xc2: {  	s0 =	sor.u32 s1, s0  }
0xc3: {  	s0 =	sadd.s32 $0x8F2B, s0  }
0xc4: {  	[sflag:s0] =	ssyncadd.remote.s32 $0x1  }
0xc5: {  	_ =	sfence.sel $0xFFFF  }
0xc6: {  	[dreg:$0x0] =	wrdreg $0xFFFFFFFF;
	(pc) =	sbr.abs _section_cstart, $3  }
0xc7: {  	[dreg:$0x1] =	wrdreg $0xFFFFFFFF  }
0xc8: {  	_ =	task.clear_ibuf [dreg:s8], $0x2FFFF;
	_ =	strace $0x9FFFFFFF  }
0xc9: {  	(tm) =	ssettm $0x7FFFFFFF  }
tec
execute0_lowered:
.L_overlay_start_1:
0x0: {  	(tag) =	ssettag $0x1  }
0x1: {  	s0 =	rddreg [dreg:$0x0]  }
0x2: {  	s1 =	rddreg [dreg:$0x1]  }
0x3: {  	s26 =	rddreg [dreg:$0x2]  }
0x4: {  	s4 =	simm.s32 $0x0;
	s2 =	srdreg.scid;
	s3 =	stileid.u32  }
0x5: {  	s13 =	simm.s32 $0x10200;
	s18 =	simm.s32 $0x4200;
	[smem:$0x7FF] =	sst s4  }
0x6: {  	s2 =	sand.u32 $0x1, s2;
	s3 =	sshll.u32 s3, $0x1;
	s22 =	sadd.s32 $0xF42E00, s1  }
0x7: {  	s1 =	sadd.s32 $0x800, s1;
	_ =	strace $0x80000047;
	s3 =	sor.u32 s2, s3  }
0x8: {  	[dreg:$0x4] =	wrdreg s22;
	s2 =	ssub.s32 $0x2, s2;
	s23 =	smul.u32 $0x32, s3  }
0x9: {  	s24 =	sshrl.u32 s2, $0x1;
	s5 =	smul.u32 $0x320, s3;
	s3 =	sshll.u32 s3, $0xB  }
0xa: {  	[dreg:$0x6] =	wrdreg s1;
	s1 =	ssub.s32 s2, s24;
	s3 =	sand.u32 $0x1800, s3  }
0xb: {  	s25 =	sshrl.u32 s23, $0x6;
	s28 =	sshll.u32 s23, $0x4;
	[dreg:$0x5] =	wrdreg s23  }
0xc: {  	v0 =	vlaneseq.u32;
	s6 =	sadd.s32 $0x300, s5;
	s30 =	sadd.s32 $0x2, s23;
	[dreg:$0x7] =	wrdreg s25  }
0xd: {  	v0 =	vmul.u32 $0x80, v0;
	s5 =	sand.u32 $0x380, s5;
	s31 =	smax.u32 s1, $0x1;
	[dreg:$0xb] =	wrdreg s30  }
0xe: {  	s2 =	sand.u32 $0x7C00, s28;
	s29 =	sor.u32 s5, s3;
	[dreg:$0xc] =	wrdreg s31  }
0xf: {  	v1 =	vor.u32 $0x800, v0;
	s6 =	sand.u32 $0xFC00, s6;
	s2 =	sadd.s32 s0, s2;
	[dreg:$0xa] =	wrdreg s29  }
0x10: {  	s20 =	simm.s32 $0x8200;
	v2 =	vor.u32 $0x1000, v0;
	v3 =	vor.u32 $0x1800, v0;
	v4 =	vor.u32 $0x2000, v0;
	s0 =	sadd.s32 s0, s6;
	[dreg:$0x8] =	wrdreg s2  }
0x11: {  	v5 =	vor.u32 $0x2800, v0;
	v6 =	vor.u32 $0x3000, v0;
	v7 =	vor.u32 $0x3800, v0;
	s24 =	simm.s32 $0x2000;
	[dreg:$0x9] =	wrdreg s0;
	s2 =	simm.s32 $0x0  }
.LBB2_1:
0x12: {  	[dreg:$0xd] =	wrdreg s2  }
0x13: {  	s0 =	simm.s32 $0x0;
	s1 =	rddreg [dreg:$0x6];
	s21 =	simm.s32 $0x5  }
0x14: {  	[tilespmem:s13], [sflag:$0x5] =	stream.linear.gather [hbm4b:s1+s0], $0x6400, $0x38;
	[tilespmem:$0x16600] =	vst v63  }
0x15: {  	_ =	swait.ge [sflag:s21], $0x6400  }
0x16: {  	[sflag:s21] =	ssyncset.done $0x0  }
0x17: {  	s22 =	rddreg [dreg:$0x8];
	[sflag:s21] =	ssyncadd.s32 $0xFFFF9C00  }
0x18: {  	[tilespmem:s0], [sflag:$0x5] =	stream.linear.gather [hbm4b:s22+s0], $0x2000, $0x38;
	[tilespmem:$0x16600] =	vst v63  }
0x19: {  	_ =	swait.ge [sflag:s21], $0x2000  }
0x1a: {  	[sflag:s21] =	ssyncset.done $0x0  }
0x1b: {  	s23 =	rddreg [dreg:$0x9];
	[sflag:s21] =	ssyncadd.s32 $0xFFFFE000  }
0x1c: {  	[tilespmem:s24], [sflag:$0x5] =	stream.linear.gather [hbm4b:s23+s0], $0x2000, $0x38;
	[tilespmem:$0x16600] =	vst v63  }
0x1d: {  	_ =	swait.ge [sflag:s21], $0x2000  }
0x1e: {  	[sflag:s21] =	ssyncset.done $0x0  }
0x1f: {  	s25 =	rddreg [dreg:$0xa];
	[sflag:s21] =	ssyncadd.s32 $0xFFFFE000  }
0x20: {  	v8 =	vld [tilespmem:s25+$0x0];
	_ =	sdelay $0x4  }
0x21: {  	v9 =	vshrl.u32 v8, $0x1;
	v8 =	vshll.u32 v8, $0x6  }
0x22: {  	[tilespmem:$0x4000] =	vst v9;
	v8 =	vand.u32 $0x40, v8  }
0x23: {  	[tilespmem:$0x4100] =	vst v8  }
0x24: {  	v8 =	vld [tilespmem:s25+$0x10];
	_ =	sdelay $0x4  }
0x25: {  	v57 =	vshrl.u32 v8, $0x1;
	v8 =	vshll.u32 v8, $0x6  }
0x26: {  	[tilespmem:$0x4010] =	vst v57;
	v8 =	vand.u32 $0x40, v8  }
0x27: {  	[tilespmem:$0x4110] =	vst v8  }
0x28: {  	v8 =	vld [tilespmem:s25+$0x20];
	_ =	sdelay $0x4  }
0x29: {  	v58 =	vshrl.u32 v8, $0x1;
	v8 =	vshll.u32 v8, $0x6  }
0x2a: {  	[tilespmem:$0x4020] =	vst v58;
	v8 =	vand.u32 $0x40, v8  }
0x2b: {  	[tilespmem:$0x4120] =	vst v8  }
0x2c: {  	v8 =	vld [tilespmem:s25+$0x30];
	_ =	sdelay $0x4  }
0x2d: {  	v59 =	vshrl.u32 v8, $0x1;
	v8 =	vshll.u32 v8, $0x6  }
0x2e: {  	[tilespmem:$0x4030] =	vst v59;
	v8 =	vand.u32 $0x40, v8  }
0x2f: {  	[tilespmem:$0x4130] =	vst v8  }
0x30: {  	v8 =	vld [tilespmem:s25+$0x40];
	_ =	sdelay $0x4  }
0x31: {  	v60 =	vshrl.u32 v8, $0x1;
	v8 =	vshll.u32 v8, $0x6  }
0x32: {  	[tilespmem:$0x4040] =	vst v60;
	v8 =	vand.u32 $0x40, v8  }
0x33: {  	[tilespmem:$0x4140] =	vst v8  }
0x34: {  	v8 =	vld [tilespmem:s25+$0x50];
	_ =	sdelay $0x4  }
0x35: {  	v61 =	vshrl.u32 v8, $0x1;
	v8 =	vshll.u32 v8, $0x6  }
0x36: {  	[tilespmem:$0x4050] =	vst v61;
	v8 =	vand.u32 $0x40, v8  }
0x37: {  	[tilespmem:$0x4150] =	vst v8  }
0x38: {  	v8 =	vld [tilespmem:s25+$0x60];
	_ =	sdelay $0x4  }
0x39: {  	v62 =	vshrl.u32 v8, $0x1;
	v8 =	vshll.u32 v8, $0x6  }
0x3a: {  	[tilespmem:$0x4060] =	vst v62;
	v8 =	vand.u32 $0x40, v8  }
0x3b: {  	[tilespmem:$0x4160] =	vst v8  }
0x3c: {  	v8 =	vld [tilespmem:s25+$0x70];
	_ =	sdelay $0x4  }
0x3d: {  	v63 =	vshrl.u32 v8, $0x1;
	v8 =	vshll.u32 v8, $0x6  }
0x3e: {  	s29 =	simm.s32 $0x80;
	[tilespmem:$0x4070] =	vst v63;
	v8 =	vand.u32 $0x40, v8  }
0x3f: {  	s31 =	simm.s32 $0x4000;
	s30 =	simm.s32 $0x0;
	s28 =	rddreg [dreg:$0x4];
	[tilespmem:$0x4170] =	vst v8  }
0x40: {  	[tilespmem:s18], [sflag:$0x1] =	stream.indirect.gather [hbm4b:s28+s29], $0x80, s31, s29, $0xb8;
	[tilespmem:$0x16600] =	vst v63  }
.LBB2_2:
0x41: {  	s1 =	sshll.u32 s30, $0x1;
	s0 =	rddreg [dreg:$0x5]  }
0x42: {  	s6 =	sadd.s32 s0, s1  }
0x43: {  	s0 =	sadd.s32 $0x1, s6  }
0x44: {  	s4 =	rddreg [dreg:$0x7];
	s2 =	sshrl.u32 s0, $0x6  }
0x45: {  	s3 =	sshll.u32 s0, $0x7;
	s2 =	ssub.s32 s2, s4  }
0x46: {  	s31 =	sand.u32 $0x380, s3;
	s2 =	sshll.u32 s2, $0xF  }
0x47: {  	s17 =	sshll.u32 s0, $0x4;
	s5 =	sshll.u32 s31, $0x3;
	s2 =	sshra.s32 s2, $0x2  }
0x48: {  	s3 =	sand.u32 $0x380, s17;
	s2 =	sor.u32 s5, s2  }
0x49: {  	s2 =	sor.u32 s3, s2  }
0x4a: {  	v8 =	vld [tilespmem:s2+$0x0];
	_ =	sdelay $0x4  }
0x4b: {  	v9 =	vshrl.u32 v8, $0x1;
	v8 =	vshll.u32 v8, $0x6  }
0x4c: {  	[tilespmem:$0x4080] =	vst v9;
	v8 =	vand.u32 $0x40, v8  }
0x4d: {  	[tilespmem:$0x4180] =	vst v8  }
0x4e: {  	v8 =	vld [tilespmem:s2+$0x10];
	_ =	sdelay $0x4  }
0x4f: {  	v9 =	vshrl.u32 v8, $0x1;
	v8 =	vshll.u32 v8, $0x6  }
0x50: {  	[tilespmem:$0x4090] =	vst v9;
	v8 =	vand.u32 $0x40, v8  }
0x51: {  	[tilespmem:$0x4190] =	vst v8  }
0x52: {  	v8 =	vld [tilespmem:s2+$0x20];
	_ =	sdelay $0x4  }
0x53: {  	v9 =	vshrl.u32 v8, $0x1;
	v8 =	vshll.u32 v8, $0x6  }
0x54: {  	[tilespmem:$0x40A0] =	vst v9;
	v8 =	vand.u32 $0x40, v8  }
0x55: {  	[tilespmem:$0x41A0] =	vst v8  }
0x56: {  	v8 =	vld [tilespmem:s2+$0x30];
	_ =	sdelay $0x4  }
0x57: {  	v9 =	vshrl.u32 v8, $0x1;
	v8 =	vshll.u32 v8, $0x6  }
0x58: {  	[tilespmem:$0x40B0] =	vst v9;
	v8 =	vand.u32 $0x40, v8  }
0x59: {  	[tilespmem:$0x41B0] =	vst v8  }
0x5a: {  	v8 =	vld [tilespmem:s2+$0x40];
	_ =	sdelay $0x4  }
0x5b: {  	v9 =	vshrl.u32 v8, $0x1;
	v8 =	vshll.u32 v8, $0x6  }
0x5c: {  	[tilespmem:$0x40C0] =	vst v9;
	v8 =	vand.u32 $0x40, v8  }
0x5d: {  	[tilespmem:$0x41C0] =	vst v8  }
0x5e: {  	v8 =	vld [tilespmem:s2+$0x50];
	_ =	sdelay $0x4  }
0x5f: {  	v9 =	vshrl.u32 v8, $0x1;
	v8 =	vshll.u32 v8, $0x6  }
0x60: {  	[tilespmem:$0x40D0] =	vst v9;
	v8 =	vand.u32 $0x40, v8  }
0x61: {  	[tilespmem:$0x41D0] =	vst v8  }
0x62: {  	v8 =	vld [tilespmem:s2+$0x60];
	_ =	sdelay $0x4  }
0x63: {  	v9 =	vshrl.u32 v8, $0x1;
	v8 =	vshll.u32 v8, $0x6  }
0x64: {  	[tilespmem:$0x40E0] =	vst v9;
	v8 =	vand.u32 $0x40, v8  }
0x65: {  	[tilespmem:$0x41E0] =	vst v8  }
0x66: {  	v8 =	vld [tilespmem:s2+$0x70];
	_ =	sdelay $0x4  }
0x67: {  	v9 =	vshrl.u32 v8, $0x1;
	v8 =	vshll.u32 v8, $0x6  }
0x68: {  	s19 =	rddreg [dreg:$0x4];
	[tilespmem:$0x40F0] =	vst v9;
	v8 =	vand.u32 $0x40, v8  }
0x69: {  	s21 =	simm.s32 $0x80;
	s22 =	simm.s32 $0x4080;
	s23 =	simm.s32 $0x1;
	[tilespmem:$0x41F0] =	vst v8  }
0x6a: {  	[tilespmem:s20], [sflag:$0x2] =	stream.indirect.gather [hbm4b:s19+s21], $0x80, s22, s21, $0xb8;
	[tilespmem:$0x16600] =	vst v63  }
0x6b: {  	_ =	swait.ge [sflag:s23], $0x4000  }
0x6c: {  	p0 =	seq.s32 s30, $0x0;
	[sflag:s23] =	ssyncset.done $0x0  }
0x6d: {  	s2 =	simm.s32 @!p0 $0x3;
	[sflag:s23] =	ssyncadd.s32 $0xFFFFC000  }
0x6e: {  	_ =	swait.ge @!p0 [sflag:s2], $0x2000  }
0x6f: {  	[sflag:s2] =	ssyncset.done @!p0 $0x0  }
0x70: {  	[sflag:s2] =	ssyncadd.s32 @!p0 $0xFFFFE000  }
0x71: {  	v8 =	vld [tilespmem:$0x4100];
	_ =	sdelay $0x1  }
0x72: {  	s8 =	sshrl.u32 s6, $0x3  }
0x73: {  	s15 =	sshll.u32 s8, $0x7  }
0x74: {  	s7 =	simm.s32 $0x0;
	s25 =	sadd.s32 $0x0, s15  }
0x75: {  	v9 =	vmov s25;
	v8 =	vadd.s32 s7, v8  }
0x76: {  	v10 =	vadd.s32 v0, v8;
	_ =	sdelay $0x3  }
0x77: {  	v8 =	vld.idx.msk [tilespmem:v9+s13+$0x0], $0xffff  }
0x78: {  	v9 =	vld.idx.msk [tilespmem:v10+s18+$0x0], $0xffff;
	_ =	sdelay $0x1  }
0x79: {  	v10 =	vld [tilespmem:$0x4100];
	_ =	sdelay $0x2  }
0x7a: {  	v9 =	vadd.f32 v9, v8  }
0x7b: {  	s9 =	simm.s32 $0xC240;
	s28 =	simm.s32 $0x1  }
0x7c: {  	v10 =	vadd.s32 s28, v10;
	[tilespmem:s9+$0xFFFFFFC0] =	vst v9  }
0x7d: {  	s24 =	smov.u32 s26;
	s26 =	sadd.s32 $0x1, s15;
	v10 =	vadd.s32 v0, v10;
	v9 =	vld [tilespmem:$0x4110]  }
0x7e: {  	v11 =	vmov s26;
	_ =	sdelay $0x3  }
0x7f: {  	v10 =	vld.idx.msk [tilespmem:v10+s18+$0x0], $0xffff;
	v9 =	vadd.s32 s7, v9  }
0x80: {  	v12 =	vadd.s32 v1, v9;
	v9 =	vld.idx.msk [tilespmem:v11+s13+$0x0], $0xffff;
	_ =	sdelay $0x4  }
0x81: {  	v11 =	vld.idx.msk [tilespmem:v12+s18+$0x0], $0xffff;
	v10 =	vadd.f32 v10, v9  }
0x82: {  	s12 =	simm.s32 $0xC2C0  }
0x83: {  	v12 =	vld [tilespmem:$0x4100];
	[tilespmem:s12+$0xFFFFFFC0] =	vst v10  }
0x84: {  	v10 =	vld [tilespmem:$0x4110];
	_ =	sdelay $0x1  }
0x85: {  	v11 =	vadd.f32 v11, v8  }
0x86: {  	s14 =	simm.s32 $0x2;
	s3 =	sadd.s32 $0x2, s15  }
0x87: {  	v13 =	vmov s3;
	v12 =	vadd.s32 s14, v12;
	[tilespmem:s9+$0xFFFFFFD0] =	vst v11  }
0x88: {  	v11 =	vadd.s32 v0, v12;
	v12 =	vld [tilespmem:$0x4120];
	v10 =	vadd.s32 s28, v10  }
0x89: {  	v14 =	vadd.s32 v1, v10;
	_ =	sdelay $0x2  }
0x8a: {  	v10 =	vld.idx.msk [tilespmem:v13+s13+$0x0], $0xffff  }
0x8b: {  	v11 =	vld.idx.msk [tilespmem:v11+s18+$0x0], $0xffff;
	v12 =	vadd.s32 s7, v12  }
0x8c: {  	v12 =	vadd.s32 v2, v12;
	v13 =	vld.idx.msk [tilespmem:v14+s18+$0x0], $0xffff  }
0x8d: {  	v14 =	vld [tilespmem:$0x4100];
	_ =	sdelay $0x2  }
0x8e: {  	v11 =	vadd.f32 v11, v10  }
0x8f: {  	s10 =	simm.s32 $0x3;
	s4 =	sadd.s32 $0x3, s15;
	s3 =	simm.s32 $0xC340;
	v12 =	vld.idx.msk [tilespmem:v12+s18+$0x0], $0xffff  }
0x90: {  	[tilespmem:s3+$0xFFFFFFC0] =	vst v11;
	v11 =	vmov s4;
	v14 =	vadd.s32 s10, v14  }
0x91: {  	v13 =	vadd.f32 v13, v9;
	v15 =	vld [tilespmem:$0x4110];
	v14 =	vadd.s32 v0, v14;
	_ =	sdelay $0x1  }
0x92: {  	[tilespmem:s12+$0xFFFFFFD0] =	vst v13  }
0x93: {  	v13 =	vld [tilespmem:$0x4120];
	v12 =	vadd.f32 v12, v8  }
0x94: {  	v11 =	vld.idx.msk [tilespmem:v11+s13+$0x0], $0xffff  }
0x95: {  	v15 =	vadd.s32 s14, v15;
	v14 =	vld.idx.msk [tilespmem:v14+s18+$0x0], $0xffff;
	[tilespmem:s9+$0xFFFFFFE0] =	vst v12  }
0x96: {  	v12 =	vadd.s32 v1, v15;
	v15 =	vld [tilespmem:$0x4130];
	_ =	sdelay $0x1  }
0x97: {  	v13 =	vadd.s32 s28, v13  }
0x98: {  	v13 =	vadd.s32 v2, v13  }
0x99: {  	v16 =	vld [tilespmem:$0x4100];
	v14 =	vadd.f32 v14, v11  }
0x9a: {  	s29 =	simm.s32 $0xC3C0;
	v12 =	vld.idx.msk [tilespmem:v12+s18+$0x0], $0xffff;
	v15 =	vadd.s32 s7, v15  }
0x9b: {  	[tilespmem:s29+$0xFFFFFFC0] =	vst v14;
	v15 =	vadd.s32 v3, v15  }
0x9c: {  	v14 =	vld [tilespmem:$0x4110]  }
0x9d: {  	s11 =	simm.s32 $0x4;
	v13 =	vld.idx.msk [tilespmem:v13+s18+$0x0], $0xffff  }
0x9e: {  	v16 =	vadd.s32 s11, v16  }
0x9f: {  	v16 =	vadd.s32 v0, v16;
	v12 =	vadd.f32 v12, v10  }
0xa0: {  	s5 =	sadd.s32 $0x4, s15;
	v15 =	vld.idx.msk [tilespmem:v15+s18+$0x0], $0xffff  }
0xa1: {  	v17 =	vmov s5;
	[tilespmem:s3+$0xFFFFFFD0] =	vst v12;
	v14 =	vadd.s32 s10, v14  }
0xa2: {  	v13 =	vadd.f32 v13, v9;
	v18 =	vld [tilespmem:$0x4120];
	v14 =	vadd.s32 v1, v14;
	_ =	sdelay $0x1  }
0xa3: {  	v16 =	vld.idx.msk [tilespmem:v16+s18+$0x0], $0xffff;
	[tilespmem:s12+$0xFFFFFFE0] =	vst v13  }
0xa4: {  	v13 =	vld [tilespmem:$0x4130];
	v15 =	vadd.f32 v15, v8  }
0xa5: {  	v12 =	vld.idx.msk [tilespmem:v17+s13+$0x0], $0xffff  }
0xa6: {  	v17 =	vadd.s32 s14, v18;
	v14 =	vld.idx.msk [tilespmem:v14+s18+$0x0], $0xffff;
	[tilespmem:s9+$0xFFFFFFF0] =	vst v15  }
0xa7: {  	v15 =	vadd.s32 v2, v17;
	v17 =	vld [tilespmem:$0x4140]  }
0xa8: {  	v18 =	vld [tilespmem:$0x4100]  }
0xa9: {  	v13 =	vadd.s32 s28, v13  }
0xaa: {  	v16 =	vadd.f32 v16, v12;
	v13 =	vadd.s32 v3, v13  }
0xab: {  	s17 =	simm.s32 $0xC440;
	s16 =	sadd.s32 $0x5, s15  }
0xac: {  	v19 =	vmov s16;
	s19 =	simm.s32 $0x5;
	[tilespmem:s17+$0xFFFFFFC0] =	vst v16;
	v15 =	vld.idx.msk [tilespmem:v15+s18+$0x0], $0xffff;
	v16 =	vadd.s32 s7, v17  }
0xad: {  	v14 =	vadd.f32 v14, v11;
	v18 =	vadd.s32 s19, v18;
	v17 =	vld [tilespmem:$0x4110];
	v16 =	vadd.s32 v4, v16  }
0xae: {  	v18 =	vadd.s32 v0, v18  }
0xaf: {  	[tilespmem:s29+$0xFFFFFFD0] =	vst v14;
	v14 =	vld.idx.msk [tilespmem:v13+s18+$0x0], $0xffff  }
0xb0: {  	v20 =	vld [tilespmem:$0x4120]  }
0xb1: {  	v13 =	vld.idx.msk [tilespmem:v19+s13+$0x0], $0xffff;
	v15 =	vadd.f32 v15, v10  }
0xb2: {  	v17 =	vadd.s32 s11, v17;
	v16 =	vld.idx.msk [tilespmem:v16+s18+$0x0], $0xffff  }
0xb3: {  	v18 =	vld.idx.msk [tilespmem:v18+s18+$0x0], $0xffff;
	v17 =	vadd.s32 v1, v17;
	[tilespmem:s3+$0xFFFFFFE0] =	vst v15  }
0xb4: {  	v14 =	vadd.f32 v14, v9;
	v15 =	vld [tilespmem:$0x4130]  }
0xb5: {  	v19 =	vadd.s32 s10, v20;
	v20 =	vld [tilespmem:$0x4100]  }
0xb6: {  	[tilespmem:s12+$0xFFFFFFF0] =	vst v14;
	v14 =	vadd.s32 v2, v19  }
0xb7: {  	v19 =	vld [tilespmem:$0x4140];
	v16 =	vadd.f32 v16, v8  }
0xb8: {  	s21 =	sadd.s32 $0x6, s15;
	v17 =	vld.idx.msk [tilespmem:v17+s18+$0x0], $0xffff  }
0xb9: {  	s26 =	simm.s32 $0x6;
	v21 =	vmov s21;
	v15 =	vadd.s32 s14, v15;
	[tilespmem:s9+$0x0] =	vst v16  }
0xba: {  	v20 =	vadd.s32 s26, v20;
	v16 =	vadd.f32 v18, v13;
	v15 =	vadd.s32 v3, v15;
	v18 =	vld [tilespmem:$0x4150]  }
0xbb: {  	s23 =	simm.s32 $0xC4C0;
	v20 =	vadd.s32 v0, v20;
	v22 =	vld.idx.msk [tilespmem:v14+s18+$0x0], $0xffff  }
0xbc: {  	v14 =	vadd.s32 s28, v19;
	[tilespmem:s23+$0xFFFFFFC0] =	vst v16  }
0xbd: {  	v19 =	vadd.s32 v4, v14;
	v16 =	vld [tilespmem:$0x4110];
	v17 =	vadd.f32 v17, v12  }
0xbe: {  	v14 =	vld.idx.msk [tilespmem:v21+s13+$0x0], $0xffff  }
0xbf: {  	[tilespmem:s17+$0xFFFFFFD0] =	vst v17;
	v15 =	vld.idx.msk [tilespmem:v15+s18+$0x0], $0xffff;
	v17 =	vadd.s32 s7, v18  }
0xc0: {  	v20 =	vld.idx.msk [tilespmem:v20+s18+$0x0], $0xffff;
	v21 =	vadd.f32 v22, v11;
	v17 =	vadd.s32 v5, v17  }
0xc1: {  	v18 =	vld [tilespmem:$0x4120]  }
0xc2: {  	v19 =	vld.idx.msk [tilespmem:v19+s18+$0x0], $0xffff;
	[tilespmem:s29+$0xFFFFFFE0] =	vst v21;
	v16 =	vadd.s32 s19, v16  }
0xc3: {  	s22 =	sadd.s32 $0x7, s15;
	v21 =	vld [tilespmem:$0x4130];
	v16 =	vadd.s32 v1, v16  }
0xc4: {  	v23 =	vld [tilespmem:$0x4100];
	v22 =	vmov s22;
	v15 =	vadd.f32 v15, v10  }
0xc5: {  	v17 =	vld.idx.msk [tilespmem:v17+s18+$0x0], $0xffff  }
0xc6: {  	v18 =	vadd.s32 s11, v18;
	[tilespmem:s3+$0xFFFFFFF0] =	vst v15  }
0xc7: {  	v18 =	vadd.s32 v2, v18;
	v19 =	vadd.f32 v19, v9;
	v24 =	vld [tilespmem:$0x4140]  }
0xc8: {  	s2 =	simm.s32 $0x7;
	v20 =	vadd.f32 v20, v14;
	v21 =	vadd.s32 s10, v21;
	v16 =	vld.idx.msk [tilespmem:v16+s18+$0x0], $0xffff  }
0xc9: {  	s16 =	simm.s32 $0xC540;
	v15 =	vld.idx.msk [tilespmem:v22+s13+$0x0], $0xffff;
	v22 =	vadd.s32 s2, v23;
	[tilespmem:s12+$0x0] =	vst v19;
	v19 =	vadd.s32 v3, v21  }
0xca: {  	[tilespmem:s16+$0xFFFFFFC0] =	vst v20;
	v21 =	vadd.s32 v0, v22;
	v22 =	vld [tilespmem:$0x4150];
	v17 =	vadd.f32 v17, v8  }
0xcb: {  	v20 =	vld [tilespmem:$0x4110]  }
0xcc: {  	v18 =	vld.idx.msk [tilespmem:v18+s18+$0x0], $0xffff;
	v23 =	vadd.s32 s14, v24;
	[tilespmem:s9+$0x10] =	vst v17  }
0xcd: {  	s25 =	sadd.s32 $0x8, s15;
	v16 =	vadd.f32 v16, v13;
	v17 =	vadd.s32 v4, v23;
	v23 =	vld [tilespmem:$0x4160]  }
0xce: {  	v24 =	vmov s25;
	v19 =	vld.idx.msk [tilespmem:v19+s18+$0x0], $0xffff  }
0xcf: {  	v21 =	vld.idx.msk [tilespmem:v21+s18+$0x0], $0xffff;
	[tilespmem:s23+$0xFFFFFFD0] =	vst v16;
	v16 =	vadd.s32 s28, v22  }
0xd0: {  	v22 =	vld [tilespmem:$0x4120];
	v25 =	vadd.s32 v5, v16  }
0xd1: {  	v16 =	vadd.f32 v18, v12;
	v18 =	vadd.s32 s26, v20;
	v20 =	vld [tilespmem:$0x4100]  }
0xd2: {  	v18 =	vadd.s32 v1, v18;
	v17 =	vld.idx.msk [tilespmem:v17+s18+$0x0], $0xffff;
	v23 =	vadd.s32 s7, v23  }
0xd3: {  	[tilespmem:s17+$0xFFFFFFE0] =	vst v16;
	v19 =	vadd.f32 v19, v11;
	v16 =	vld.idx.msk [tilespmem:v24+s13+$0x0], $0xffff;
	v23 =	vadd.s32 v6, v23  }
0xd4: {  	v26 =	vld [tilespmem:$0x4130]  }
0xd5: {  	[tilespmem:s29+$0xFFFFFFF0] =	vst v19;
	v24 =	vld.idx.msk [tilespmem:v25+s18+$0x0], $0xffff;
	v22 =	vadd.s32 s19, v22  }
0xd6: {  	v19 =	vadd.f32 v21, v15;
	v21 =	vadd.s32 v2, v22;
	v22 =	vld [tilespmem:$0x4140]  }
0xd7: {  	s5 =	simm.s32 $0xC5C0;
	s22 =	simm.s32 $0x8;
	v18 =	vld.idx.msk [tilespmem:v18+s18+$0x0], $0xffff;
	v17 =	vadd.f32 v17, v10  }
0xd8: {  	v20 =	vadd.s32 s22, v20;
	[tilespmem:s5+$0xFFFFFFC0] =	vst v19;
	v19 =	vld.idx.msk [tilespmem:v23+s18+$0x0], $0xffff  }
0xd9: {  	v28 =	vld [tilespmem:$0x4100];
	v20 =	vadd.s32 v0, v20;
	v23 =	vadd.s32 s11, v26;
	[tilespmem:s3+$0x0] =	vst v17  }
0xda: {  	v17 =	vadd.s32 v3, v23;
	v23 =	vld [tilespmem:$0x4150];
	v24 =	vadd.f32 v24, v9  }
0xdb: {  	v25 =	vld [tilespmem:$0x4110]  }
0xdc: {  	v21 =	vld.idx.msk [tilespmem:v21+s18+$0x0], $0xffff;
	v22 =	vadd.s32 s10, v22;
	v18 =	vadd.f32 v18, v14;
	[tilespmem:s12+$0x10] =	vst v24  }
0xdd: {  	s21 =	sadd.s32 $0x9, s15;
	v22 =	vadd.s32 v4, v22;
	v24 =	vld [tilespmem:$0x4160];
	v19 =	vadd.f32 v19, v8  }
0xde: {  	v26 =	vmov s21;
	v20 =	vld.idx.msk [tilespmem:v20+s18+$0x0], $0xffff;
	[tilespmem:s16+$0xFFFFFFD0] =	vst v18  }
0xdf: {  	v18 =	vld.idx.msk [tilespmem:v17+s18+$0x0], $0xffff;
	v17 =	vadd.s32 s14, v23;
	[tilespmem:s9+$0x20] =	vst v19  }
0xe0: {  	v19 =	vadd.s32 s2, v25;
	v23 =	vadd.s32 v5, v17;
	v25 =	vld [tilespmem:$0x4170]  }
0xe1: {  	v27 =	vld [tilespmem:$0x4120];
	v21 =	vadd.f32 v21, v13;
	v19 =	vadd.s32 v1, v19  }
0xe2: {  	v22 =	vld.idx.msk [tilespmem:v22+s18+$0x0], $0xffff;
	v24 =	vadd.s32 s28, v24  }
0xe3: {  	v17 =	vld.idx.msk [tilespmem:v26+s13+$0x0], $0xffff;
	[tilespmem:s23+$0xFFFFFFE0] =	vst v21;
	v21 =	vadd.s32 v6, v24  }
0xe4: {  	v24 =	vld [tilespmem:$0x4130];
	v18 =	vadd.f32 v18, v12  }
0xe5: {  	v23 =	vld.idx.msk [tilespmem:v23+s18+$0x0], $0xffff;
	v25 =	vadd.s32 s7, v25  }
0xe6: {  	v20 =	vadd.f32 v20, v16;
	s7 =	simm.s32 $0x9;
	v26 =	vld.idx.msk [tilespmem:v19+s18+$0x0], $0xffff;
	v19 =	vadd.s32 s26, v27;
	[tilespmem:s17+$0xFFFFFFF0] =	vst v18;
	v18 =	vadd.s32 v7, v25  }
0xe7: {  	s25 =	simm.s32 $0xC640;
	v22 =	vadd.f32 v22, v11;
	v25 =	vadd.s32 s7, v28;
	v27 =	vadd.s32 v2, v19;
	v63 =	vld [tilespmem:$0x4140]  }
0xe8: {  	[tilespmem:s25+$0xFFFFFFC0] =	vst v20;
	v29 =	vadd.s32 v0, v25;
	v19 =	vld.idx.msk [tilespmem:v21+s18+$0x0], $0xffff  }
0xe9: {  	v25 =	vld [tilespmem:$0x4110];
	[tilespmem:s29+$0x0] =	vst v22;
	v21 =	vadd.s32 s19, v24  }
0xea: {  	v20 =	vld [tilespmem:$0x4150];
	v22 =	vadd.s32 v3, v21  }
0xeb: {  	v30 =	vadd.f32 v23, v10;
	v18 =	vld.idx.msk [tilespmem:v18+s18+$0x0], $0xffff  }
0xec: {  	v24 =	vld.idx.msk [tilespmem:v27+s18+$0x0], $0xffff;
	v21 =	vadd.s32 s11, v63  }
0xed: {  	s0 =	sshrl.u32 s0, $0x3;
	s21 =	simm.s32 $0xA;
	v26 =	vadd.f32 v26, v15;
	[tilespmem:s3+$0x10] =	vst v30;
	v23 =	vld.idx.msk [tilespmem:v29+s18+$0x0], $0xffff;
	v21 =	vadd.s32 v4, v21  }
.LBB2_3:
0xee: {  	s4 =	sadd.s32 s15, s21;
	p1 =	sne.s32 s21, $0x3F;
	v27 =	vld [tilespmem:$0x4160];
	v19 =	vadd.f32 v19, v9  }
0xef: {  	v28 =	vmov s4;
	[tilespmem:s5+$0xFFFFFFD0] =	vst v26;
	v22 =	vld.idx.msk [tilespmem:v22+s18+$0x0], $0xffff  }
0xf0: {  	v20 =	vadd.s32 s10, v20;
	v26 =	vld [tilespmem:$0x4120];
	[tilespmem:s12+$0x20] =	vst v19  }
0xf1: {  	v19 =	vadd.s32 s22, v25;
	v20 =	vadd.s32 v5, v20;
	v18 =	vadd.f32 v18, v8;
	v8 =	vmovc v9;
	v9 =	vmovc v10;
	v25 =	vld [tilespmem:$0x4170]  }
0xf2: {  	v10 =	vmovc v11;
	v11 =	vmov v12;
	v19 =	vadd.s32 v1, v19;
	v24 =	vadd.f32 v24, v14;
	v21 =	vld.idx.msk [tilespmem:v21+s18+$0x0], $0xffff  }
0xf3: {  	v12 =	vmovc v13;
	v13 =	vmovc v14;
	v14 =	vmov v15;
	v15 =	vmov v16;
	v29 =	vld [tilespmem:$0x4100];
	v27 =	vadd.s32 s14, v27;
	[tilespmem:s9+$0x30] =	vst v18;
	s9 =	smov.u32 s12;
	s12 =	smov.u32 s3;
	s3 =	smov.u32 s29  }
0xf4: {  	v16 =	vmov v17;
	s29 =	smov.u32 s17;
	s17 =	smov.u32 s23;
	s23 =	smov.u32 s16;
	[tilespmem:s16+$0xFFFFFFE0] =	vst v24;
	v18 =	vadd.s32 v6, v27;
	v17 =	vld.idx.msk [tilespmem:v28+s13+$0x0], $0xffff  }
0xf5: {  	v22 =	vadd.f32 v22, v12;
	s16 =	smov.u32 s5;
	s5 =	smov.u32 s25;
	v24 =	vld [tilespmem:$0x4130]  }
0xf6: {  	v27 =	vld.idx.msk [tilespmem:v20+s18+$0x0], $0xffff;
	v20 =	vadd.s32 s28, v25;
	s28 =	smov.u32 s14;
	s14 =	smov.u32 s10;
	s10 =	smov.u32 s11  }
0xf7: {  	v23 =	vadd.f32 v23, v16;
	s11 =	smov.u32 s19;
	s19 =	smov.u32 s26;
	s26 =	smov.u32 s2;
	v28 =	vld.idx.msk [tilespmem:v19+s18+$0x0], $0xffff;
	v19 =	vadd.s32 s2, v26;
	[tilespmem:s17+$0xFFFFFFF0] =	vst v22;
	v26 =	vadd.s32 v7, v20  }
0xf8: {  	s25 =	sadd.s32 $0x80, s25;
	v21 =	vadd.f32 v21, v11;
	s2 =	smov.u32 s22;
	s22 =	smov.u32 s7;
	v20 =	vadd.s32 s21, v29;
	v29 =	vadd.s32 v2, v19;
	v30 =	vld [tilespmem:$0x4140]  }
0xf9: {  	s7 =	smov.u32 s21;
	v31 =	vadd.s32 v0, v20;
	[tilespmem:s25+$0xFFFFFFC0] =	vst v23;
	v19 =	vld.idx.msk [tilespmem:v18+s18+$0x0], $0xffff  }
.Ltmp0:
0xfa: {  	v25 =	vld [tilespmem:$0x4110];
	v18 =	vadd.s32 s19, v24;
	[tilespmem:s29+$0x0] =	vst v21;
	(pc) =	sbr.rel @p1 .LBB2_3-.Ltmp0, $4  }
0xfb: {  	v22 =	vadd.s32 v3, v18;
	v20 =	vld [tilespmem:$0x4150]  }
0xfc: {  	v27 =	vadd.f32 v27, v10;
	v18 =	vld.idx.msk [tilespmem:v26+s18+$0x0], $0xffff  }
0xfd: {  	v24 =	vld.idx.msk [tilespmem:v29+s18+$0x0], $0xffff;
	v21 =	vadd.s32 s11, v30  }
0xfe: {  	s21 =	sadd.s32 $0x1, s21;
	v26 =	vadd.f32 v28, v15;
	v23 =	vld.idx.msk [tilespmem:v31+s18+$0x0], $0xffff;
	v21 =	vadd.s32 v4, v21;
	[tilespmem:s3+$0x10] =	vst v27  }
0xff: {  	_ =	sdelay $0x3  }
0x100: {  	v23 =	vadd.f32 v23, v17  }
0x101: {  	s15 =	sadd.s32 $0x80, s25  }
0x102: {  	[tilespmem:s15+$0xFFFFFFC0] =	vst v23  }
0x103: {  	v23 =	vld [tilespmem:$0x4110];
	_ =	sdelay $0x3  }
0x104: {  	v25 =	vadd.s32 s22, v25  }
0x105: {  	v25 =	vadd.s32 v1, v25;
	v23 =	vadd.s32 s7, v23  }
0x106: {  	v23 =	vadd.s32 v1, v23;
	_ =	sdelay $0x3  }
0x107: {  	v25 =	vld.idx.msk [tilespmem:v25+s18+$0x0], $0xffff  }
0x108: {  	v23 =	vld.idx.msk [tilespmem:v23+s18+$0x0], $0xffff;
	_ =	sdelay $0x3  }
0x109: {  	v25 =	vadd.f32 v25, v16  }
0x10a: {  	[tilespmem:s5+$0xFFFFFFD0] =	vst v26;
	v23 =	vadd.f32 v23, v17  }
0x10b: {  	v26 =	vld [tilespmem:$0x4120];
	[tilespmem:s25+$0xFFFFFFD0] =	vst v25  }
0x10c: {  	v25 =	vld [tilespmem:$0x4120];
	[tilespmem:s15+$0xFFFFFFD0] =	vst v23  }
0x10d: {  	v23 =	vld [tilespmem:$0x4120];
	_ =	sdelay $0x2  }
0x10e: {  	v26 =	vadd.s32 s2, v26  }
0x10f: {  	v26 =	vadd.s32 v2, v26;
	v25 =	vadd.s32 s22, v25  }
0x110: {  	v25 =	vadd.s32 v2, v25;
	v23 =	vadd.s32 s7, v23  }
0x111: {  	v23 =	vadd.s32 v2, v23;
	_ =	sdelay $0x2  }
0x112: {  	v26 =	vld.idx.msk [tilespmem:v26+s18+$0x0], $0xffff  }
0x113: {  	v25 =	vld.idx.msk [tilespmem:v25+s18+$0x0], $0xffff  }
0x114: {  	v23 =	vld.idx.msk [tilespmem:v23+s18+$0x0], $0xffff;
	_ =	sdelay $0x1  }
0x115: {  	v24 =	vadd.f32 v24, v14  }
0x116: {  	v26 =	vadd.f32 v26, v15  }
0x117: {  	[tilespmem:s16+$0xFFFFFFE0] =	vst v24;
	v43 =	vadd.f32 v25, v16  }
0x118: {  	v44 =	vld [tilespmem:$0x4130];
	[tilespmem:s5+$0xFFFFFFE0] =	vst v26;
	v23 =	vadd.f32 v23, v17  }
0x119: {  	v26 =	vld [tilespmem:$0x4130];
	[tilespmem:s25+$0xFFFFFFE0] =	vst v43  }
0x11a: {  	v24 =	vld [tilespmem:$0x4130];
	[tilespmem:s15+$0xFFFFFFE0] =	vst v23  }
0x11b: {  	v23 =	vld [tilespmem:$0x4130];
	_ =	sdelay $0x1  }
0x11c: {  	v25 =	vadd.s32 s26, v44  }
0x11d: {  	v26 =	vadd.s32 s2, v26;
	v25 =	vadd.s32 v3, v25  }
0x11e: {  	v26 =	vadd.s32 v3, v26;
	v24 =	vadd.s32 s22, v24  }
0x11f: {  	v24 =	vadd.s32 v3, v24;
	v23 =	vadd.s32 s7, v23  }
0x120: {  	v23 =	vadd.s32 v3, v23  }
0x121: {  	v22 =	vld.idx.msk [tilespmem:v22+s18+$0x0], $0xffff  }
0x122: {  	v25 =	vld.idx.msk [tilespmem:v25+s18+$0x0], $0xffff  }
0x123: {  	v26 =	vld.idx.msk [tilespmem:v26+s18+$0x0], $0xffff  }
0x124: {  	v24 =	vld.idx.msk [tilespmem:v24+s18+$0x0], $0xffff  }
0x125: {  	v23 =	vld.idx.msk [tilespmem:v23+s18+$0x0], $0xffff  }
0x126: {  	v22 =	vadd.f32 v22, v13  }
0x127: {  	v25 =	vadd.f32 v25, v14  }
0x128: {  	[tilespmem:s23+$0xFFFFFFF0] =	vst v22;
	v45 =	vadd.f32 v26, v15  }
0x129: {  	v46 =	vld [tilespmem:$0x4140];
	[tilespmem:s16+$0xFFFFFFF0] =	vst v25;
	v24 =	vadd.f32 v24, v16  }
0x12a: {  	[tilespmem:s5+$0xFFFFFFF0] =	vst v45;
	v25 =	vld [tilespmem:$0x4140];
	v47 =	vadd.f32 v23, v17  }
0x12b: {  	v48 =	vld [tilespmem:$0x4140];
	[tilespmem:s25+$0xFFFFFFF0] =	vst v24  }
0x12c: {  	v24 =	vld [tilespmem:$0x4140];
	[tilespmem:s15+$0xFFFFFFF0] =	vst v47  }
0x12d: {  	v22 =	vld [tilespmem:$0x4140]  }
0x12e: {  	v26 =	vadd.s32 s19, v46  }
0x12f: {  	v26 =	vadd.s32 v4, v26;
	v25 =	vadd.s32 s26, v25  }
0x130: {  	v25 =	vadd.s32 v4, v25;
	v23 =	vadd.s32 s2, v48  }
0x131: {  	v24 =	vadd.s32 s22, v24;
	v23 =	vadd.s32 v4, v23  }
0x132: {  	v24 =	vadd.s32 v4, v24;
	v22 =	vadd.s32 s7, v22  }
0x133: {  	v21 =	vld.idx.msk [tilespmem:v21+s18+$0x0], $0xffff;
	v22 =	vadd.s32 v4, v22  }
0x134: {  	v26 =	vld.idx.msk [tilespmem:v26+s18+$0x0], $0xffff  }
0x135: {  	v25 =	vld.idx.msk [tilespmem:v25+s18+$0x0], $0xffff  }
0x136: {  	v23 =	vld.idx.msk [tilespmem:v23+s18+$0x0], $0xffff  }
0x137: {  	v24 =	vld.idx.msk [tilespmem:v24+s18+$0x0], $0xffff  }
0x138: {  	v21 =	vadd.f32 v21, v12;
	v22 =	vld.idx.msk [tilespmem:v22+s18+$0x0], $0xffff  }
0x139: {  	v26 =	vadd.f32 v26, v13  }
0x13a: {  	[tilespmem:s17+$0x0] =	vst v21;
	v49 =	vadd.f32 v25, v14  }
0x13b: {  	v50 =	vld [tilespmem:$0x4150];
	[tilespmem:s23+$0x0] =	vst v26;
	v23 =	vadd.f32 v23, v15  }
0x13c: {  	v26 =	vld [tilespmem:$0x4150];
	[tilespmem:s16+$0x0] =	vst v49;
	v51 =	vadd.f32 v24, v16  }
0x13d: {  	v52 =	vld [tilespmem:$0x4150];
	[tilespmem:s5+$0x0] =	vst v23;
	v22 =	vadd.f32 v22, v17  }
0x13e: {  	[tilespmem:s25+$0x0] =	vst v51;
	v23 =	vld [tilespmem:$0x4150]  }
0x13f: {  	v20 =	vadd.s32 s10, v20;
	v21 =	vld [tilespmem:$0x4150];
	[tilespmem:s15+$0x0] =	vst v22  }
0x140: {  	v20 =	vadd.s32 v5, v20;
	v53 =	vadd.s32 s11, v50;
	v54 =	vld [tilespmem:$0x4150]  }
0x141: {  	v26 =	vadd.s32 s19, v26;
	v22 =	vadd.s32 v5, v53  }
0x142: {  	v26 =	vadd.s32 v5, v26;
	v24 =	vadd.s32 s26, v52  }
0x143: {  	v24 =	vadd.s32 v5, v24;
	v23 =	vadd.s32 s2, v23  }
0x144: {  	v21 =	vadd.s32 s22, v21;
	v23 =	vadd.s32 v5, v23  }
0x145: {  	v20 =	vld.idx.msk [tilespmem:v20+s18+$0x0], $0xffff;
	v21 =	vadd.s32 v5, v21;
	v25 =	vadd.s32 s7, v54  }
0x146: {  	v22 =	vld.idx.msk [tilespmem:v22+s18+$0x0], $0xffff;
	v25 =	vadd.s32 v5, v25  }
0x147: {  	v26 =	vld.idx.msk [tilespmem:v26+s18+$0x0], $0xffff  }
0x148: {  	v24 =	vld.idx.msk [tilespmem:v24+s18+$0x0], $0xffff  }
0x149: {  	v23 =	vld.idx.msk [tilespmem:v23+s18+$0x0], $0xffff  }
0x14a: {  	v20 =	vadd.f32 v20, v11;
	v21 =	vld.idx.msk [tilespmem:v21+s18+$0x0], $0xffff  }
0x14b: {  	v22 =	vadd.f32 v22, v12;
	v25 =	vld.idx.msk [tilespmem:v25+s18+$0x0], $0xffff  }
0x14c: {  	v27 =	vld [tilespmem:$0x4160];
	[tilespmem:s29+$0x10] =	vst v20;
	v55 =	vadd.f32 v26, v13  }
0x14d: {  	v56 =	vld [tilespmem:$0x4160];
	v57 =	vadd.f32 v24, v14;
	[tilespmem:s17+$0x10] =	vst v22  }
0x14e: {  	[tilespmem:s23+$0x10] =	vst v55;
	v59 =	vadd.f32 v23, v15;
	v58 =	vld [tilespmem:$0x4160]  }
0x14f: {  	v60 =	vld [tilespmem:$0x4160];
	[tilespmem:s16+$0x10] =	vst v57;
	v21 =	vadd.f32 v21, v16  }
0x150: {  	[tilespmem:s5+$0x10] =	vst v59;
	v22 =	vld [tilespmem:$0x4160];
	v61 =	vadd.f32 v25, v17  }
0x151: {  	v62 =	vadd.s32 s14, v27;
	[tilespmem:s25+$0x10] =	vst v21;
	v63 =	vld [tilespmem:$0x4160]  }
0x152: {  	v30 =	vadd.s32 v6, v62;
	v31 =	vadd.s32 s10, v56;
	v32 =	vld [tilespmem:$0x4160];
	[tilespmem:s15+$0x10] =	vst v61  }
0x153: {  	v19 =	vadd.f32 v19, v9;
	v33 =	vadd.s32 v6, v31;
	v24 =	vadd.s32 s11, v58;
	v34 =	vld [tilespmem:$0x4160]  }
0x154: {  	v23 =	vadd.s32 s19, v60;
	v24 =	vadd.s32 v6, v24  }
0x155: {  	[tilespmem:s12+$0x20] =	vst v19;
	v35 =	vadd.s32 v6, v23;
	v22 =	vadd.s32 s26, v22  }
0x156: {  	v36 =	vld [tilespmem:$0x4170];
	v27 =	vadd.s32 s2, v63;
	v22 =	vadd.s32 v6, v22  }
0x157: {  	v21 =	vld.idx.msk [tilespmem:v30+s18+$0x0], $0xffff;
	v26 =	vadd.s32 s22, v32;
	v27 =	vadd.s32 v6, v27  }
0x158: {  	v20 =	vld.idx.msk [tilespmem:v33+s18+$0x0], $0xffff;
	v26 =	vadd.s32 v6, v26;
	v25 =	vadd.s32 s7, v34  }
0x159: {  	v24 =	vld.idx.msk [tilespmem:v24+s18+$0x0], $0xffff;
	v25 =	vadd.s32 v6, v25  }
0x15a: {  	v19 =	vld.idx.msk [tilespmem:v35+s18+$0x0], $0xffff  }
0x15b: {  	v22 =	vld.idx.msk [tilespmem:v22+s18+$0x0], $0xffff  }
0x15c: {  	v21 =	vadd.f32 v21, v10;
	v27 =	vld.idx.msk [tilespmem:v27+s18+$0x0], $0xffff  }
0x15d: {  	v20 =	vadd.f32 v20, v11;
	v26 =	vld.idx.msk [tilespmem:v26+s18+$0x0], $0xffff  }
0x15e: {  	[tilespmem:s3+$0x20] =	vst v21;
	v37 =	vadd.f32 v24, v12;
	v38 =	vld.idx.msk [tilespmem:v25+s18+$0x0], $0xffff  }
0x15f: {  	[tilespmem:s29+$0x20] =	vst v20;
	v39 =	vld [tilespmem:$0x4170];
	v19 =	vadd.f32 v19, v13  }
0x160: {  	v20 =	vld [tilespmem:$0x4170];
	v40 =	vadd.f32 v22, v14;
	[tilespmem:s17+$0x20] =	vst v37  }
0x161: {  	[tilespmem:s23+$0x20] =	vst v19;
	v42 =	vadd.f32 v27, v15;
	v41 =	vld [tilespmem:$0x4170]  }
0x162: {  	v43 =	vld [tilespmem:$0x4170];
	v44 =	vadd.f32 v26, v16;
	[tilespmem:s16+$0x20] =	vst v40  }
0x163: {  	v23 =	vadd.s32 s28, v36;
	[tilespmem:s5+$0x20] =	vst v42;
	v45 =	vld [tilespmem:$0x4170];
	v46 =	vadd.f32 v38, v17  }
0x164: {  	v23 =	vadd.s32 v7, v23;
	v47 =	vadd.s32 s14, v39;
	[tilespmem:s25+$0x20] =	vst v44;
	v48 =	vld [tilespmem:$0x4170]  }
0x165: {  	v20 =	vadd.s32 s10, v20;
	v49 =	vadd.s32 v7, v47;
	v50 =	vld [tilespmem:$0x4170];
	[tilespmem:s15+$0x20] =	vst v46  }
0x166: {  	v51 =	vadd.s32 v7, v20;
	v52 =	vadd.s32 s11, v41;
	v53 =	vld [tilespmem:$0x4170]  }
0x167: {  	v27 =	vadd.s32 s19, v43;
	v20 =	vadd.s32 v7, v52  }
0x168: {  	v27 =	vadd.s32 v7, v27;
	v26 =	vadd.s32 s26, v45  }
0x169: {  	v23 =	vld.idx.msk [tilespmem:v23+s18+$0x0], $0xffff;
	v25 =	vadd.s32 s2, v48;
	v26 =	vadd.s32 v7, v26  }
0x16a: {  	v21 =	vld.idx.msk [tilespmem:v49+s18+$0x0], $0xffff;
	v24 =	vadd.s32 s22, v50;
	v25 =	vadd.s32 v7, v25  }
0x16b: {  	v19 =	vld.idx.msk [tilespmem:v51+s18+$0x0], $0xffff;
	v24 =	vadd.s32 v7, v24;
	v22 =	vadd.s32 s7, v53  }
0x16c: {  	v20 =	vld.idx.msk [tilespmem:v20+s18+$0x0], $0xffff;
	v22 =	vadd.s32 v7, v22  }
0x16d: {  	v8 =	vadd.f32 v18, v8;
	v54 =	vld.idx.msk [tilespmem:v27+s18+$0x0], $0xffff  }
0x16e: {  	v55 =	vadd.f32 v23, v9;
	v56 =	vld.idx.msk [tilespmem:v26+s18+$0x0], $0xffff  }
0x16f: {  	[tilespmem:s9+$0x30] =	vst v8;
	v8 =	vadd.f32 v21, v10;
	v57 =	vld.idx.msk [tilespmem:v25+s18+$0x0], $0xffff  }
0x170: {  	[tilespmem:s12+$0x30] =	vst v55;
	v58 =	vadd.f32 v19, v11;
	v59 =	vld.idx.msk [tilespmem:v24+s18+$0x0], $0xffff  }
0x171: {  	[tilespmem:s3+$0x30] =	vst v8;
	v8 =	vadd.f32 v20, v12;
	v60 =	vld.idx.msk [tilespmem:v22+s18+$0x0], $0xffff  }
0x172: {  	[tilespmem:s29+$0x30] =	vst v58;
	v61 =	vadd.f32 v54, v13  }
0x173: {  	[tilespmem:s17+$0x30] =	vst v8;
	v8 =	vadd.f32 v56, v14  }
0x174: {  	p1 =	sne.s32 s30, $0x18;
	[tilespmem:s23+$0x30] =	vst v61;
	v62 =	vadd.f32 v57, v15  }
.Ltmp1:
0x175: {  	s23 =	sshll.u32 s6, $0x7;
	[tilespmem:s16+$0x30] =	vst v8;
	v8 =	vadd.f32 v59, v16;
	(pc) =	sbr.rel @p1 .LBB2_6-.Ltmp1, $4  }
0x176: {  	s28 =	simm.s32 $0x400;
	s2 =	sand.u32 $0x300, s23;
	[tilespmem:s5+$0x30] =	vst v62;
	v63 =	vadd.f32 v60, v17  }
0x177: {  	s29 =	simm.s32 $0xC200;
	s2 =	sadd.s32 s24, s2;
	[tilespmem:s25+$0x30] =	vst v8;
	s25 =	sshll.u32 s8, $0xD  }
0x178: {  	s26 =	smov.u32 s24;
	s24 =	simm.s32 $0x2000;
	s2 =	sadd.s32 s25, s2;
	[tilespmem:s15+$0x30] =	vst v63  }
0x179: {  	[hbm4b:s2+s28] =	stream.strided.scatter [tilespmem:s29], [sflag:$0x3], $0x2000, s24, s28, $0x38;
	[tilespmem:$0x16600] =	vst v63  }
.Ltmp2:
0x17a: {  	(pc) =	sbr.rel .LBB2_7-.Ltmp2, $4  }
0x17b: {  	s1 =	simm.s32 $0x2  }
0x17c: {  	_ =	swait.ge [sflag:s1], $0x4000  }
0x17d: {  	[sflag:s1] =	ssyncset.done $0x0  }
0x17e: {  	[sflag:s1] =	ssyncadd.s32 $0xFFFFC000  }
.LBB2_6:
0x17f: {  	s2 =	rddreg [dreg:$0xb]  }
0x180: {  	s1 =	sadd.s32 s1, s2  }
0x181: {  	s3 =	rddreg [dreg:$0x7];
	s2 =	sshrl.u32 s1, $0x6  }
0x182: {  	s2 =	ssub.s32 s2, s3  }
0x183: {  	s21 =	sshll.u32 s1, $0xA;
	s2 =	sshll.u32 s2, $0xF  }
0x184: {  	s1 =	sshll.u32 s1, $0x4;
	s3 =	sand.u32 $0x1800, s21;
	s2 =	sshra.s32 s2, $0x2  }
0x185: {  	s1 =	sand.u32 $0x380, s1;
	s2 =	sor.u32 s3, s2  }
0x186: {  	s1 =	sor.u32 s1, s2  }
0x187: {  	v8 =	vld [tilespmem:s1+$0x0];
	_ =	sdelay $0x4  }
0x188: {  	v9 =	vshrl.u32 v8, $0x1;
	v8 =	vshll.u32 v8, $0x6  }
0x189: {  	[tilespmem:$0x4000] =	vst v9;
	v8 =	vand.u32 $0x40, v8  }
0x18a: {  	[tilespmem:$0x4100] =	vst v8  }
0x18b: {  	v8 =	vld [tilespmem:s1+$0x10];
	_ =	sdelay $0x4  }
0x18c: {  	v57 =	vshrl.u32 v8, $0x1;
	v8 =	vshll.u32 v8, $0x6  }
0x18d: {  	[tilespmem:$0x4010] =	vst v57;
	v8 =	vand.u32 $0x40, v8  }
0x18e: {  	[tilespmem:$0x4110] =	vst v8  }
0x18f: {  	v8 =	vld [tilespmem:s1+$0x20];
	_ =	sdelay $0x4  }
0x190: {  	v58 =	vshrl.u32 v8, $0x1;
	v8 =	vshll.u32 v8, $0x6  }
0x191: {  	[tilespmem:$0x4020] =	vst v58;
	v8 =	vand.u32 $0x40, v8  }
0x192: {  	[tilespmem:$0x4120] =	vst v8  }
0x193: {  	v8 =	vld [tilespmem:s1+$0x30];
	_ =	sdelay $0x4  }
0x194: {  	v59 =	vshrl.u32 v8, $0x1;
	v8 =	vshll.u32 v8, $0x6  }
0x195: {  	[tilespmem:$0x4030] =	vst v59;
	v8 =	vand.u32 $0x40, v8  }
0x196: {  	[tilespmem:$0x4130] =	vst v8  }
0x197: {  	v8 =	vld [tilespmem:s1+$0x40];
	_ =	sdelay $0x4  }
0x198: {  	v60 =	vshrl.u32 v8, $0x1;
	v8 =	vshll.u32 v8, $0x6  }
0x199: {  	[tilespmem:$0x4040] =	vst v60;
	v8 =	vand.u32 $0x40, v8  }
0x19a: {  	[tilespmem:$0x4140] =	vst v8  }
0x19b: {  	v8 =	vld [tilespmem:s1+$0x50];
	_ =	sdelay $0x4  }
0x19c: {  	v61 =	vshrl.u32 v8, $0x1;
	v8 =	vshll.u32 v8, $0x6  }
0x19d: {  	[tilespmem:$0x4050] =	vst v61;
	v8 =	vand.u32 $0x40, v8  }
0x19e: {  	[tilespmem:$0x4150] =	vst v8  }
0x19f: {  	v8 =	vld [tilespmem:s1+$0x60];
	_ =	sdelay $0x4  }
0x1a0: {  	v62 =	vshrl.u32 v8, $0x1;
	v8 =	vshll.u32 v8, $0x6  }
0x1a1: {  	[tilespmem:$0x4060] =	vst v62;
	v8 =	vand.u32 $0x40, v8  }
0x1a2: {  	[tilespmem:$0x4160] =	vst v8  }
0x1a3: {  	v8 =	vld [tilespmem:s1+$0x70];
	_ =	sdelay $0x4  }
0x1a4: {  	v63 =	vshrl.u32 v8, $0x1;
	v8 =	vshll.u32 v8, $0x6  }
0x1a5: {  	s22 =	rddreg [dreg:$0x4];
	s23 =	simm.s32 $0x80;
	[tilespmem:$0x4070] =	vst v63;
	v8 =	vand.u32 $0x40, v8  }
.Ltmp3:
0x1a6: {  	s25 =	simm.s32 $0x4000;
	s29 =	simm.s32 $0x2;
	[tilespmem:$0x4170] =	vst v8;
	(pc) =	sbr.rel @p0 .LBB2_8-.Ltmp3, $4  }
0x1a7: {  	[tilespmem:s18], [sflag:$0x1] =	stream.indirect.gather [hbm4b:s22+s23], $0x80, s25, s23, $0xb8;
	[tilespmem:$0x16600] =	vst v63  }
0x1a8: {  	_ =	swait.ge [sflag:s29], $0x4000  }
0x1a9: {  	[sflag:s29] =	ssyncset.done $0x0  }
0x1aa: {  	[sflag:s29] =	ssyncadd.s32 $0xFFFFC000  }
.LBB2_7:
0x1ab: {  	s1 =	simm.s32 $0x4  }
0x1ac: {  	_ =	swait.ge [sflag:s1], $0x2000  }
0x1ad: {  	[sflag:s1] =	ssyncset.done $0x0  }
0x1ae: {  	[sflag:s1] =	ssyncadd.s32 $0xFFFFE000  }
.LBB2_8:
0x1af: {  	v8 =	vld [tilespmem:$0x4180];
	_ =	sdelay $0x2  }
0x1b0: {  	s22 =	sshll.u32 s0, $0x7  }
0x1b1: {  	s7 =	simm.s32 $0x0;
	s1 =	sadd.s32 $0x0, s22  }
0x1b2: {  	v9 =	vmov s1;
	v8 =	vadd.s32 s7, v8  }
0x1b3: {  	v10 =	vadd.s32 v0, v8;
	_ =	sdelay $0x3  }
0x1b4: {  	v8 =	vld.idx.msk [tilespmem:v9+s13+$0x0], $0xffff  }
0x1b5: {  	v9 =	vld.idx.msk [tilespmem:v10+s20+$0x0], $0xffff;
	_ =	sdelay $0x1  }
0x1b6: {  	v10 =	vld [tilespmem:$0x4180];
	_ =	sdelay $0x2  }
0x1b7: {  	v9 =	vadd.f32 v9, v8  }
0x1b8: {  	s8 =	simm.s32 $0x1;
	s1 =	simm.s32 $0xE270  }
0x1b9: {  	v10 =	vadd.s32 s8, v10;
	[tilespmem:s1+$0xFFFFFF90] =	vst v9  }
0x1ba: {  	s2 =	sadd.s32 $0x1, s22;
	v10 =	vadd.s32 v0, v10;
	v9 =	vld [tilespmem:$0x4190]  }
0x1bb: {  	v11 =	vmov s2;
	_ =	sdelay $0x3  }
0x1bc: {  	v10 =	vld.idx.msk [tilespmem:v10+s20+$0x0], $0xffff;
	v9 =	vadd.s32 s7, v9  }
0x1bd: {  	v12 =	vadd.s32 v1, v9;
	v9 =	vld.idx.msk [tilespmem:v11+s13+$0x0], $0xffff;
	_ =	sdelay $0x4  }
0x1be: {  	v11 =	vld.idx.msk [tilespmem:v12+s20+$0x0], $0xffff;
	v10 =	vadd.f32 v10, v9  }
0x1bf: {  	s6 =	simm.s32 $0xE2F0  }
0x1c0: {  	v12 =	vld [tilespmem:$0x4180];
	[tilespmem:s6+$0xFFFFFF90] =	vst v10  }
0x1c1: {  	v10 =	vld [tilespmem:$0x4190];
	_ =	sdelay $0x1  }
0x1c2: {  	v11 =	vadd.f32 v11, v8  }
0x1c3: {  	s9 =	simm.s32 $0x2;
	s16 =	sadd.s32 $0x2, s22  }
0x1c4: {  	v13 =	vmov s16;
	v12 =	vadd.s32 s9, v12;
	[tilespmem:s1+$0xFFFFFFA0] =	vst v11  }
0x1c5: {  	v11 =	vadd.s32 v0, v12;
	v12 =	vld [tilespmem:$0x41A0];
	v10 =	vadd.s32 s8, v10  }
0x1c6: {  	v14 =	vadd.s32 v1, v10;
	_ =	sdelay $0x2  }
0x1c7: {  	v10 =	vld.idx.msk [tilespmem:v13+s13+$0x0], $0xffff  }
0x1c8: {  	v11 =	vld.idx.msk [tilespmem:v11+s20+$0x0], $0xffff;
	v12 =	vadd.s32 s7, v12  }
0x1c9: {  	v12 =	vadd.s32 v2, v12;
	v13 =	vld.idx.msk [tilespmem:v14+s20+$0x0], $0xffff  }
0x1ca: {  	v14 =	vld [tilespmem:$0x4180];
	_ =	sdelay $0x2  }
0x1cb: {  	v11 =	vadd.f32 v11, v10  }
0x1cc: {  	s3 =	simm.s32 $0xE370;
	s10 =	simm.s32 $0x3;
	s17 =	sadd.s32 $0x3, s22;
	v12 =	vld.idx.msk [tilespmem:v12+s20+$0x0], $0xffff  }
0x1cd: {  	[tilespmem:s3+$0xFFFFFF90] =	vst v11;
	v11 =	vmov s17;
	v14 =	vadd.s32 s10, v14  }
0x1ce: {  	v13 =	vadd.f32 v13, v9;
	v15 =	vld [tilespmem:$0x4190];
	v14 =	vadd.s32 v0, v14;
	_ =	sdelay $0x1  }
0x1cf: {  	[tilespmem:s6+$0xFFFFFFA0] =	vst v13  }
0x1d0: {  	v13 =	vld [tilespmem:$0x41A0];
	v12 =	vadd.f32 v12, v8  }
0x1d1: {  	v11 =	vld.idx.msk [tilespmem:v11+s13+$0x0], $0xffff  }
0x1d2: {  	v15 =	vadd.s32 s9, v15;
	v14 =	vld.idx.msk [tilespmem:v14+s20+$0x0], $0xffff;
	[tilespmem:s1+$0xFFFFFFB0] =	vst v12  }
0x1d3: {  	v12 =	vadd.s32 v1, v15;
	v15 =	vld [tilespmem:$0x41B0];
	_ =	sdelay $0x1  }
0x1d4: {  	v13 =	vadd.s32 s8, v13  }
0x1d5: {  	v13 =	vadd.s32 v2, v13  }
0x1d6: {  	v16 =	vld [tilespmem:$0x4180];
	v14 =	vadd.f32 v14, v11  }
0x1d7: {  	s12 =	simm.s32 $0xE3F0;
	v12 =	vld.idx.msk [tilespmem:v12+s20+$0x0], $0xffff;
	v15 =	vadd.s32 s7, v15  }
0x1d8: {  	[tilespmem:s12+$0xFFFFFF90] =	vst v14;
	v15 =	vadd.s32 v3, v15  }
0x1d9: {  	v14 =	vld [tilespmem:$0x4190]  }
0x1da: {  	s11 =	simm.s32 $0x4;
	v13 =	vld.idx.msk [tilespmem:v13+s20+$0x0], $0xffff  }
0x1db: {  	v16 =	vadd.s32 s11, v16  }
0x1dc: {  	v16 =	vadd.s32 v0, v16;
	v12 =	vadd.f32 v12, v10  }
0x1dd: {  	s19 =	sadd.s32 $0x4, s22;
	v15 =	vld.idx.msk [tilespmem:v15+s20+$0x0], $0xffff  }
0x1de: {  	v17 =	vmov s19;
	[tilespmem:s3+$0xFFFFFFA0] =	vst v12;
	v14 =	vadd.s32 s10, v14  }
0x1df: {  	v13 =	vadd.f32 v13, v9;
	v18 =	vld [tilespmem:$0x41A0];
	v14 =	vadd.s32 v1, v14;
	_ =	sdelay $0x1  }
0x1e0: {  	v16 =	vld.idx.msk [tilespmem:v16+s20+$0x0], $0xffff;
	[tilespmem:s6+$0xFFFFFFB0] =	vst v13  }
0x1e1: {  	v13 =	vld [tilespmem:$0x41B0];
	v15 =	vadd.f32 v15, v8  }
0x1e2: {  	v12 =	vld.idx.msk [tilespmem:v17+s13+$0x0], $0xffff  }
0x1e3: {  	v17 =	vadd.s32 s9, v18;
	v14 =	vld.idx.msk [tilespmem:v14+s20+$0x0], $0xffff;
	[tilespmem:s1+$0xFFFFFFC0] =	vst v15  }
0x1e4: {  	v15 =	vadd.s32 v2, v17;
	v17 =	vld [tilespmem:$0x41C0]  }
0x1e5: {  	v18 =	vld [tilespmem:$0x4180]  }
0x1e6: {  	v13 =	vadd.s32 s8, v13  }
0x1e7: {  	v16 =	vadd.f32 v16, v12;
	v13 =	vadd.s32 v3, v13  }
0x1e8: {  	s14 =	simm.s32 $0xE470;
	s21 =	sadd.s32 $0x5, s22  }
0x1e9: {  	v19 =	vmov s21;
	s17 =	simm.s32 $0x5;
	[tilespmem:s14+$0xFFFFFF90] =	vst v16;
	v15 =	vld.idx.msk [tilespmem:v15+s20+$0x0], $0xffff;
	v16 =	vadd.s32 s7, v17  }
0x1ea: {  	v14 =	vadd.f32 v14, v11;
	v18 =	vadd.s32 s17, v18;
	v17 =	vld [tilespmem:$0x4190];
	v16 =	vadd.s32 v4, v16  }
0x1eb: {  	v18 =	vadd.s32 v0, v18  }
0x1ec: {  	[tilespmem:s12+$0xFFFFFFA0] =	vst v14;
	v14 =	vld.idx.msk [tilespmem:v13+s20+$0x0], $0xffff  }
0x1ed: {  	v20 =	vld [tilespmem:$0x41A0]  }
0x1ee: {  	v13 =	vld.idx.msk [tilespmem:v19+s13+$0x0], $0xffff;
	v15 =	vadd.f32 v15, v10  }
0x1ef: {  	v17 =	vadd.s32 s11, v17;
	v16 =	vld.idx.msk [tilespmem:v16+s20+$0x0], $0xffff  }
0x1f0: {  	v18 =	vld.idx.msk [tilespmem:v18+s20+$0x0], $0xffff;
	v17 =	vadd.s32 v1, v17;
	[tilespmem:s3+$0xFFFFFFB0] =	vst v15  }
0x1f1: {  	v14 =	vadd.f32 v14, v9;
	v15 =	vld [tilespmem:$0x41B0]  }
0x1f2: {  	v19 =	vadd.s32 s10, v20;
	v20 =	vld [tilespmem:$0x4180]  }
0x1f3: {  	[tilespmem:s6+$0xFFFFFFC0] =	vst v14;
	v14 =	vadd.s32 v2, v19  }
0x1f4: {  	v19 =	vld [tilespmem:$0x41C0];
	v16 =	vadd.f32 v16, v8  }
0x1f5: {  	s23 =	sadd.s32 $0x6, s22;
	v17 =	vld.idx.msk [tilespmem:v17+s20+$0x0], $0xffff  }
0x1f6: {  	v21 =	vmov s23;
	s23 =	simm.s32 $0x6;
	v15 =	vadd.s32 s9, v15;
	[tilespmem:s1+$0xFFFFFFD0] =	vst v16  }
0x1f7: {  	v20 =	vadd.s32 s23, v20;
	v16 =	vadd.f32 v18, v13;
	v15 =	vadd.s32 v3, v15;
	v18 =	vld [tilespmem:$0x41D0]  }
0x1f8: {  	s19 =	simm.s32 $0xE4F0;
	v20 =	vadd.s32 v0, v20;
	v22 =	vld.idx.msk [tilespmem:v14+s20+$0x0], $0xffff  }
0x1f9: {  	v14 =	vadd.s32 s8, v19;
	[tilespmem:s19+$0xFFFFFF90] =	vst v16  }
0x1fa: {  	v19 =	vadd.s32 v4, v14;
	v16 =	vld [tilespmem:$0x4190];
	v17 =	vadd.f32 v17, v12  }
0x1fb: {  	v14 =	vld.idx.msk [tilespmem:v21+s13+$0x0], $0xffff  }
0x1fc: {  	[tilespmem:s14+$0xFFFFFFA0] =	vst v17;
	v15 =	vld.idx.msk [tilespmem:v15+s20+$0x0], $0xffff;
	v17 =	vadd.s32 s7, v18  }
0x1fd: {  	v20 =	vld.idx.msk [tilespmem:v20+s20+$0x0], $0xffff;
	v21 =	vadd.f32 v22, v11;
	v17 =	vadd.s32 v5, v17  }
0x1fe: {  	v18 =	vld [tilespmem:$0x41A0]  }
0x1ff: {  	v19 =	vld.idx.msk [tilespmem:v19+s20+$0x0], $0xffff;
	[tilespmem:s12+$0xFFFFFFB0] =	vst v21;
	v16 =	vadd.s32 s17, v16  }
0x200: {  	s25 =	sadd.s32 $0x7, s22;
	v21 =	vld [tilespmem:$0x41B0];
	v16 =	vadd.s32 v1, v16  }
0x201: {  	v23 =	vld [tilespmem:$0x4180];
	v22 =	vmov s25;
	v15 =	vadd.f32 v15, v10  }
0x202: {  	v17 =	vld.idx.msk [tilespmem:v17+s20+$0x0], $0xffff  }
0x203: {  	v18 =	vadd.s32 s11, v18;
	[tilespmem:s3+$0xFFFFFFC0] =	vst v15  }
0x204: {  	v18 =	vadd.s32 v2, v18;
	v19 =	vadd.f32 v19, v9;
	v24 =	vld [tilespmem:$0x41C0]  }
0x205: {  	s2 =	simm.s32 $0x7;
	v20 =	vadd.f32 v20, v14;
	v21 =	vadd.s32 s10, v21;
	v16 =	vld.idx.msk [tilespmem:v16+s20+$0x0], $0xffff  }
0x206: {  	s16 =	simm.s32 $0xE570;
	v15 =	vld.idx.msk [tilespmem:v22+s13+$0x0], $0xffff;
	v22 =	vadd.s32 s2, v23;
	[tilespmem:s6+$0xFFFFFFD0] =	vst v19;
	v19 =	vadd.s32 v3, v21  }
0x207: {  	[tilespmem:s16+$0xFFFFFF90] =	vst v20;
	v21 =	vadd.s32 v0, v22;
	v22 =	vld [tilespmem:$0x41D0];
	v17 =	vadd.f32 v17, v8  }
0x208: {  	v20 =	vld [tilespmem:$0x4190]  }
0x209: {  	v18 =	vld.idx.msk [tilespmem:v18+s20+$0x0], $0xffff;
	v23 =	vadd.s32 s9, v24;
	[tilespmem:s1+$0xFFFFFFE0] =	vst v17  }
0x20a: {  	s4 =	sadd.s32 $0x8, s22;
	v16 =	vadd.f32 v16, v13;
	v17 =	vadd.s32 v4, v23;
	v23 =	vld [tilespmem:$0x41E0]  }
0x20b: {  	v24 =	vmov s4;
	v19 =	vld.idx.msk [tilespmem:v19+s20+$0x0], $0xffff  }
0x20c: {  	v21 =	vld.idx.msk [tilespmem:v21+s20+$0x0], $0xffff;
	[tilespmem:s19+$0xFFFFFFA0] =	vst v16;
	v16 =	vadd.s32 s8, v22  }
0x20d: {  	v22 =	vld [tilespmem:$0x41A0];
	v25 =	vadd.s32 v5, v16  }
0x20e: {  	v16 =	vadd.f32 v18, v12;
	v18 =	vadd.s32 s23, v20;
	v20 =	vld [tilespmem:$0x4180]  }
0x20f: {  	v18 =	vadd.s32 v1, v18;
	v17 =	vld.idx.msk [tilespmem:v17+s20+$0x0], $0xffff;
	v23 =	vadd.s32 s7, v23  }
0x210: {  	[tilespmem:s14+$0xFFFFFFB0] =	vst v16;
	v19 =	vadd.f32 v19, v11;
	v16 =	vld.idx.msk [tilespmem:v24+s13+$0x0], $0xffff;
	v23 =	vadd.s32 v6, v23  }
0x211: {  	v26 =	vld [tilespmem:$0x41B0]  }
0x212: {  	[tilespmem:s12+$0xFFFFFFC0] =	vst v19;
	v24 =	vld.idx.msk [tilespmem:v25+s20+$0x0], $0xffff;
	v22 =	vadd.s32 s17, v22  }
0x213: {  	v19 =	vadd.f32 v21, v15;
	v21 =	vadd.s32 v2, v22;
	v22 =	vld [tilespmem:$0x41C0]  }
0x214: {  	s15 =	simm.s32 $0x8;
	s5 =	simm.s32 $0xE5F0;
	v18 =	vld.idx.msk [tilespmem:v18+s20+$0x0], $0xffff;
	v17 =	vadd.f32 v17, v10  }
0x215: {  	v20 =	vadd.s32 s15, v20;
	[tilespmem:s5+$0xFFFFFF90] =	vst v19;
	v19 =	vld.idx.msk [tilespmem:v23+s20+$0x0], $0xffff  }
0x216: {  	v28 =	vld [tilespmem:$0x4180];
	v20 =	vadd.s32 v0, v20;
	v23 =	vadd.s32 s11, v26;
	[tilespmem:s3+$0xFFFFFFD0] =	vst v17  }
0x217: {  	v17 =	vadd.s32 v3, v23;
	v23 =	vld [tilespmem:$0x41D0];
	v24 =	vadd.f32 v24, v9  }
0x218: {  	v25 =	vld [tilespmem:$0x4190]  }
0x219: {  	v21 =	vld.idx.msk [tilespmem:v21+s20+$0x0], $0xffff;
	v22 =	vadd.s32 s10, v22;
	v18 =	vadd.f32 v18, v14;
	[tilespmem:s6+$0xFFFFFFE0] =	vst v24  }
0x21a: {  	s29 =	sadd.s32 $0x9, s22;
	v22 =	vadd.s32 v4, v22;
	v24 =	vld [tilespmem:$0x41E0];
	v19 =	vadd.f32 v19, v8  }
0x21b: {  	v26 =	vmov s29;
	v20 =	vld.idx.msk [tilespmem:v20+s20+$0x0], $0xffff;
	[tilespmem:s16+$0xFFFFFFA0] =	vst v18  }
0x21c: {  	v18 =	vld.idx.msk [tilespmem:v17+s20+$0x0], $0xffff;
	v17 =	vadd.s32 s9, v23;
	[tilespmem:s1+$0xFFFFFFF0] =	vst v19  }
0x21d: {  	v19 =	vadd.s32 s2, v25;
	v23 =	vadd.s32 v5, v17;
	v25 =	vld [tilespmem:$0x41F0]  }
0x21e: {  	v27 =	vld [tilespmem:$0x41A0];
	v21 =	vadd.f32 v21, v13;
	v19 =	vadd.s32 v1, v19  }
0x21f: {  	v22 =	vld.idx.msk [tilespmem:v22+s20+$0x0], $0xffff;
	v24 =	vadd.s32 s8, v24  }
0x220: {  	v17 =	vld.idx.msk [tilespmem:v26+s13+$0x0], $0xffff;
	[tilespmem:s19+$0xFFFFFFB0] =	vst v21;
	v21 =	vadd.s32 v6, v24  }
0x221: {  	v24 =	vld [tilespmem:$0x41B0];
	v18 =	vadd.f32 v18, v12  }
0x222: {  	v23 =	vld.idx.msk [tilespmem:v23+s20+$0x0], $0xffff;
	v25 =	vadd.s32 s7, v25  }
0x223: {  	v20 =	vadd.f32 v20, v16;
	s7 =	simm.s32 $0x9;
	v26 =	vld.idx.msk [tilespmem:v19+s20+$0x0], $0xffff;
	v19 =	vadd.s32 s23, v27;
	[tilespmem:s14+$0xFFFFFFC0] =	vst v18;
	v18 =	vadd.s32 v7, v25  }
0x224: {  	s25 =	simm.s32 $0xE670;
	v22 =	vadd.f32 v22, v11;
	v25 =	vadd.s32 s7, v28;
	v27 =	vadd.s32 v2, v19;
	v63 =	vld [tilespmem:$0x41C0]  }
0x225: {  	[tilespmem:s25+$0xFFFFFF90] =	vst v20;
	v29 =	vadd.s32 v0, v25;
	v19 =	vld.idx.msk [tilespmem:v21+s20+$0x0], $0xffff  }
0x226: {  	v25 =	vld [tilespmem:$0x4190];
	[tilespmem:s12+$0xFFFFFFD0] =	vst v22;
	v21 =	vadd.s32 s17, v24  }
0x227: {  	v20 =	vld [tilespmem:$0x41D0];
	v22 =	vadd.s32 v3, v21  }
0x228: {  	v30 =	vadd.f32 v23, v10;
	v18 =	vld.idx.msk [tilespmem:v18+s20+$0x0], $0xffff  }
0x229: {  	v24 =	vld.idx.msk [tilespmem:v27+s20+$0x0], $0xffff;
	v21 =	vadd.s32 s11, v63  }
0x22a: {  	s21 =	simm.s32 $0xA;
	v26 =	vadd.f32 v26, v15;
	[tilespmem:s3+$0xFFFFFFE0] =	vst v30;
	v23 =	vld.idx.msk [tilespmem:v29+s20+$0x0], $0xffff;
	v21 =	vadd.s32 v4, v21  }
.LBB2_9:
0x22b: {  	s4 =	sadd.s32 s22, s21;
	p0 =	sne.s32 s21, $0x3F;
	v27 =	vld [tilespmem:$0x41E0];
	v19 =	vadd.f32 v19, v9  }
0x22c: {  	v28 =	vmov s4;
	[tilespmem:s5+$0xFFFFFFA0] =	vst v26;
	v22 =	vld.idx.msk [tilespmem:v22+s20+$0x0], $0xffff  }
0x22d: {  	v20 =	vadd.s32 s10, v20;
	v26 =	vld [tilespmem:$0x41A0];
	[tilespmem:s6+$0xFFFFFFF0] =	vst v19  }
0x22e: {  	v19 =	vadd.s32 s15, v25;
	v20 =	vadd.s32 v5, v20;
	v18 =	vadd.f32 v18, v8;
	v8 =	vmovc v9;
	v9 =	vmovc v10;
	v25 =	vld [tilespmem:$0x41F0]  }
0x22f: {  	v10 =	vmovc v11;
	v11 =	vmov v12;
	v19 =	vadd.s32 v1, v19;
	v24 =	vadd.f32 v24, v14;
	v21 =	vld.idx.msk [tilespmem:v21+s20+$0x0], $0xffff  }
0x230: {  	v12 =	vmovc v13;
	v13 =	vmovc v14;
	v14 =	vmov v15;
	v15 =	vmov v16;
	v29 =	vld [tilespmem:$0x4180];
	v27 =	vadd.s32 s9, v27;
	[tilespmem:s1+$0x0] =	vst v18;
	s1 =	smov.u32 s6;
	s6 =	smov.u32 s3;
	s3 =	smov.u32 s12  }
0x231: {  	v16 =	vmov v17;
	s12 =	smov.u32 s14;
	s14 =	smov.u32 s19;
	s19 =	smov.u32 s16;
	[tilespmem:s16+$0xFFFFFFB0] =	vst v24;
	v18 =	vadd.s32 v6, v27;
	v17 =	vld.idx.msk [tilespmem:v28+s13+$0x0], $0xffff  }
0x232: {  	v22 =	vadd.f32 v22, v12;
	s16 =	smov.u32 s5;
	s5 =	smov.u32 s25;
	v24 =	vld [tilespmem:$0x41B0]  }
0x233: {  	v27 =	vld.idx.msk [tilespmem:v20+s20+$0x0], $0xffff;
	v20 =	vadd.s32 s8, v25;
	s8 =	smov.u32 s9;
	s9 =	smov.u32 s10;
	s10 =	smov.u32 s11  }
0x234: {  	v23 =	vadd.f32 v23, v16;
	s11 =	smov.u32 s17;
	s17 =	smov.u32 s23;
	s23 =	smov.u32 s2;
	v28 =	vld.idx.msk [tilespmem:v19+s20+$0x0], $0xffff;
	v19 =	vadd.s32 s2, v26;
	[tilespmem:s14+$0xFFFFFFC0] =	vst v22;
	v26 =	vadd.s32 v7, v20  }
0x235: {  	s25 =	sadd.s32 $0x80, s25;
	v21 =	vadd.f32 v21, v11;
	s2 =	smov.u32 s15;
	s15 =	smov.u32 s7;
	v20 =	vadd.s32 s21, v29;
	v29 =	vadd.s32 v2, v19;
	v30 =	vld [tilespmem:$0x41C0]  }
0x236: {  	s7 =	smov.u32 s21;
	v31 =	vadd.s32 v0, v20;
	[tilespmem:s25+$0xFFFFFF90] =	vst v23;
	v19 =	vld.idx.msk [tilespmem:v18+s20+$0x0], $0xffff  }
.Ltmp4:
0x237: {  	v25 =	vld [tilespmem:$0x4190];
	v18 =	vadd.s32 s17, v24;
	[tilespmem:s12+$0xFFFFFFD0] =	vst v21;
	(pc) =	sbr.rel @p0 .LBB2_9-.Ltmp4, $4  }
0x238: {  	v22 =	vadd.s32 v3, v18;
	v20 =	vld [tilespmem:$0x41D0]  }
0x239: {  	v27 =	vadd.f32 v27, v10;
	v18 =	vld.idx.msk [tilespmem:v26+s20+$0x0], $0xffff  }
0x23a: {  	v24 =	vld.idx.msk [tilespmem:v29+s20+$0x0], $0xffff;
	v21 =	vadd.s32 s11, v30  }
0x23b: {  	s21 =	sadd.s32 $0x1, s21;
	v26 =	vadd.f32 v28, v15;
	v23 =	vld.idx.msk [tilespmem:v31+s20+$0x0], $0xffff;
	v21 =	vadd.s32 v4, v21;
	[tilespmem:s3+$0xFFFFFFE0] =	vst v27  }
0x23c: {  	_ =	sdelay $0x3  }
0x23d: {  	v23 =	vadd.f32 v23, v17  }
0x23e: {  	s22 =	sadd.s32 $0x80, s25  }
0x23f: {  	[tilespmem:s22+$0xFFFFFF90] =	vst v23  }
0x240: {  	v23 =	vld [tilespmem:$0x4190];
	_ =	sdelay $0x3  }
0x241: {  	v25 =	vadd.s32 s15, v25  }
0x242: {  	v25 =	vadd.s32 v1, v25;
	v23 =	vadd.s32 s7, v23  }
0x243: {  	v23 =	vadd.s32 v1, v23;
	_ =	sdelay $0x3  }
0x244: {  	v25 =	vld.idx.msk [tilespmem:v25+s20+$0x0], $0xffff  }
0x245: {  	v23 =	vld.idx.msk [tilespmem:v23+s20+$0x0], $0xffff;
	_ =	sdelay $0x3  }
0x246: {  	v25 =	vadd.f32 v25, v16  }
0x247: {  	[tilespmem:s5+$0xFFFFFFA0] =	vst v26;
	v23 =	vadd.f32 v23, v17  }
0x248: {  	v26 =	vld [tilespmem:$0x41A0];
	[tilespmem:s25+$0xFFFFFFA0] =	vst v25  }
0x249: {  	v25 =	vld [tilespmem:$0x41A0];
	[tilespmem:s22+$0xFFFFFFA0] =	vst v23  }
0x24a: {  	v23 =	vld [tilespmem:$0x41A0];
	_ =	sdelay $0x2  }
0x24b: {  	v26 =	vadd.s32 s2, v26  }
0x24c: {  	v26 =	vadd.s32 v2, v26;
	v25 =	vadd.s32 s15, v25  }
0x24d: {  	v25 =	vadd.s32 v2, v25;
	v23 =	vadd.s32 s7, v23  }
0x24e: {  	v23 =	vadd.s32 v2, v23;
	_ =	sdelay $0x2  }
0x24f: {  	v26 =	vld.idx.msk [tilespmem:v26+s20+$0x0], $0xffff  }
0x250: {  	v25 =	vld.idx.msk [tilespmem:v25+s20+$0x0], $0xffff  }
0x251: {  	v23 =	vld.idx.msk [tilespmem:v23+s20+$0x0], $0xffff;
	_ =	sdelay $0x1  }
0x252: {  	v24 =	vadd.f32 v24, v14  }
0x253: {  	v26 =	vadd.f32 v26, v15  }
0x254: {  	[tilespmem:s16+$0xFFFFFFB0] =	vst v24;
	v43 =	vadd.f32 v25, v16  }
0x255: {  	v44 =	vld [tilespmem:$0x41B0];
	[tilespmem:s5+$0xFFFFFFB0] =	vst v26;
	v23 =	vadd.f32 v23, v17  }
0x256: {  	v26 =	vld [tilespmem:$0x41B0];
	[tilespmem:s25+$0xFFFFFFB0] =	vst v43  }
0x257: {  	v24 =	vld [tilespmem:$0x41B0];
	[tilespmem:s22+$0xFFFFFFB0] =	vst v23  }
0x258: {  	v23 =	vld [tilespmem:$0x41B0];
	_ =	sdelay $0x1  }
0x259: {  	v25 =	vadd.s32 s23, v44  }
0x25a: {  	v26 =	vadd.s32 s2, v26;
	v25 =	vadd.s32 v3, v25  }
0x25b: {  	v26 =	vadd.s32 v3, v26;
	v24 =	vadd.s32 s15, v24  }
0x25c: {  	v24 =	vadd.s32 v3, v24;
	v23 =	vadd.s32 s7, v23  }
0x25d: {  	v23 =	vadd.s32 v3, v23  }
0x25e: {  	v22 =	vld.idx.msk [tilespmem:v22+s20+$0x0], $0xffff  }
0x25f: {  	v25 =	vld.idx.msk [tilespmem:v25+s20+$0x0], $0xffff  }
0x260: {  	v26 =	vld.idx.msk [tilespmem:v26+s20+$0x0], $0xffff  }
0x261: {  	v24 =	vld.idx.msk [tilespmem:v24+s20+$0x0], $0xffff  }
0x262: {  	v23 =	vld.idx.msk [tilespmem:v23+s20+$0x0], $0xffff  }
0x263: {  	v22 =	vadd.f32 v22, v13  }
0x264: {  	v25 =	vadd.f32 v25, v14  }
0x265: {  	[tilespmem:s19+$0xFFFFFFC0] =	vst v22;
	v45 =	vadd.f32 v26, v15  }
0x266: {  	v46 =	vld [tilespmem:$0x41C0];
	[tilespmem:s16+$0xFFFFFFC0] =	vst v25;
	v24 =	vadd.f32 v24, v16  }
0x267: {  	[tilespmem:s5+$0xFFFFFFC0] =	vst v45;
	v25 =	vld [tilespmem:$0x41C0];
	v47 =	vadd.f32 v23, v17  }
0x268: {  	v48 =	vld [tilespmem:$0x41C0];
	[tilespmem:s25+$0xFFFFFFC0] =	vst v24  }
0x269: {  	v24 =	vld [tilespmem:$0x41C0];
	[tilespmem:s22+$0xFFFFFFC0] =	vst v47  }
0x26a: {  	v22 =	vld [tilespmem:$0x41C0]  }
0x26b: {  	v26 =	vadd.s32 s17, v46  }
0x26c: {  	v26 =	vadd.s32 v4, v26;
	v25 =	vadd.s32 s23, v25  }
0x26d: {  	v25 =	vadd.s32 v4, v25;
	v23 =	vadd.s32 s2, v48  }
0x26e: {  	v24 =	vadd.s32 s15, v24;
	v23 =	vadd.s32 v4, v23  }
0x26f: {  	v24 =	vadd.s32 v4, v24;
	v22 =	vadd.s32 s7, v22  }
0x270: {  	v21 =	vld.idx.msk [tilespmem:v21+s20+$0x0], $0xffff;
	v22 =	vadd.s32 v4, v22  }
0x271: {  	v26 =	vld.idx.msk [tilespmem:v26+s20+$0x0], $0xffff  }
0x272: {  	v25 =	vld.idx.msk [tilespmem:v25+s20+$0x0], $0xffff  }
0x273: {  	v23 =	vld.idx.msk [tilespmem:v23+s20+$0x0], $0xffff  }
0x274: {  	v24 =	vld.idx.msk [tilespmem:v24+s20+$0x0], $0xffff  }
0x275: {  	v21 =	vadd.f32 v21, v12;
	v22 =	vld.idx.msk [tilespmem:v22+s20+$0x0], $0xffff  }
0x276: {  	v26 =	vadd.f32 v26, v13  }
0x277: {  	[tilespmem:s14+$0xFFFFFFD0] =	vst v21;
	v49 =	vadd.f32 v25, v14  }
0x278: {  	v50 =	vld [tilespmem:$0x41D0];
	[tilespmem:s19+$0xFFFFFFD0] =	vst v26;
	v23 =	vadd.f32 v23, v15  }
0x279: {  	v26 =	vld [tilespmem:$0x41D0];
	[tilespmem:s16+$0xFFFFFFD0] =	vst v49;
	v51 =	vadd.f32 v24, v16  }
0x27a: {  	v52 =	vld [tilespmem:$0x41D0];
	[tilespmem:s5+$0xFFFFFFD0] =	vst v23;
	v22 =	vadd.f32 v22, v17  }
0x27b: {  	[tilespmem:s25+$0xFFFFFFD0] =	vst v51;
	v23 =	vld [tilespmem:$0x41D0]  }
0x27c: {  	v20 =	vadd.s32 s10, v20;
	v21 =	vld [tilespmem:$0x41D0];
	[tilespmem:s22+$0xFFFFFFD0] =	vst v22  }
0x27d: {  	v20 =	vadd.s32 v5, v20;
	v53 =	vadd.s32 s11, v50;
	v54 =	vld [tilespmem:$0x41D0]  }
0x27e: {  	v26 =	vadd.s32 s17, v26;
	v22 =	vadd.s32 v5, v53  }
0x27f: {  	v26 =	vadd.s32 v5, v26;
	v24 =	vadd.s32 s23, v52  }
0x280: {  	v24 =	vadd.s32 v5, v24;
	v23 =	vadd.s32 s2, v23  }
0x281: {  	v21 =	vadd.s32 s15, v21;
	v23 =	vadd.s32 v5, v23  }
0x282: {  	v20 =	vld.idx.msk [tilespmem:v20+s20+$0x0], $0xffff;
	v21 =	vadd.s32 v5, v21;
	v25 =	vadd.s32 s7, v54  }
0x283: {  	v22 =	vld.idx.msk [tilespmem:v22+s20+$0x0], $0xffff;
	v25 =	vadd.s32 v5, v25  }
0x284: {  	v26 =	vld.idx.msk [tilespmem:v26+s20+$0x0], $0xffff  }
0x285: {  	v24 =	vld.idx.msk [tilespmem:v24+s20+$0x0], $0xffff  }
0x286: {  	v23 =	vld.idx.msk [tilespmem:v23+s20+$0x0], $0xffff  }
0x287: {  	v20 =	vadd.f32 v20, v11;
	v21 =	vld.idx.msk [tilespmem:v21+s20+$0x0], $0xffff  }
0x288: {  	v22 =	vadd.f32 v22, v12;
	v25 =	vld.idx.msk [tilespmem:v25+s20+$0x0], $0xffff  }
0x289: {  	v27 =	vld [tilespmem:$0x41E0];
	[tilespmem:s12+$0xFFFFFFE0] =	vst v20;
	v55 =	vadd.f32 v26, v13  }
0x28a: {  	v56 =	vld [tilespmem:$0x41E0];
	v57 =	vadd.f32 v24, v14;
	[tilespmem:s14+$0xFFFFFFE0] =	vst v22  }
0x28b: {  	[tilespmem:s19+$0xFFFFFFE0] =	vst v55;
	v59 =	vadd.f32 v23, v15;
	v58 =	vld [tilespmem:$0x41E0]  }
0x28c: {  	v60 =	vld [tilespmem:$0x41E0];
	[tilespmem:s16+$0xFFFFFFE0] =	vst v57;
	v21 =	vadd.f32 v21, v16  }
0x28d: {  	[tilespmem:s5+$0xFFFFFFE0] =	vst v59;
	v22 =	vld [tilespmem:$0x41E0];
	v61 =	vadd.f32 v25, v17  }
0x28e: {  	v62 =	vadd.s32 s9, v27;
	[tilespmem:s25+$0xFFFFFFE0] =	vst v21;
	v63 =	vld [tilespmem:$0x41E0]  }
0x28f: {  	v30 =	vadd.s32 v6, v62;
	v31 =	vadd.s32 s10, v56;
	v32 =	vld [tilespmem:$0x41E0];
	[tilespmem:s22+$0xFFFFFFE0] =	vst v61  }
0x290: {  	v19 =	vadd.f32 v19, v9;
	v33 =	vadd.s32 v6, v31;
	v24 =	vadd.s32 s11, v58;
	v34 =	vld [tilespmem:$0x41E0]  }
0x291: {  	v23 =	vadd.s32 s17, v60;
	v24 =	vadd.s32 v6, v24  }
0x292: {  	[tilespmem:s6+$0xFFFFFFF0] =	vst v19;
	v35 =	vadd.s32 v6, v23;
	v22 =	vadd.s32 s23, v22  }
0x293: {  	v36 =	vld [tilespmem:$0x41F0];
	v27 =	vadd.s32 s2, v63;
	v22 =	vadd.s32 v6, v22  }
0x294: {  	v21 =	vld.idx.msk [tilespmem:v30+s20+$0x0], $0xffff;
	v26 =	vadd.s32 s15, v32;
	v27 =	vadd.s32 v6, v27  }
0x295: {  	v20 =	vld.idx.msk [tilespmem:v33+s20+$0x0], $0xffff;
	v26 =	vadd.s32 v6, v26;
	v25 =	vadd.s32 s7, v34  }
0x296: {  	v24 =	vld.idx.msk [tilespmem:v24+s20+$0x0], $0xffff;
	v25 =	vadd.s32 v6, v25  }
0x297: {  	v19 =	vld.idx.msk [tilespmem:v35+s20+$0x0], $0xffff  }
0x298: {  	v22 =	vld.idx.msk [tilespmem:v22+s20+$0x0], $0xffff  }
0x299: {  	v21 =	vadd.f32 v21, v10;
	v27 =	vld.idx.msk [tilespmem:v27+s20+$0x0], $0xffff  }
0x29a: {  	v20 =	vadd.f32 v20, v11;
	v26 =	vld.idx.msk [tilespmem:v26+s20+$0x0], $0xffff  }
0x29b: {  	[tilespmem:s3+$0xFFFFFFF0] =	vst v21;
	v37 =	vadd.f32 v24, v12;
	v38 =	vld.idx.msk [tilespmem:v25+s20+$0x0], $0xffff  }
0x29c: {  	[tilespmem:s12+$0xFFFFFFF0] =	vst v20;
	v39 =	vld [tilespmem:$0x41F0];
	v19 =	vadd.f32 v19, v13  }
0x29d: {  	v20 =	vld [tilespmem:$0x41F0];
	v40 =	vadd.f32 v22, v14;
	[tilespmem:s14+$0xFFFFFFF0] =	vst v37  }
0x29e: {  	[tilespmem:s19+$0xFFFFFFF0] =	vst v19;
	v42 =	vadd.f32 v27, v15;
	v41 =	vld [tilespmem:$0x41F0]  }
0x29f: {  	v43 =	vld [tilespmem:$0x41F0];
	v44 =	vadd.f32 v26, v16;
	[tilespmem:s16+$0xFFFFFFF0] =	vst v40  }
0x2a0: {  	v23 =	vadd.s32 s8, v36;
	[tilespmem:s5+$0xFFFFFFF0] =	vst v42;
	v45 =	vld [tilespmem:$0x41F0];
	v46 =	vadd.f32 v38, v17  }
0x2a1: {  	v23 =	vadd.s32 v7, v23;
	v47 =	vadd.s32 s9, v39;
	[tilespmem:s25+$0xFFFFFFF0] =	vst v44;
	v48 =	vld [tilespmem:$0x41F0]  }
0x2a2: {  	v20 =	vadd.s32 s10, v20;
	v49 =	vadd.s32 v7, v47;
	v50 =	vld [tilespmem:$0x41F0];
	[tilespmem:s22+$0xFFFFFFF0] =	vst v46  }
0x2a3: {  	v51 =	vadd.s32 v7, v20;
	v52 =	vadd.s32 s11, v41;
	v53 =	vld [tilespmem:$0x41F0]  }
0x2a4: {  	v27 =	vadd.s32 s17, v43;
	v20 =	vadd.s32 v7, v52  }
0x2a5: {  	v27 =	vadd.s32 v7, v27;
	v26 =	vadd.s32 s23, v45  }
0x2a6: {  	v23 =	vld.idx.msk [tilespmem:v23+s20+$0x0], $0xffff;
	v25 =	vadd.s32 s2, v48;
	v26 =	vadd.s32 v7, v26  }
0x2a7: {  	v21 =	vld.idx.msk [tilespmem:v49+s20+$0x0], $0xffff;
	v24 =	vadd.s32 s15, v50;
	v25 =	vadd.s32 v7, v25  }
0x2a8: {  	v19 =	vld.idx.msk [tilespmem:v51+s20+$0x0], $0xffff;
	v24 =	vadd.s32 v7, v24;
	v22 =	vadd.s32 s7, v53  }
0x2a9: {  	v20 =	vld.idx.msk [tilespmem:v20+s20+$0x0], $0xffff;
	v22 =	vadd.s32 v7, v22  }
0x2aa: {  	v8 =	vadd.f32 v18, v8;
	v54 =	vld.idx.msk [tilespmem:v27+s20+$0x0], $0xffff  }
0x2ab: {  	v55 =	vadd.f32 v23, v9;
	v56 =	vld.idx.msk [tilespmem:v26+s20+$0x0], $0xffff  }
0x2ac: {  	[tilespmem:s1+$0x0] =	vst v8;
	v8 =	vadd.f32 v21, v10;
	v57 =	vld.idx.msk [tilespmem:v25+s20+$0x0], $0xffff  }
0x2ad: {  	[tilespmem:s6+$0x0] =	vst v55;
	v58 =	vadd.f32 v19, v11;
	v59 =	vld.idx.msk [tilespmem:v24+s20+$0x0], $0xffff  }
0x2ae: {  	[tilespmem:s3+$0x0] =	vst v8;
	v8 =	vadd.f32 v20, v12;
	v60 =	vld.idx.msk [tilespmem:v22+s20+$0x0], $0xffff  }
0x2af: {  	[tilespmem:s12+$0x0] =	vst v58;
	v61 =	vadd.f32 v54, v13  }
0x2b0: {  	s30 =	sadd.s32 $0x1, s30;
	[tilespmem:s14+$0x0] =	vst v8;
	v8 =	vadd.f32 v56, v14  }
0x2b1: {  	p0 =	sne.s32 s30, $0x19;
	[tilespmem:s19+$0x0] =	vst v61;
	v62 =	vadd.f32 v57, v15  }
.Ltmp5:
0x2b2: {  	[tilespmem:s16+$0x0] =	vst v8;
	v8 =	vadd.f32 v59, v16;
	(pc) =	sbr.rel @p0 .LBB2_2-.Ltmp5, $4  }
0x2b3: {  	s0 =	sshll.u32 s0, $0xD;
	[tilespmem:s5+$0x0] =	vst v62;
	v63 =	vadd.f32 v60, v17  }
0x2b4: {  	s29 =	sadd.s32 s26, s31;
	s0 =	sand.u32 $0x1FFFE000, s0;
	[tilespmem:s25+$0x0] =	vst v8  }
0x2b5: {  	s31 =	simm.s32 $0xE200;
	s0 =	sadd.s32 s0, s29;
	[tilespmem:s22+$0x0] =	vst v63  }
0x2b6: {  	[hbm4b:s0+s28] =	stream.strided.scatter [tilespmem:s31], [sflag:$0x4], $0x2000, s24, s28, $0x38;
	[tilespmem:$0x16600] =	vst v63  }
0x2b7: {  	s0 =	simm.s32 $0x3  }
0x2b8: {  	_ =	swait.ge [sflag:s0], $0x2000  }
0x2b9: {  	[sflag:s0] =	ssyncset.done $0x0  }
0x2ba: {  	s1 =	simm.s32 $0x4;
	[sflag:s0] =	ssyncadd.s32 $0xFFFFE000  }
0x2bb: {  	_ =	swait.ge [sflag:s1], $0x2000  }
0x2bc: {  	s2 =	rddreg [dreg:$0xd]  }
0x2bd: {  	s31 =	rddreg [dreg:$0xc];
	s2 =	sadd.s32 $0x1, s2  }
0x2be: {  	p0 =	sne.s32 s2, s31  }
.Ltmp6:
0x2bf: {  	_ = 	snop;
	(pc) =	sbr.rel @p0 .LBB2_1-.Ltmp6, $3  }
0x2c0: {  	_ =	sdelay $0x1  }
0x2c1: {  	[sflag:s1] =	ssyncset.done $0x0  }
0x2c2: {  	[sflag:s1] =	ssyncadd.s32 $0xFFFFE000  }
0x2c3: {  	_ =	sfence.sel $0x180000  }
0x2c4: {  	[bflag:$0x0] =	sbarrier.arrive $0xFFFF  }
0x2c5: {  	_ =	strace $0x90000047  }
0x2c6: {  	s0 =	stileid.u32;
	[bflag:$0x2] =	sbarrier.arrive $0xFFFF  }
0x2c7: {  	p0 =	sne.s32 s0, $0x0;
	s0 =	rddreg [dreg:$0x3]  }
0x2c8: {  	s0 =	sadd.s32 @!p0 $0x100000, s0  }
0x2c9: {  	[sflag:s0] =	ssyncadd.tile.s32 @!p0 $0x1;
	_ =	shalt  }
.Lfunc_end2:
_tile_overlayer_lowered:
.L_overlay_start_2:
0x2ca: {  	(tag) =	ssettag $0x2  }
0x2cb: {  	s0 =	rddreg [dreg:$0x0];
	s2 =	stileid.u32  }
0x2cc: {  	s1 =	rddreg [dreg:$0x1];
	p0 =	sne.s32 s2, $0x0  }
0x2cd: {  	s3 =	rddreg [dreg:$0x2];
	[bflag:$0x3] =	sbarrier.arrive $0xFFFF;
	s2 =	simm.s32 @!p0 $0x1C05  }
0x2ce: {  	[timem:s3], [sflag:s2] =	dma.local @!p0 [hbm:s0], s1  }
0x2cf: {  	s0 =	simm.s32 @!p0 $0x5  }
0x2d0: {  	_ =	swait.ge @!p0 [sflag:s0], s1  }
0x2d1: {  	s1 =	ssub.s32 @!p0 $0x0, s1;
	[sflag:s0] =	ssyncset.done @!p0 $0x0  }
0x2d2: {  	[sflag:s0] =	ssyncadd.s32 @!p0 s1  }
0x2d3: {  	[bflag:$0x3] =	sbarrier.arrive $0xFFFF  }
0x2d4: {  	_ =	shalt  }

</sc_bundles>
